<compile_context>
chip_gen: v7x
topology: tpu7x:2x2x1
jax: 0.10.2.dev20260603
libtpu: 0.0.44.dev20260713+nightly
codegen_flags: <defaults>
</compile_context>

<pallas_src>
import functools

import jax
import jax.numpy as jnp
from jax import lax
from jax.experimental import pallas as pl
from jax.experimental.pallas import tpu as pltpu
from jax.experimental.pallas import tpu_sc as plsc

_L = 4
_K = 8192
_D = 256
_B = 16384

_BM = 512
_BN = 1024
_NB = _B // _BM

_NC = 2
_NS = 16
_NW = _NC * _NS
_ROWS_PER_W = _B // _NW
_GCHUNK = 128
_NCHUNK = _ROWS_PER_W // _GCHUNK


def _argmin_body(r_ref, rowsq_ref, embsq_ref, embt_ref, idx_ref, mind_ref):
    r = r_ref[...]
    rowsq = rowsq_ref[...]
    best = jnp.full((_BM, 1), jnp.inf, dtype=jnp.float32)
    bidx = jnp.zeros((_BM, 1), dtype=jnp.int32)
    for nb in range(_K // _BN):
        eblk = embt_ref[:, pl.ds(nb * _BN, _BN)]
        mm = lax.dot_general(r, eblk, (((1,), (0,)), ((), ())),
                             preferred_element_type=jnp.float32)
        esq = embsq_ref[0, :, pl.ds(nb * _BN, _BN)]
        d = (rowsq + esq) - 2.0 * mm
        cmin = jnp.min(d, axis=1, keepdims=True)
        col = lax.broadcasted_iota(jnp.int32, (_BM, _BN), 1) + (nb * _BN)
        cidx = jnp.min(jnp.where(d == cmin, col, _K), axis=1, keepdims=True)
        better = cmin < best
        bidx = jnp.where(better, cidx, bidx)
        best = jnp.where(better, cmin, best)
    idx_ref[0, :, :] = bidx
    mind_ref[0, :, :] = best


def _argmin_level(r, rowsq, embsq3, embt):
    return pl.pallas_call(
        _argmin_body,
        grid=(_NB,),
        in_specs=[
            pl.BlockSpec((_BM, _D), lambda m: (m, 0)),
            pl.BlockSpec((_BM, 1), lambda m: (m, 0)),
            pl.BlockSpec((1, 1, _K), lambda m: (0, 0, 0)),
            pl.BlockSpec((_D, _K), lambda m: (0, 0)),
        ],
        out_specs=[
            pl.BlockSpec((1, _BM, 1), lambda m: (m, 0, 0)),
            pl.BlockSpec((1, _BM, 1), lambda m: (m, 0, 0)),
        ],
        out_shape=[
            jax.ShapeDtypeStruct((_NB, _BM, 1), jnp.int32),
            jax.ShapeDtypeStruct((_NB, _BM, 1), jnp.float32),
        ],
    )(r, rowsq, embsq3, embt)


def _sc_gather(table, idx):
    mesh = plsc.VectorSubcoreMesh(core_axis_name="c", subcore_axis_name="s")

    @functools.partial(
        pl.kernel,
        mesh=mesh,
        out_type=jax.ShapeDtypeStruct((_B, _D), jnp.float32),
        scratch_types=[
            pltpu.VMEM((_GCHUNK,), jnp.int32),
            pltpu.VMEM((_GCHUNK, _D), jnp.float32),
            pltpu.SemaphoreType.DMA,
        ],
    )
    def gather_kernel(table_hbm, idx_hbm, out_hbm, idx_v, rows_v, sem):
        wid = lax.axis_index("s") * _NC + lax.axis_index("c")
        for j in range(_NCHUNK):
            base = wid * _ROWS_PER_W + j * _GCHUNK
            pltpu.sync_copy(idx_hbm.at[pl.ds(base, _GCHUNK)], idx_v)
            pltpu.async_copy(table_hbm.at[idx_v], rows_v, sem).wait()
            pltpu.sync_copy(rows_v, out_hbm.at[pl.ds(base, _GCHUNK)])

    return gather_kernel(table, idx)


def _combine_body(z_ref, q0_ref, q1_ref, q2_ref, q3_ref,
                  m0_ref, m1_ref, m2_ref, m3_ref, zq_ref, loss_ref):
    m = pl.program_id(0)
    qs = ((q0_ref[...] + q1_ref[...]) + q2_ref[...]) + q3_ref[...]
    z = z_ref[...]
    zq_ref[...] = z + (qs - z)
    s = (jnp.sum(m0_ref[...]) + jnp.sum(m1_ref[...])
         + jnp.sum(m2_ref[...]) + jnp.sum(m3_ref[...]))

    @pl.when(m == 0)
    def _init():
        loss_ref[0, 0] = s

    @pl.when(m > 0)
    def _acc():
        loss_ref[0, 0] = loss_ref[0, 0] + s


def _combine(z_e, qs, minds):
    mat = pl.BlockSpec((_BM, _D), lambda m: (m, 0))
    vec = pl.BlockSpec((1, _BM, 1), lambda m: (m, 0, 0))
    return pl.pallas_call(
        _combine_body,
        grid=(_NB,),
        in_specs=[mat, mat, mat, mat, mat, vec, vec, vec, vec],
        out_specs=[
            pl.BlockSpec((_BM, _D), lambda m: (m, 0)),
            pl.BlockSpec(memory_space=pltpu.SMEM),
        ],
        out_shape=[
            jax.ShapeDtypeStruct((_B, _D), jnp.float32),
            jax.ShapeDtypeStruct((1, 1), jnp.float32),
        ],
    )(z_e, *qs, *minds)


def kernel(z_e, codebooks):
    embsq = jnp.sum(codebooks * codebooks, axis=2)
    embt = jnp.swapaxes(codebooks.astype(jnp.bfloat16), 1, 2)

    r = z_e
    codes = []
    qs = []
    minds = []
    for l in range(_L):
        rowsq = jnp.sum(r * r, axis=1, keepdims=True)
        idx3, mind3 = _argmin_level(r, rowsq,
                                    embsq[l].reshape(1, 1, _K), embt[l])
        idx = idx3.reshape(_B)
        q = _sc_gather(codebooks[l], idx)
        codes.append(idx)
        qs.append(q)
        minds.append(mind3)
        if l + 1 < _L:
            r = r - q

    zq, losssum = _combine(z_e, qs, minds)
    vq_loss = (losssum.reshape(()) * (2.0 / (_B * _D))).astype(jnp.float32)
    return (zq, *codes, vq_loss)

# --- scband reference (transcript-rebuilt; emitter-appended) ---
"""Pipeline reference for scband-residual-vector-quantizer-63118839382729 (READ-ONLY COPY).

The authoritative reference and input builder live on the scoring server;
editing this copy changes nothing except your own understanding.
"""

import jax, jax.numpy as jnp
import numpy as np

NUM_LEVELS = 4
CODEBOOK_SIZE = 8192
EMBEDDING_DIM = 256
BATCH = 16384


def setup_inputs(seed: int = 0) -> dict:
    key = jax.random.key(seed)
    k1, k2 = jax.random.split(key)
    z_e = jax.random.normal(k1, (BATCH, EMBEDDING_DIM), dtype=jnp.float32)
    bound = 1.0 / CODEBOOK_SIZE
    codebooks = jax.random.uniform(
        k2, (NUM_LEVELS, CODEBOOK_SIZE, EMBEDDING_DIM), dtype=jnp.float32,
        minval=-bound, maxval=bound)
    return {"z_e": z_e, "codebooks": codebooks}


def reference(z_e, codebooks):
    num_levels = codebooks.shape[0]
    residual = z_e
    quantized_sum = jnp.zeros_like(z_e)
    codes = []
    vq_loss = jnp.zeros((), dtype=z_e.dtype)
    for l in range(num_levels):
        emb = codebooks[l]
        distances = (jnp.sum(residual ** 2, axis=1, keepdims=True)
                     + jnp.sum(emb ** 2, axis=1)
                     - 2.0 * residual @ emb.T)
        indices = jnp.argmin(distances, axis=1)
        q = jnp.take(emb, indices, axis=0)
        codes.append(indices)
        vq_loss = (vq_loss
                   + jnp.mean((q - jax.lax.stop_gradient(residual)) ** 2)
                   + jnp.mean((jax.lax.stop_gradient(q) - residual) ** 2))
        quantized_sum = quantized_sum + q
        residual = residual - q
    z_q_st = z_e + jax.lax.stop_gradient(quantized_sum - z_e)
    return (z_q_st, *codes, vq_loss)

if __name__ == "__main__":
    import jax
    _d = setup_inputs()
    print(jax.jit(kernel)(*tuple(_d.values())))

</pallas_src>

<mosaic_0001>
#map = affine_map<(d0, d1) -> (0, 0)>
#map1 = affine_map<(d0, d1) -> (0)>
module attributes {stable_mosaic.version = 14 : i64} {
  func.func @gather_kernel(%arg0: i32, %arg1: i32, %arg2: memref<8192x256xf32, #tpu.memory_space<hbm>>, %arg3: memref<16384xi32, #tpu.memory_space<hbm>>, %arg4: memref<16384x256xf32, #tpu.memory_space<hbm>>, %arg5: memref<128xi32, #tpu.memory_space<vmem>>, %arg6: memref<128x256xf32, #tpu.memory_space<vmem>>, %arg7: memref<!tpu.dma_semaphore, #tpu.memory_space<semaphore_mem>>) attributes {dimension_semantics = [#tpu.dimension_semantics<core_parallel>, #tpu.dimension_semantics<subcore_parallel>], iteration_bounds = array<i64: 2, 16>, scalar_prefetch = 0 : i64, scratch_operands = 3 : i64, tpu.core_type = #tpu.core_type<sc_vector_subcore>, window_params = [{transform_indices = #map}, {transform_indices = #map1}, {transform_indices = #map}]} {
    %mul3A = arith.constant 2 : i32
    %mul3A_0 = arith.muli %arg1, %mul3A : i32
    %add3A = arith.addi %mul3A_0, %arg0 : i32
    %mul3A_1 = arith.constant 512 : i32
    %mul3A_2 = arith.muli %add3A, %mul3A_1 : i32
    %add3A_3 = arith.constant 0 : i32
    %add3A_4 = arith.addi %mul3A_2, %add3A_3 : i32
    "tpu.region"() ({
      %run_scoped3A = tpu.sem_alloc : memref<!tpu.dma_semaphore, #tpu.memory_space<semaphore_mem>>
      %dma_start3A_39 = tpu.memref_slice %arg3[%add3A_4] : memref<16384xi32, #tpu.memory_space<hbm>> -> memref<128xi32, #tpu.memory_space<hbm>>
      %dma_start3A_40 = tpu.memref_slice %arg3[%add3A_4] : memref<16384xi32, #tpu.memory_space<hbm>> -> memref<128xi32, #tpu.memory_space<hbm>>
      tpu.enqueue_dma source(%dma_start3A_40 : memref<128xi32, #tpu.memory_space<hbm>>) target(%arg5 : memref<128xi32, #tpu.memory_space<vmem>>) target_semaphore(%run_scoped3A : memref<!tpu.dma_semaphore, #tpu.memory_space<semaphore_mem>>)
      %dma_wait3A_41 = tpu.memref_slice %arg3[%add3A_4] : memref<16384xi32, #tpu.memory_space<hbm>> -> memref<128xi32, #tpu.memory_space<hbm>>
      %dma_wait3A_42 = tpu.memref_slice %arg3[%add3A_4] : memref<16384xi32, #tpu.memory_space<hbm>> -> memref<128xi32, #tpu.memory_space<hbm>>
      tpu.wait_dma2 semaphore(%run_scoped3A : memref<!tpu.dma_semaphore, #tpu.memory_space<semaphore_mem>>) src(%dma_wait3A_42 : memref<128xi32, #tpu.memory_space<hbm>>) dst(%arg5 : memref<128xi32, #tpu.memory_space<vmem>>)
      tpu.yield
    }) : () -> ()
    %dma_start3A = arith.constant 0 : i32
    %dma_start3A_5 = arith.constant 0 : i32
    %dma_start3A_6 = tpu.memref_slice %arg2[%dma_start3A, %dma_start3A_5] : memref<8192x256xf32, #tpu.memory_space<hbm>> -> memref<8192x256xf32, #tpu.memory_space<hbm>>
    tpu.enqueue_indirect_dma source(%dma_start3A_6 : memref<8192x256xf32, #tpu.memory_space<hbm>>) target(%arg6 : memref<128x256xf32, #tpu.memory_space<vmem>>) offsets(%arg5 : memref<128xi32, #tpu.memory_space<vmem>>) semaphore(%arg7 : memref<!tpu.dma_semaphore, #tpu.memory_space<semaphore_mem>>)
    %dma_wait3A = arith.constant 0 : i32
    %dma_wait3A_7 = arith.constant 0 : i32
    %dma_wait3A_8 = tpu.memref_slice %arg2[%dma_wait3A, %dma_wait3A_7] : memref<8192x256xf32, #tpu.memory_space<hbm>> -> memref<8192x256xf32, #tpu.memory_space<hbm>>
    tpu.wait_indirect_dma semaphore(%arg7 : memref<!tpu.dma_semaphore, #tpu.memory_space<semaphore_mem>>) src(%dma_wait3A_8 : memref<8192x256xf32, #tpu.memory_space<hbm>>) dst(%arg6 : memref<128x256xf32, #tpu.memory_space<vmem>>)
    "tpu.region"() ({
      %run_scoped3A = tpu.sem_alloc : memref<!tpu.dma_semaphore, #tpu.memory_space<semaphore_mem>>
      %dma_start3A_39 = arith.constant 0 : i32
      %dma_start3A_40 = tpu.memref_slice %arg4[%add3A_4, %dma_start3A_39] : memref<16384x256xf32, #tpu.memory_space<hbm>> -> memref<128x256xf32, #tpu.memory_space<hbm>>
      %dma_start3A_41 = arith.constant 0 : i32
      %dma_start3A_42 = tpu.memref_slice %arg4[%add3A_4, %dma_start3A_41] : memref<16384x256xf32, #tpu.memory_space<hbm>> -> memref<128x256xf32, #tpu.memory_space<hbm>>
      tpu.enqueue_dma source(%arg6 : memref<128x256xf32, #tpu.memory_space<vmem>>) target(%dma_start3A_42 : memref<128x256xf32, #tpu.memory_space<hbm>>) target_semaphore(%run_scoped3A : memref<!tpu.dma_semaphore, #tpu.memory_space<semaphore_mem>>)
      %dma_wait3A_43 = arith.constant 0 : i32
      %dma_wait3A_44 = tpu.memref_slice %arg4[%add3A_4, %dma_wait3A_43] : memref<16384x256xf32, #tpu.memory_space<hbm>> -> memref<128x256xf32, #tpu.memory_space<hbm>>
      %dma_wait3A_45 = arith.constant 0 : i32
      %dma_wait3A_46 = tpu.memref_slice %arg4[%add3A_4, %dma_wait3A_45] : memref<16384x256xf32, #tpu.memory_space<hbm>> -> memref<128x256xf32, #tpu.memory_space<hbm>>
      tpu.wait_dma2 semaphore(%run_scoped3A : memref<!tpu.dma_semaphore, #tpu.memory_space<semaphore_mem>>) src(%arg6 : memref<128x256xf32, #tpu.memory_space<vmem>>) dst(%dma_wait3A_46 : memref<128x256xf32, #tpu.memory_space<hbm>>)
      tpu.yield
    }) : () -> ()
    %mul3A_9 = arith.constant 512 : i32
    %mul3A_10 = arith.muli %add3A, %mul3A_9 : i32
    %add3A_11 = arith.constant 128 : i32
    %add3A_12 = arith.addi %mul3A_10, %add3A_11 : i32
    "tpu.region"() ({
      %run_scoped3A = tpu.sem_alloc : memref<!tpu.dma_semaphore, #tpu.memory_space<semaphore_mem>>
      %dma_start3A_39 = tpu.memref_slice %arg3[%add3A_12] : memref<16384xi32, #tpu.memory_space<hbm>> -> memref<128xi32, #tpu.memory_space<hbm>>
      %dma_start3A_40 = tpu.memref_slice %arg3[%add3A_12] : memref<16384xi32, #tpu.memory_space<hbm>> -> memref<128xi32, #tpu.memory_space<hbm>>
      tpu.enqueue_dma source(%dma_start3A_40 : memref<128xi32, #tpu.memory_space<hbm>>) target(%arg5 : memref<128xi32, #tpu.memory_space<vmem>>) target_semaphore(%run_scoped3A : memref<!tpu.dma_semaphore, #tpu.memory_space<semaphore_mem>>)
      %dma_wait3A_41 = tpu.memref_slice %arg3[%add3A_12] : memref<16384xi32, #tpu.memory_space<hbm>> -> memref<128xi32, #tpu.memory_space<hbm>>
      %dma_wait3A_42 = tpu.memref_slice %arg3[%add3A_12] : memref<16384xi32, #tpu.memory_space<hbm>> -> memref<128xi32, #tpu.memory_space<hbm>>
      tpu.wait_dma2 semaphore(%run_scoped3A : memref<!tpu.dma_semaphore, #tpu.memory_space<semaphore_mem>>) src(%dma_wait3A_42 : memref<128xi32, #tpu.memory_space<hbm>>) dst(%arg5 : memref<128xi32, #tpu.memory_space<vmem>>)
      tpu.yield
    }) : () -> ()
    %dma_start3A_13 = arith.constant 0 : i32
    %dma_start3A_14 = arith.constant 0 : i32
    %dma_start3A_15 = tpu.memref_slice %arg2[%dma_start3A_13, %dma_start3A_14] : memref<8192x256xf32, #tpu.memory_space<hbm>> -> memref<8192x256xf32, #tpu.memory_space<hbm>>
    tpu.enqueue_indirect_dma source(%dma_start3A_15 : memref<8192x256xf32, #tpu.memory_space<hbm>>) target(%arg6 : memref<128x256xf32, #tpu.memory_space<vmem>>) offsets(%arg5 : memref<128xi32, #tpu.memory_space<vmem>>) semaphore(%arg7 : memref<!tpu.dma_semaphore, #tpu.memory_space<semaphore_mem>>)
    %dma_wait3A_16 = arith.constant 0 : i32
    %dma_wait3A_17 = arith.constant 0 : i32
    %dma_wait3A_18 = tpu.memref_slice %arg2[%dma_wait3A_16, %dma_wait3A_17] : memref<8192x256xf32, #tpu.memory_space<hbm>> -> memref<8192x256xf32, #tpu.memory_space<hbm>>
    tpu.wait_indirect_dma semaphore(%arg7 : memref<!tpu.dma_semaphore, #tpu.memory_space<semaphore_mem>>) src(%dma_wait3A_18 : memref<8192x256xf32, #tpu.memory_space<hbm>>) dst(%arg6 : memref<128x256xf32, #tpu.memory_space<vmem>>)
    "tpu.region"() ({
      %run_scoped3A = tpu.sem_alloc : memref<!tpu.dma_semaphore, #tpu.memory_space<semaphore_mem>>
      %dma_start3A_39 = arith.constant 0 : i32
      %dma_start3A_40 = tpu.memref_slice %arg4[%add3A_12, %dma_start3A_39] : memref<16384x256xf32, #tpu.memory_space<hbm>> -> memref<128x256xf32, #tpu.memory_space<hbm>>
      %dma_start3A_41 = arith.constant 0 : i32
      %dma_start3A_42 = tpu.memref_slice %arg4[%add3A_12, %dma_start3A_41] : memref<16384x256xf32, #tpu.memory_space<hbm>> -> memref<128x256xf32, #tpu.memory_space<hbm>>
      tpu.enqueue_dma source(%arg6 : memref<128x256xf32, #tpu.memory_space<vmem>>) target(%dma_start3A_42 : memref<128x256xf32, #tpu.memory_space<hbm>>) target_semaphore(%run_scoped3A : memref<!tpu.dma_semaphore, #tpu.memory_space<semaphore_mem>>)
      %dma_wait3A_43 = arith.constant 0 : i32
      %dma_wait3A_44 = tpu.memref_slice %arg4[%add3A_12, %dma_wait3A_43] : memref<16384x256xf32, #tpu.memory_space<hbm>> -> memref<128x256xf32, #tpu.memory_space<hbm>>
      %dma_wait3A_45 = arith.constant 0 : i32
      %dma_wait3A_46 = tpu.memref_slice %arg4[%add3A_12, %dma_wait3A_45] : memref<16384x256xf32, #tpu.memory_space<hbm>> -> memref<128x256xf32, #tpu.memory_space<hbm>>
      tpu.wait_dma2 semaphore(%run_scoped3A : memref<!tpu.dma_semaphore, #tpu.memory_space<semaphore_mem>>) src(%arg6 : memref<128x256xf32, #tpu.memory_space<vmem>>) dst(%dma_wait3A_46 : memref<128x256xf32, #tpu.memory_space<hbm>>)
      tpu.yield
    }) : () -> ()
    %mul3A_19 = arith.constant 512 : i32
    %mul3A_20 = arith.muli %add3A, %mul3A_19 : i32
    %add3A_21 = arith.constant 256 : i32
    %add3A_22 = arith.addi %mul3A_20, %add3A_21 : i32
    "tpu.region"() ({
      %run_scoped3A = tpu.sem_alloc : memref<!tpu.dma_semaphore, #tpu.memory_space<semaphore_mem>>
      %dma_start3A_39 = tpu.memref_slice %arg3[%add3A_22] : memref<16384xi32, #tpu.memory_space<hbm>> -> memref<128xi32, #tpu.memory_space<hbm>>
      %dma_start3A_40 = tpu.memref_slice %arg3[%add3A_22] : memref<16384xi32, #tpu.memory_space<hbm>> -> memref<128xi32, #tpu.memory_space<hbm>>
      tpu.enqueue_dma source(%dma_start3A_40 : memref<128xi32, #tpu.memory_space<hbm>>) target(%arg5 : memref<128xi32, #tpu.memory_space<vmem>>) target_semaphore(%run_scoped3A : memref<!tpu.dma_semaphore, #tpu.memory_space<semaphore_mem>>)
      %dma_wait3A_41 = tpu.memref_slice %arg3[%add3A_22] : memref<16384xi32, #tpu.memory_space<hbm>> -> memref<128xi32, #tpu.memory_space<hbm>>
      %dma_wait3A_42 = tpu.memref_slice %arg3[%add3A_22] : memref<16384xi32, #tpu.memory_space<hbm>> -> memref<128xi32, #tpu.memory_space<hbm>>
      tpu.wait_dma2 semaphore(%run_scoped3A : memref<!tpu.dma_semaphore, #tpu.memory_space<semaphore_mem>>) src(%dma_wait3A_42 : memref<128xi32, #tpu.memory_space<hbm>>) dst(%arg5 : memref<128xi32, #tpu.memory_space<vmem>>)
      tpu.yield
    }) : () -> ()
    %dma_start3A_23 = arith.constant 0 : i32
    %dma_start3A_24 = arith.constant 0 : i32
    %dma_start3A_25 = tpu.memref_slice %arg2[%dma_start3A_23, %dma_start3A_24] : memref<8192x256xf32, #tpu.memory_space<hbm>> -> memref<8192x256xf32, #tpu.memory_space<hbm>>
    tpu.enqueue_indirect_dma source(%dma_start3A_25 : memref<8192x256xf32, #tpu.memory_space<hbm>>) target(%arg6 : memref<128x256xf32, #tpu.memory_space<vmem>>) offsets(%arg5 : memref<128xi32, #tpu.memory_space<vmem>>) semaphore(%arg7 : memref<!tpu.dma_semaphore, #tpu.memory_space<semaphore_mem>>)
    %dma_wait3A_26 = arith.constant 0 : i32
    %dma_wait3A_27 = arith.constant 0 : i32
    %dma_wait3A_28 = tpu.memref_slice %arg2[%dma_wait3A_26, %dma_wait3A_27] : memref<8192x256xf32, #tpu.memory_space<hbm>> -> memref<8192x256xf32, #tpu.memory_space<hbm>>
    tpu.wait_indirect_dma semaphore(%arg7 : memref<!tpu.dma_semaphore, #tpu.memory_space<semaphore_mem>>) src(%dma_wait3A_28 : memref<8192x256xf32, #tpu.memory_space<hbm>>) dst(%arg6 : memref<128x256xf32, #tpu.memory_space<vmem>>)
    "tpu.region"() ({
      %run_scoped3A = tpu.sem_alloc : memref<!tpu.dma_semaphore, #tpu.memory_space<semaphore_mem>>
      %dma_start3A_39 = arith.constant 0 : i32
      %dma_start3A_40 = tpu.memref_slice %arg4[%add3A_22, %dma_start3A_39] : memref<16384x256xf32, #tpu.memory_space<hbm>> -> memref<128x256xf32, #tpu.memory_space<hbm>>
      %dma_start3A_41 = arith.constant 0 : i32
      %dma_start3A_42 = tpu.memref_slice %arg4[%add3A_22, %dma_start3A_41] : memref<16384x256xf32, #tpu.memory_space<hbm>> -> memref<128x256xf32, #tpu.memory_space<hbm>>
      tpu.enqueue_dma source(%arg6 : memref<128x256xf32, #tpu.memory_space<vmem>>) target(%dma_start3A_42 : memref<128x256xf32, #tpu.memory_space<hbm>>) target_semaphore(%run_scoped3A : memref<!tpu.dma_semaphore, #tpu.memory_space<semaphore_mem>>)
      %dma_wait3A_43 = arith.constant 0 : i32
      %dma_wait3A_44 = tpu.memref_slice %arg4[%add3A_22, %dma_wait3A_43] : memref<16384x256xf32, #tpu.memory_space<hbm>> -> memref<128x256xf32, #tpu.memory_space<hbm>>
      %dma_wait3A_45 = arith.constant 0 : i32
      %dma_wait3A_46 = tpu.memref_slice %arg4[%add3A_22, %dma_wait3A_45] : memref<16384x256xf32, #tpu.memory_space<hbm>> -> memref<128x256xf32, #tpu.memory_space<hbm>>
      tpu.wait_dma2 semaphore(%run_scoped3A : memref<!tpu.dma_semaphore, #tpu.memory_space<semaphore_mem>>) src(%arg6 : memref<128x256xf32, #tpu.memory_space<vmem>>) dst(%dma_wait3A_46 : memref<128x256xf32, #tpu.memory_space<hbm>>)
      tpu.yield
    }) : () -> ()
    %mul3A_29 = arith.constant 512 : i32
    %mul3A_30 = arith.muli %add3A, %mul3A_29 : i32
    %add3A_31 = arith.constant 384 : i32
    %add3A_32 = arith.addi %mul3A_30, %add3A_31 : i32
    "tpu.region"() ({
      %run_scoped3A = tpu.sem_alloc : memref<!tpu.dma_semaphore, #tpu.memory_space<semaphore_mem>>
      %dma_start3A_39 = tpu.memref_slice %arg3[%add3A_32] : memref<16384xi32, #tpu.memory_space<hbm>> -> memref<128xi32, #tpu.memory_space<hbm>>
      %dma_start3A_40 = tpu.memref_slice %arg3[%add3A_32] : memref<16384xi32, #tpu.memory_space<hbm>> -> memref<128xi32, #tpu.memory_space<hbm>>
      tpu.enqueue_dma source(%dma_start3A_40 : memref<128xi32, #tpu.memory_space<hbm>>) target(%arg5 : memref<128xi32, #tpu.memory_space<vmem>>) target_semaphore(%run_scoped3A : memref<!tpu.dma_semaphore, #tpu.memory_space<semaphore_mem>>)
      %dma_wait3A_41 = tpu.memref_slice %arg3[%add3A_32] : memref<16384xi32, #tpu.memory_space<hbm>> -> memref<128xi32, #tpu.memory_space<hbm>>
      %dma_wait3A_42 = tpu.memref_slice %arg3[%add3A_32] : memref<16384xi32, #tpu.memory_space<hbm>> -> memref<128xi32, #tpu.memory_space<hbm>>
      tpu.wait_dma2 semaphore(%run_scoped3A : memref<!tpu.dma_semaphore, #tpu.memory_space<semaphore_mem>>) src(%dma_wait3A_42 : memref<128xi32, #tpu.memory_space<hbm>>) dst(%arg5 : memref<128xi32, #tpu.memory_space<vmem>>)
      tpu.yield
    }) : () -> ()
    %dma_start3A_33 = arith.constant 0 : i32
    %dma_start3A_34 = arith.constant 0 : i32
    %dma_start3A_35 = tpu.memref_slice %arg2[%dma_start3A_33, %dma_start3A_34] : memref<8192x256xf32, #tpu.memory_space<hbm>> -> memref<8192x256xf32, #tpu.memory_space<hbm>>
    tpu.enqueue_indirect_dma source(%dma_start3A_35 : memref<8192x256xf32, #tpu.memory_space<hbm>>) target(%arg6 : memref<128x256xf32, #tpu.memory_space<vmem>>) offsets(%arg5 : memref<128xi32, #tpu.memory_space<vmem>>) semaphore(%arg7 : memref<!tpu.dma_semaphore, #tpu.memory_space<semaphore_mem>>)
    %dma_wait3A_36 = arith.constant 0 : i32
    %dma_wait3A_37 = arith.constant 0 : i32
    %dma_wait3A_38 = tpu.memref_slice %arg2[%dma_wait3A_36, %dma_wait3A_37] : memref<8192x256xf32, #tpu.memory_space<hbm>> -> memref<8192x256xf32, #tpu.memory_space<hbm>>
    tpu.wait_indirect_dma semaphore(%arg7 : memref<!tpu.dma_semaphore, #tpu.memory_space<semaphore_mem>>) src(%dma_wait3A_38 : memref<8192x256xf32, #tpu.memory_space<hbm>>) dst(%arg6 : memref<128x256xf32, #tpu.memory_space<vmem>>)
    "tpu.region"() ({
      %run_scoped3A = tpu.sem_alloc : memref<!tpu.dma_semaphore, #tpu.memory_space<semaphore_mem>>
      %dma_start3A_39 = arith.constant 0 : i32
      %dma_start3A_40 = tpu.memref_slice %arg4[%add3A_32, %dma_start3A_39] : memref<16384x256xf32, #tpu.memory_space<hbm>> -> memref<128x256xf32, #tpu.memory_space<hbm>>
      %dma_start3A_41 = arith.constant 0 : i32
      %dma_start3A_42 = tpu.memref_slice %arg4[%add3A_32, %dma_start3A_41] : memref<16384x256xf32, #tpu.memory_space<hbm>> -> memref<128x256xf32, #tpu.memory_space<hbm>>
      tpu.enqueue_dma source(%arg6 : memref<128x256xf32, #tpu.memory_space<vmem>>) target(%dma_start3A_42 : memref<128x256xf32, #tpu.memory_space<hbm>>) target_semaphore(%run_scoped3A : memref<!tpu.dma_semaphore, #tpu.memory_space<semaphore_mem>>)
      %dma_wait3A_43 = arith.constant 0 : i32
      %dma_wait3A_44 = tpu.memref_slice %arg4[%add3A_32, %dma_wait3A_43] : memref<16384x256xf32, #tpu.memory_space<hbm>> -> memref<128x256xf32, #tpu.memory_space<hbm>>
      %dma_wait3A_45 = arith.constant 0 : i32
      %dma_wait3A_46 = tpu.memref_slice %arg4[%add3A_32, %dma_wait3A_45] : memref<16384x256xf32, #tpu.memory_space<hbm>> -> memref<128x256xf32, #tpu.memory_space<hbm>>
      tpu.wait_dma2 semaphore(%run_scoped3A : memref<!tpu.dma_semaphore, #tpu.memory_space<semaphore_mem>>) src(%arg6 : memref<128x256xf32, #tpu.memory_space<vmem>>) dst(%dma_wait3A_46 : memref<128x256xf32, #tpu.memory_space<hbm>>)
      tpu.yield
    }) : () -> ()
    return
  }
}

#map = affine_map<(d0, d1) -> (0, 0)>
#map1 = affine_map<(d0, d1) -> (0)>
module attributes {stable_mosaic.version = 14 : i64} {
  func.func @gather_kernel(%arg0: i32, %arg1: i32, %arg2: memref<8192x256xf32, #tpu.memory_space<hbm>>, %arg3: memref<16384xi32, #tpu.memory_space<hbm>>, %arg4: memref<16384x256xf32, #tpu.memory_space<hbm>>, %arg5: memref<128xi32, #tpu.memory_space<vmem>>, %arg6: memref<128x256xf32, #tpu.memory_space<vmem>>, %arg7: memref<!tpu.dma_semaphore, #tpu.memory_space<semaphore_mem>>) attributes {dimension_semantics = [#tpu.dimension_semantics<core_parallel>, #tpu.dimension_semantics<subcore_parallel>], iteration_bounds = array<i64: 2, 16>, scalar_prefetch = 0 : i64, scratch_operands = 3 : i64, tpu.core_type = #tpu.core_type<sc_vector_subcore>, window_params = [{transform_indices = #map}, {transform_indices = #map1}, {transform_indices = #map}]} {
    %mul3A = arith.constant 2 : i32
    %mul3A_0 = arith.muli %arg1, %mul3A : i32
    %add3A = arith.addi %mul3A_0, %arg0 : i32
    %mul3A_1 = arith.constant 512 : i32
    %mul3A_2 = arith.muli %add3A, %mul3A_1 : i32
    %add3A_3 = arith.constant 0 : i32
    %add3A_4 = arith.addi %mul3A_2, %add3A_3 : i32
    "tpu.region"() ({
      %run_scoped3A = tpu.sem_alloc : memref<!tpu.dma_semaphore, #tpu.memory_space<semaphore_mem>>
      %dma_start3A_39 = tpu.memref_slice %arg3[%add3A_4] : memref<16384xi32, #tpu.memory_space<hbm>> -> memref<128xi32, #tpu.memory_space<hbm>>
      %dma_start3A_40 = tpu.memref_slice %arg3[%add3A_4] : memref<16384xi32, #tpu.memory_space<hbm>> -> memref<128xi32, #tpu.memory_space<hbm>>
      tpu.enqueue_dma source(%dma_start3A_40 : memref<128xi32, #tpu.memory_space<hbm>>) target(%arg5 : memref<128xi32, #tpu.memory_space<vmem>>) target_semaphore(%run_scoped3A : memref<!tpu.dma_semaphore, #tpu.memory_space<semaphore_mem>>)
      %dma_wait3A_41 = tpu.memref_slice %arg3[%add3A_4] : memref<16384xi32, #tpu.memory_space<hbm>> -> memref<128xi32, #tpu.memory_space<hbm>>
      %dma_wait3A_42 = tpu.memref_slice %arg3[%add3A_4] : memref<16384xi32, #tpu.memory_space<hbm>> -> memref<128xi32, #tpu.memory_space<hbm>>
      tpu.wait_dma2 semaphore(%run_scoped3A : memref<!tpu.dma_semaphore, #tpu.memory_space<semaphore_mem>>) src(%dma_wait3A_42 : memref<128xi32, #tpu.memory_space<hbm>>) dst(%arg5 : memref<128xi32, #tpu.memory_space<vmem>>)
      tpu.yield
    }) : () -> ()
    %dma_start3A = arith.constant 0 : i32
    %dma_start3A_5 = arith.constant 0 : i32
    %dma_start3A_6 = tpu.memref_slice %arg2[%dma_start3A, %dma_start3A_5] : memref<8192x256xf32, #tpu.memory_space<hbm>> -> memref<8192x256xf32, #tpu.memory_space<hbm>>
    tpu.enqueue_indirect_dma source(%dma_start3A_6 : memref<8192x256xf32, #tpu.memory_space<hbm>>) target(%arg6 : memref<128x256xf32, #tpu.memory_space<vmem>>) offsets(%arg5 : memref<128xi32, #tpu.memory_space<vmem>>) semaphore(%arg7 : memref<!tpu.dma_semaphore, #tpu.memory_space<semaphore_mem>>)
    %dma_wait3A = arith.constant 0 : i32
    %dma_wait3A_7 = arith.constant 0 : i32
    %dma_wait3A_8 = tpu.memref_slice %arg2[%dma_wait3A, %dma_wait3A_7] : memref<8192x256xf32, #tpu.memory_space<hbm>> -> memref<8192x256xf32, #tpu.memory_space<hbm>>
    tpu.wait_indirect_dma semaphore(%arg7 : memref<!tpu.dma_semaphore, #tpu.memory_space<semaphore_mem>>) src(%dma_wait3A_8 : memref<8192x256xf32, #tpu.memory_space<hbm>>) dst(%arg6 : memref<128x256xf32, #tpu.memory_space<vmem>>)
    "tpu.region"() ({
      %run_scoped3A = tpu.sem_alloc : memref<!tpu.dma_semaphore, #tpu.memory_space<semaphore_mem>>
      %dma_start3A_39 = arith.constant 0 : i32
      %dma_start3A_40 = tpu.memref_slice %arg4[%add3A_4, %dma_start3A_39] : memref<16384x256xf32, #tpu.memory_space<hbm>> -> memref<128x256xf32, #tpu.memory_space<hbm>>
      %dma_start3A_41 = arith.constant 0 : i32
      %dma_start3A_42 = tpu.memref_slice %arg4[%add3A_4, %dma_start3A_41] : memref<16384x256xf32, #tpu.memory_space<hbm>> -> memref<128x256xf32, #tpu.memory_space<hbm>>
      tpu.enqueue_dma source(%arg6 : memref<128x256xf32, #tpu.memory_space<vmem>>) target(%dma_start3A_42 : memref<128x256xf32, #tpu.memory_space<hbm>>) target_semaphore(%run_scoped3A : memref<!tpu.dma_semaphore, #tpu.memory_space<semaphore_mem>>)
      %dma_wait3A_43 = arith.constant 0 : i32
      %dma_wait3A_44 = tpu.memref_slice %arg4[%add3A_4, %dma_wait3A_43] : memref<16384x256xf32, #tpu.memory_space<hbm>> -> memref<128x256xf32, #tpu.memory_space<hbm>>
      %dma_wait3A_45 = arith.constant 0 : i32
      %dma_wait3A_46 = tpu.memref_slice %arg4[%add3A_4, %dma_wait3A_45] : memref<16384x256xf32, #tpu.memory_space<hbm>> -> memref<128x256xf32, #tpu.memory_space<hbm>>
      tpu.wait_dma2 semaphore(%run_scoped3A : memref<!tpu.dma_semaphore, #tpu.memory_space<semaphore_mem>>) src(%arg6 : memref<128x256xf32, #tpu.memory_space<vmem>>) dst(%dma_wait3A_46 : memref<128x256xf32, #tpu.memory_space<hbm>>)
      tpu.yield
    }) : () -> ()
    %mul3A_9 = arith.constant 512 : i32
    %mul3A_10 = arith.muli %add3A, %mul3A_9 : i32
    %add3A_11 = arith.constant 128 : i32
    %add3A_12 = arith.addi %mul3A_10, %add3A_11 : i32
    "tpu.region"() ({
      %run_scoped3A = tpu.sem_alloc : memref<!tpu.dma_semaphore, #tpu.memory_space<semaphore_mem>>
      %dma_start3A_39 = tpu.memref_slice %arg3[%add3A_12] : memref<16384xi32, #tpu.memory_space<hbm>> -> memref<128xi32, #tpu.memory_space<hbm>>
      %dma_start3A_40 = tpu.memref_slice %arg3[%add3A_12] : memref<16384xi32, #tpu.memory_space<hbm>> -> memref<128xi32, #tpu.memory_space<hbm>>
      tpu.enqueue_dma source(%dma_start3A_40 : memref<128xi32, #tpu.memory_space<hbm>>) target(%arg5 : memref<128xi32, #tpu.memory_space<vmem>>) target_semaphore(%run_scoped3A : memref<!tpu.dma_semaphore, #tpu.memory_space<semaphore_mem>>)
      %dma_wait3A_41 = tpu.memref_slice %arg3[%add3A_12] : memref<16384xi32, #tpu.memory_space<hbm>> -> memref<128xi32, #tpu.memory_space<hbm>>
      %dma_wait3A_42 = tpu.memref_slice %arg3[%add3A_12] : memref<16384xi32, #tpu.memory_space<hbm>> -> memref<128xi32, #tpu.memory_space<hbm>>
      tpu.wait_dma2 semaphore(%run_scoped3A : memref<!tpu.dma_semaphore, #tpu.memory_space<semaphore_mem>>) src(%dma_wait3A_42 : memref<128xi32, #tpu.memory_space<hbm>>) dst(%arg5 : memref<128xi32, #tpu.memory_space<vmem>>)
      tpu.yield
    }) : () -> ()
    %dma_start3A_13 = arith.constant 0 : i32
    %dma_start3A_14 = arith.constant 0 : i32
    %dma_start3A_15 = tpu.memref_slice %arg2[%dma_start3A_13, %dma_start3A_14] : memref<8192x256xf32, #tpu.memory_space<hbm>> -> memref<8192x256xf32, #tpu.memory_space<hbm>>
    tpu.enqueue_indirect_dma source(%dma_start3A_15 : memref<8192x256xf32, #tpu.memory_space<hbm>>) target(%arg6 : memref<128x256xf32, #tpu.memory_space<vmem>>) offsets(%arg5 : memref<128xi32, #tpu.memory_space<vmem>>) semaphore(%arg7 : memref<!tpu.dma_semaphore, #tpu.memory_space<semaphore_mem>>)
    %dma_wait3A_16 = arith.constant 0 : i32
    %dma_wait3A_17 = arith.constant 0 : i32
    %dma_wait3A_18 = tpu.memref_slice %arg2[%dma_wait3A_16, %dma_wait3A_17] : memref<8192x256xf32, #tpu.memory_space<hbm>> -> memref<8192x256xf32, #tpu.memory_space<hbm>>
    tpu.wait_indirect_dma semaphore(%arg7 : memref<!tpu.dma_semaphore, #tpu.memory_space<semaphore_mem>>) src(%dma_wait3A_18 : memref<8192x256xf32, #tpu.memory_space<hbm>>) dst(%arg6 : memref<128x256xf32, #tpu.memory_space<vmem>>)
    "tpu.region"() ({
      %run_scoped3A = tpu.sem_alloc : memref<!tpu.dma_semaphore, #tpu.memory_space<semaphore_mem>>
      %dma_start3A_39 = arith.constant 0 : i32
      %dma_start3A_40 = tpu.memref_slice %arg4[%add3A_12, %dma_start3A_39] : memref<16384x256xf32, #tpu.memory_space<hbm>> -> memref<128x256xf32, #tpu.memory_space<hbm>>
      %dma_start3A_41 = arith.constant 0 : i32
      %dma_start3A_42 = tpu.memref_slice %arg4[%add3A_12, %dma_start3A_41] : memref<16384x256xf32, #tpu.memory_space<hbm>> -> memref<128x256xf32, #tpu.memory_space<hbm>>
      tpu.enqueue_dma source(%arg6 : memref<128x256xf32, #tpu.memory_space<vmem>>) target(%dma_start3A_42 : memref<128x256xf32, #tpu.memory_space<hbm>>) target_semaphore(%run_scoped3A : memref<!tpu.dma_semaphore, #tpu.memory_space<semaphore_mem>>)
      %dma_wait3A_43 = arith.constant 0 : i32
      %dma_wait3A_44 = tpu.memref_slice %arg4[%add3A_12, %dma_wait3A_43] : memref<16384x256xf32, #tpu.memory_space<hbm>> -> memref<128x256xf32, #tpu.memory_space<hbm>>
      %dma_wait3A_45 = arith.constant 0 : i32
      %dma_wait3A_46 = tpu.memref_slice %arg4[%add3A_12, %dma_wait3A_45] : memref<16384x256xf32, #tpu.memory_space<hbm>> -> memref<128x256xf32, #tpu.memory_space<hbm>>
      tpu.wait_dma2 semaphore(%run_scoped3A : memref<!tpu.dma_semaphore, #tpu.memory_space<semaphore_mem>>) src(%arg6 : memref<128x256xf32, #tpu.memory_space<vmem>>) dst(%dma_wait3A_46 : memref<128x256xf32, #tpu.memory_space<hbm>>)
      tpu.yield
    }) : () -> ()
    %mul3A_19 = arith.constant 512 : i32
    %mul3A_20 = arith.muli %add3A, %mul3A_19 : i32
    %add3A_21 = arith.constant 256 : i32
    %add3A_22 = arith.addi %mul3A_20, %add3A_21 : i32
    "tpu.region"() ({
      %run_scoped3A = tpu.sem_alloc : memref<!tpu.dma_semaphore, #tpu.memory_space<semaphore_mem>>
      %dma_start3A_39 = tpu.memref_slice %arg3[%add3A_22] : memref<16384xi32, #tpu.memory_space<hbm>> -> memref<128xi32, #tpu.memory_space<hbm>>
      %dma_start3A_40 = tpu.memref_slice %arg3[%add3A_22] : memref<16384xi32, #tpu.memory_space<hbm>> -> memref<128xi32, #tpu.memory_space<hbm>>
      tpu.enqueue_dma source(%dma_start3A_40 : memref<128xi32, #tpu.memory_space<hbm>>) target(%arg5 : memref<128xi32, #tpu.memory_space<vmem>>) target_semaphore(%run_scoped3A : memref<!tpu.dma_semaphore, #tpu.memory_space<semaphore_mem>>)
      %dma_wait3A_41 = tpu.memref_slice %arg3[%add3A_22] : memref<16384xi32, #tpu.memory_space<hbm>> -> memref<128xi32, #tpu.memory_space<hbm>>
      %dma_wait3A_42 = tpu.memref_slice %arg3[%add3A_22] : memref<16384xi32, #tpu.memory_space<hbm>> -> memref<128xi32, #tpu.memory_space<hbm>>
      tpu.wait_dma2 semaphore(%run_scoped3A : memref<!tpu.dma_semaphore, #tpu.memory_space<semaphore_mem>>) src(%dma_wait3A_42 : memref<128xi32, #tpu.memory_space<hbm>>) dst(%arg5 : memref<128xi32, #tpu.memory_space<vmem>>)
      tpu.yield
    }) : () -> ()
    %dma_start3A_23 = arith.constant 0 : i32
    %dma_start3A_24 = arith.constant 0 : i32
    %dma_start3A_25 = tpu.memref_slice %arg2[%dma_start3A_23, %dma_start3A_24] : memref<8192x256xf32, #tpu.memory_space<hbm>> -> memref<8192x256xf32, #tpu.memory_space<hbm>>
    tpu.enqueue_indirect_dma source(%dma_start3A_25 : memref<8192x256xf32, #tpu.memory_space<hbm>>) target(%arg6 : memref<128x256xf32, #tpu.memory_space<vmem>>) offsets(%arg5 : memref<128xi32, #tpu.memory_space<vmem>>) semaphore(%arg7 : memref<!tpu.dma_semaphore, #tpu.memory_space<semaphore_mem>>)
    %dma_wait3A_26 = arith.constant 0 : i32
    %dma_wait3A_27 = arith.constant 0 : i32
    %dma_wait3A_28 = tpu.memref_slice %arg2[%dma_wait3A_26, %dma_wait3A_27] : memref<8192x256xf32, #tpu.memory_space<hbm>> -> memref<8192x256xf32, #tpu.memory_space<hbm>>
    tpu.wait_indirect_dma semaphore(%arg7 : memref<!tpu.dma_semaphore, #tpu.memory_space<semaphore_mem>>) src(%dma_wait3A_28 : memref<8192x256xf32, #tpu.memory_space<hbm>>) dst(%arg6 : memref<128x256xf32, #tpu.memory_space<vmem>>)
    "tpu.region"() ({
      %run_scoped3A = tpu.sem_alloc : memref<!tpu.dma_semaphore, #tpu.memory_space<semaphore_mem>>
      %dma_start3A_39 = arith.constant 0 : i32
      %dma_start3A_40 = tpu.memref_slice %arg4[%add3A_22, %dma_start3A_39] : memref<16384x256xf32, #tpu.memory_space<hbm>> -> memref<128x256xf32, #tpu.memory_space<hbm>>
      %dma_start3A_41 = arith.constant 0 : i32
      %dma_start3A_42 = tpu.memref_slice %arg4[%add3A_22, %dma_start3A_41] : memref<16384x256xf32, #tpu.memory_space<hbm>> -> memref<128x256xf32, #tpu.memory_space<hbm>>
      tpu.enqueue_dma source(%arg6 : memref<128x256xf32, #tpu.memory_space<vmem>>) target(%dma_start3A_42 : memref<128x256xf32, #tpu.memory_space<hbm>>) target_semaphore(%run_scoped3A : memref<!tpu.dma_semaphore, #tpu.memory_space<semaphore_mem>>)
      %dma_wait3A_43 = arith.constant 0 : i32
      %dma_wait3A_44 = tpu.memref_slice %arg4[%add3A_22, %dma_wait3A_43] : memref<16384x256xf32, #tpu.memory_space<hbm>> -> memref<128x256xf32, #tpu.memory_space<hbm>>
      %dma_wait3A_45 = arith.constant 0 : i32
      %dma_wait3A_46 = tpu.memref_slice %arg4[%add3A_22, %dma_wait3A_45] : memref<16384x256xf32, #tpu.memory_space<hbm>> -> memref<128x256xf32, #tpu.memory_space<hbm>>
      tpu.wait_dma2 semaphore(%run_scoped3A : memref<!tpu.dma_semaphore, #tpu.memory_space<semaphore_mem>>) src(%arg6 : memref<128x256xf32, #tpu.memory_space<vmem>>) dst(%dma_wait3A_46 : memref<128x256xf32, #tpu.memory_space<hbm>>)
      tpu.yield
    }) : () -> ()
    %mul3A_29 = arith.constant 512 : i32
    %mul3A_30 = arith.muli %add3A, %mul3A_29 : i32
    %add3A_31 = arith.constant 384 : i32
    %add3A_32 = arith.addi %mul3A_30, %add3A_31 : i32
    "tpu.region"() ({
      %run_scoped3A = tpu.sem_alloc : memref<!tpu.dma_semaphore, #tpu.memory_space<semaphore_mem>>
      %dma_start3A_39 = tpu.memref_slice %arg3[%add3A_32] : memref<16384xi32, #tpu.memory_space<hbm>> -> memref<128xi32, #tpu.memory_space<hbm>>
      %dma_start3A_40 = tpu.memref_slice %arg3[%add3A_32] : memref<16384xi32, #tpu.memory_space<hbm>> -> memref<128xi32, #tpu.memory_space<hbm>>
      tpu.enqueue_dma source(%dma_start3A_40 : memref<128xi32, #tpu.memory_space<hbm>>) target(%arg5 : memref<128xi32, #tpu.memory_space<vmem>>) target_semaphore(%run_scoped3A : memref<!tpu.dma_semaphore, #tpu.memory_space<semaphore_mem>>)
      %dma_wait3A_41 = tpu.memref_slice %arg3[%add3A_32] : memref<16384xi32, #tpu.memory_space<hbm>> -> memref<128xi32, #tpu.memory_space<hbm>>
      %dma_wait3A_42 = tpu.memref_slice %arg3[%add3A_32] : memref<16384xi32, #tpu.memory_space<hbm>> -> memref<128xi32, #tpu.memory_space<hbm>>
      tpu.wait_dma2 semaphore(%run_scoped3A : memref<!tpu.dma_semaphore, #tpu.memory_space<semaphore_mem>>) src(%dma_wait3A_42 : memref<128xi32, #tpu.memory_space<hbm>>) dst(%arg5 : memref<128xi32, #tpu.memory_space<vmem>>)
      tpu.yield
    }) : () -> ()
    %dma_start3A_33 = arith.constant 0 : i32
    %dma_start3A_34 = arith.constant 0 : i32
    %dma_start3A_35 = tpu.memref_slice %arg2[%dma_start3A_33, %dma_start3A_34] : memref<8192x256xf32, #tpu.memory_space<hbm>> -> memref<8192x256xf32, #tpu.memory_space<hbm>>
    tpu.enqueue_indirect_dma source(%dma_start3A_35 : memref<8192x256xf32, #tpu.memory_space<hbm>>) target(%arg6 : memref<128x256xf32, #tpu.memory_space<vmem>>) offsets(%arg5 : memref<128xi32, #tpu.memory_space<vmem>>) semaphore(%arg7 : memref<!tpu.dma_semaphore, #tpu.memory_space<semaphore_mem>>)
    %dma_wait3A_36 = arith.constant 0 : i32
    %dma_wait3A_37 = arith.constant 0 : i32
    %dma_wait3A_38 = tpu.memref_slice %arg2[%dma_wait3A_36, %dma_wait3A_37] : memref<8192x256xf32, #tpu.memory_space<hbm>> -> memref<8192x256xf32, #tpu.memory_space<hbm>>
    tpu.wait_indirect_dma semaphore(%arg7 : memref<!tpu.dma_semaphore, #tpu.memory_space<semaphore_mem>>) src(%dma_wait3A_38 : memref<8192x256xf32, #tpu.memory_space<hbm>>) dst(%arg6 : memref<128x256xf32, #tpu.memory_space<vmem>>)
    "tpu.region"() ({
      %run_scoped3A = tpu.sem_alloc : memref<!tpu.dma_semaphore, #tpu.memory_space<semaphore_mem>>
      %dma_start3A_39 = arith.constant 0 : i32
      %dma_start3A_40 = tpu.memref_slice %arg4[%add3A_32, %dma_start3A_39] : memref<16384x256xf32, #tpu.memory_space<hbm>> -> memref<128x256xf32, #tpu.memory_space<hbm>>
      %dma_start3A_41 = arith.constant 0 : i32
      %dma_start3A_42 = tpu.memref_slice %arg4[%add3A_32, %dma_start3A_41] : memref<16384x256xf32, #tpu.memory_space<hbm>> -> memref<128x256xf32, #tpu.memory_space<hbm>>
      tpu.enqueue_dma source(%arg6 : memref<128x256xf32, #tpu.memory_space<vmem>>) target(%dma_start3A_42 : memref<128x256xf32, #tpu.memory_space<hbm>>) target_semaphore(%run_scoped3A : memref<!tpu.dma_semaphore, #tpu.memory_space<semaphore_mem>>)
      %dma_wait3A_43 = arith.constant 0 : i32
      %dma_wait3A_44 = tpu.memref_slice %arg4[%add3A_32, %dma_wait3A_43] : memref<16384x256xf32, #tpu.memory_space<hbm>> -> memref<128x256xf32, #tpu.memory_space<hbm>>
      %dma_wait3A_45 = arith.constant 0 : i32
      %dma_wait3A_46 = tpu.memref_slice %arg4[%add3A_32, %dma_wait3A_45] : memref<16384x256xf32, #tpu.memory_space<hbm>> -> memref<128x256xf32, #tpu.memory_space<hbm>>
      tpu.wait_dma2 semaphore(%run_scoped3A : memref<!tpu.dma_semaphore, #tpu.memory_space<semaphore_mem>>) src(%arg6 : memref<128x256xf32, #tpu.memory_space<vmem>>) dst(%dma_wait3A_46 : memref<128x256xf32, #tpu.memory_space<hbm>>)
      tpu.yield
    }) : () -> ()
    return
  }
}

#map = affine_map<(d0, d1) -> (0, 0)>
#map1 = affine_map<(d0, d1) -> (0)>
module attributes {stable_mosaic.version = 14 : i64} {
  func.func @gather_kernel(%arg0: i32, %arg1: i32, %arg2: memref<8192x256xf32, #tpu.memory_space<hbm>>, %arg3: memref<16384xi32, #tpu.memory_space<hbm>>, %arg4: memref<16384x256xf32, #tpu.memory_space<hbm>>, %arg5: memref<128xi32, #tpu.memory_space<vmem>>, %arg6: memref<128x256xf32, #tpu.memory_space<vmem>>, %arg7: memref<!tpu.dma_semaphore, #tpu.memory_space<semaphore_mem>>) attributes {dimension_semantics = [#tpu.dimension_semantics<core_parallel>, #tpu.dimension_semantics<subcore_parallel>], iteration_bounds = array<i64: 2, 16>, scalar_prefetch = 0 : i64, scratch_operands = 3 : i64, tpu.core_type = #tpu.core_type<sc_vector_subcore>, window_params = [{transform_indices = #map}, {transform_indices = #map1}, {transform_indices = #map}]} {
    %mul3A = arith.constant 2 : i32
    %mul3A_0 = arith.muli %arg1, %mul3A : i32
    %add3A = arith.addi %mul3A_0, %arg0 : i32
    %mul3A_1 = arith.constant 512 : i32
    %mul3A_2 = arith.muli %add3A, %mul3A_1 : i32
    %add3A_3 = arith.constant 0 : i32
    %add3A_4 = arith.addi %mul3A_2, %add3A_3 : i32
    "tpu.region"() ({
      %run_scoped3A = tpu.sem_alloc : memref<!tpu.dma_semaphore, #tpu.memory_space<semaphore_mem>>
      %dma_start3A_39 = tpu.memref_slice %arg3[%add3A_4] : memref<16384xi32, #tpu.memory_space<hbm>> -> memref<128xi32, #tpu.memory_space<hbm>>
      %dma_start3A_40 = tpu.memref_slice %arg3[%add3A_4] : memref<16384xi32, #tpu.memory_space<hbm>> -> memref<128xi32, #tpu.memory_space<hbm>>
      tpu.enqueue_dma source(%dma_start3A_40 : memref<128xi32, #tpu.memory_space<hbm>>) target(%arg5 : memref<128xi32, #tpu.memory_space<vmem>>) target_semaphore(%run_scoped3A : memref<!tpu.dma_semaphore, #tpu.memory_space<semaphore_mem>>)
      %dma_wait3A_41 = tpu.memref_slice %arg3[%add3A_4] : memref<16384xi32, #tpu.memory_space<hbm>> -> memref<128xi32, #tpu.memory_space<hbm>>
      %dma_wait3A_42 = tpu.memref_slice %arg3[%add3A_4] : memref<16384xi32, #tpu.memory_space<hbm>> -> memref<128xi32, #tpu.memory_space<hbm>>
      tpu.wait_dma2 semaphore(%run_scoped3A : memref<!tpu.dma_semaphore, #tpu.memory_space<semaphore_mem>>) src(%dma_wait3A_42 : memref<128xi32, #tpu.memory_space<hbm>>) dst(%arg5 : memref<128xi32, #tpu.memory_space<vmem>>)
      tpu.yield
    }) : () -> ()
    %dma_start3A = arith.constant 0 : i32
    %dma_start3A_5 = arith.constant 0 : i32
    %dma_start3A_6 = tpu.memref_slice %arg2[%dma_start3A, %dma_start3A_5] : memref<8192x256xf32, #tpu.memory_space<hbm>> -> memref<8192x256xf32, #tpu.memory_space<hbm>>
    tpu.enqueue_indirect_dma source(%dma_start3A_6 : memref<8192x256xf32, #tpu.memory_space<hbm>>) target(%arg6 : memref<128x256xf32, #tpu.memory_space<vmem>>) offsets(%arg5 : memref<128xi32, #tpu.memory_space<vmem>>) semaphore(%arg7 : memref<!tpu.dma_semaphore, #tpu.memory_space<semaphore_mem>>)
    %dma_wait3A = arith.constant 0 : i32
    %dma_wait3A_7 = arith.constant 0 : i32
    %dma_wait3A_8 = tpu.memref_slice %arg2[%dma_wait3A, %dma_wait3A_7] : memref<8192x256xf32, #tpu.memory_space<hbm>> -> memref<8192x256xf32, #tpu.memory_space<hbm>>
    tpu.wait_indirect_dma semaphore(%arg7 : memref<!tpu.dma_semaphore, #tpu.memory_space<semaphore_mem>>) src(%dma_wait3A_8 : memref<8192x256xf32, #tpu.memory_space<hbm>>) dst(%arg6 : memref<128x256xf32, #tpu.memory_space<vmem>>)
    "tpu.region"() ({
      %run_scoped3A = tpu.sem_alloc : memref<!tpu.dma_semaphore, #tpu.memory_space<semaphore_mem>>
      %dma_start3A_39 = arith.constant 0 : i32
      %dma_start3A_40 = tpu.memref_slice %arg4[%add3A_4, %dma_start3A_39] : memref<16384x256xf32, #tpu.memory_space<hbm>> -> memref<128x256xf32, #tpu.memory_space<hbm>>
      %dma_start3A_41 = arith.constant 0 : i32
      %dma_start3A_42 = tpu.memref_slice %arg4[%add3A_4, %dma_start3A_41] : memref<16384x256xf32, #tpu.memory_space<hbm>> -> memref<128x256xf32, #tpu.memory_space<hbm>>
      tpu.enqueue_dma source(%arg6 : memref<128x256xf32, #tpu.memory_space<vmem>>) target(%dma_start3A_42 : memref<128x256xf32, #tpu.memory_space<hbm>>) target_semaphore(%run_scoped3A : memref<!tpu.dma_semaphore, #tpu.memory_space<semaphore_mem>>)
      %dma_wait3A_43 = arith.constant 0 : i32
      %dma_wait3A_44 = tpu.memref_slice %arg4[%add3A_4, %dma_wait3A_43] : memref<16384x256xf32, #tpu.memory_space<hbm>> -> memref<128x256xf32, #tpu.memory_space<hbm>>
      %dma_wait3A_45 = arith.constant 0 : i32
      %dma_wait3A_46 = tpu.memref_slice %arg4[%add3A_4, %dma_wait3A_45] : memref<16384x256xf32, #tpu.memory_space<hbm>> -> memref<128x256xf32, #tpu.memory_space<hbm>>
      tpu.wait_dma2 semaphore(%run_scoped3A : memref<!tpu.dma_semaphore, #tpu.memory_space<semaphore_mem>>) src(%arg6 : memref<128x256xf32, #tpu.memory_space<vmem>>) dst(%dma_wait3A_46 : memref<128x256xf32, #tpu.memory_space<hbm>>)
      tpu.yield
    }) : () -> ()
    %mul3A_9 = arith.constant 512 : i32
    %mul3A_10 = arith.muli %add3A, %mul3A_9 : i32
    %add3A_11 = arith.constant 128 : i32
    %add3A_12 = arith.addi %mul3A_10, %add3A_11 : i32
    "tpu.region"() ({
      %run_scoped3A = tpu.sem_alloc : memref<!tpu.dma_semaphore, #tpu.memory_space<semaphore_mem>>
      %dma_start3A_39 = tpu.memref_slice %arg3[%add3A_12] : memref<16384xi32, #tpu.memory_space<hbm>> -> memref<128xi32, #tpu.memory_space<hbm>>
      %dma_start3A_40 = tpu.memref_slice %arg3[%add3A_12] : memref<16384xi32, #tpu.memory_space<hbm>> -> memref<128xi32, #tpu.memory_space<hbm>>
      tpu.enqueue_dma source(%dma_start3A_40 : memref<128xi32, #tpu.memory_space<hbm>>) target(%arg5 : memref<128xi32, #tpu.memory_space<vmem>>) target_semaphore(%run_scoped3A : memref<!tpu.dma_semaphore, #tpu.memory_space<semaphore_mem>>)
      %dma_wait3A_41 = tpu.memref_slice %arg3[%add3A_12] : memref<16384xi32, #tpu.memory_space<hbm>> -> memref<128xi32, #tpu.memory_space<hbm>>
      %dma_wait3A_42 = tpu.memref_slice %arg3[%add3A_12] : memref<16384xi32, #tpu.memory_space<hbm>> -> memref<128xi32, #tpu.memory_space<hbm>>
      tpu.wait_dma2 semaphore(%run_scoped3A : memref<!tpu.dma_semaphore, #tpu.memory_space<semaphore_mem>>) src(%dma_wait3A_42 : memref<128xi32, #tpu.memory_space<hbm>>) dst(%arg5 : memref<128xi32, #tpu.memory_space<vmem>>)
      tpu.yield
    }) : () -> ()
    %dma_start3A_13 = arith.constant 0 : i32
    %dma_start3A_14 = arith.constant 0 : i32
    %dma_start3A_15 = tpu.memref_slice %arg2[%dma_start3A_13, %dma_start3A_14] : memref<8192x256xf32, #tpu.memory_space<hbm>> -> memref<8192x256xf32, #tpu.memory_space<hbm>>
    tpu.enqueue_indirect_dma source(%dma_start3A_15 : memref<8192x256xf32, #tpu.memory_space<hbm>>) target(%arg6 : memref<128x256xf32, #tpu.memory_space<vmem>>) offsets(%arg5 : memref<128xi32, #tpu.memory_space<vmem>>) semaphore(%arg7 : memref<!tpu.dma_semaphore, #tpu.memory_space<semaphore_mem>>)
    %dma_wait3A_16 = arith.constant 0 : i32
    %dma_wait3A_17 = arith.constant 0 : i32
    %dma_wait3A_18 = tpu.memref_slice %arg2[%dma_wait3A_16, %dma_wait3A_17] : memref<8192x256xf32, #tpu.memory_space<hbm>> -> memref<8192x256xf32, #tpu.memory_space<hbm>>
    tpu.wait_indirect_dma semaphore(%arg7 : memref<!tpu.dma_semaphore, #tpu.memory_space<semaphore_mem>>) src(%dma_wait3A_18 : memref<8192x256xf32, #tpu.memory_space<hbm>>) dst(%arg6 : memref<128x256xf32, #tpu.memory_space<vmem>>)
    "tpu.region"() ({
      %run_scoped3A = tpu.sem_alloc : memref<!tpu.dma_semaphore, #tpu.memory_space<semaphore_mem>>
      %dma_start3A_39 = arith.constant 0 : i32
      %dma_start3A_40 = tpu.memref_slice %arg4[%add3A_12, %dma_start3A_39] : memref<16384x256xf32, #tpu.memory_space<hbm>> -> memref<128x256xf32, #tpu.memory_space<hbm>>
      %dma_start3A_41 = arith.constant 0 : i32
      %dma_start3A_42 = tpu.memref_slice %arg4[%add3A_12, %dma_start3A_41] : memref<16384x256xf32, #tpu.memory_space<hbm>> -> memref<128x256xf32, #tpu.memory_space<hbm>>
      tpu.enqueue_dma source(%arg6 : memref<128x256xf32, #tpu.memory_space<vmem>>) target(%dma_start3A_42 : memref<128x256xf32, #tpu.memory_space<hbm>>) target_semaphore(%run_scoped3A : memref<!tpu.dma_semaphore, #tpu.memory_space<semaphore_mem>>)
      %dma_wait3A_43 = arith.constant 0 : i32
      %dma_wait3A_44 = tpu.memref_slice %arg4[%add3A_12, %dma_wait3A_43] : memref<16384x256xf32, #tpu.memory_space<hbm>> -> memref<128x256xf32, #tpu.memory_space<hbm>>
      %dma_wait3A_45 = arith.constant 0 : i32
      %dma_wait3A_46 = tpu.memref_slice %arg4[%add3A_12, %dma_wait3A_45] : memref<16384x256xf32, #tpu.memory_space<hbm>> -> memref<128x256xf32, #tpu.memory_space<hbm>>
      tpu.wait_dma2 semaphore(%run_scoped3A : memref<!tpu.dma_semaphore, #tpu.memory_space<semaphore_mem>>) src(%arg6 : memref<128x256xf32, #tpu.memory_space<vmem>>) dst(%dma_wait3A_46 : memref<128x256xf32, #tpu.memory_space<hbm>>)
      tpu.yield
    }) : () -> ()
    %mul3A_19 = arith.constant 512 : i32
    %mul3A_20 = arith.muli %add3A, %mul3A_19 : i32
    %add3A_21 = arith.constant 256 : i32
    %add3A_22 = arith.addi %mul3A_20, %add3A_21 : i32
    "tpu.region"() ({
      %run_scoped3A = tpu.sem_alloc : memref<!tpu.dma_semaphore, #tpu.memory_space<semaphore_mem>>
      %dma_start3A_39 = tpu.memref_slice %arg3[%add3A_22] : memref<16384xi32, #tpu.memory_space<hbm>> -> memref<128xi32, #tpu.memory_space<hbm>>
      %dma_start3A_40 = tpu.memref_slice %arg3[%add3A_22] : memref<16384xi32, #tpu.memory_space<hbm>> -> memref<128xi32, #tpu.memory_space<hbm>>
      tpu.enqueue_dma source(%dma_start3A_40 : memref<128xi32, #tpu.memory_space<hbm>>) target(%arg5 : memref<128xi32, #tpu.memory_space<vmem>>) target_semaphore(%run_scoped3A : memref<!tpu.dma_semaphore, #tpu.memory_space<semaphore_mem>>)
      %dma_wait3A_41 = tpu.memref_slice %arg3[%add3A_22] : memref<16384xi32, #tpu.memory_space<hbm>> -> memref<128xi32, #tpu.memory_space<hbm>>
      %dma_wait3A_42 = tpu.memref_slice %arg3[%add3A_22] : memref<16384xi32, #tpu.memory_space<hbm>> -> memref<128xi32, #tpu.memory_space<hbm>>
      tpu.wait_dma2 semaphore(%run_scoped3A : memref<!tpu.dma_semaphore, #tpu.memory_space<semaphore_mem>>) src(%dma_wait3A_42 : memref<128xi32, #tpu.memory_space<hbm>>) dst(%arg5 : memref<128xi32, #tpu.memory_space<vmem>>)
      tpu.yield
    }) : () -> ()
    %dma_start3A_23 = arith.constant 0 : i32
    %dma_start3A_24 = arith.constant 0 : i32
    %dma_start3A_25 = tpu.memref_slice %arg2[%dma_start3A_23, %dma_start3A_24] : memref<8192x256xf32, #tpu.memory_space<hbm>> -> memref<8192x256xf32, #tpu.memory_space<hbm>>
    tpu.enqueue_indirect_dma source(%dma_start3A_25 : memref<8192x256xf32, #tpu.memory_space<hbm>>) target(%arg6 : memref<128x256xf32, #tpu.memory_space<vmem>>) offsets(%arg5 : memref<128xi32, #tpu.memory_space<vmem>>) semaphore(%arg7 : memref<!tpu.dma_semaphore, #tpu.memory_space<semaphore_mem>>)
    %dma_wait3A_26 = arith.constant 0 : i32
    %dma_wait3A_27 = arith.constant 0 : i32
    %dma_wait3A_28 = tpu.memref_slice %arg2[%dma_wait3A_26, %dma_wait3A_27] : memref<8192x256xf32, #tpu.memory_space<hbm>> -> memref<8192x256xf32, #tpu.memory_space<hbm>>
    tpu.wait_indirect_dma semaphore(%arg7 : memref<!tpu.dma_semaphore, #tpu.memory_space<semaphore_mem>>) src(%dma_wait3A_28 : memref<8192x256xf32, #tpu.memory_space<hbm>>) dst(%arg6 : memref<128x256xf32, #tpu.memory_space<vmem>>)
    "tpu.region"() ({
      %run_scoped3A = tpu.sem_alloc : memref<!tpu.dma_semaphore, #tpu.memory_space<semaphore_mem>>
      %dma_start3A_39 = arith.constant 0 : i32
      %dma_start3A_40 = tpu.memref_slice %arg4[%add3A_22, %dma_start3A_39] : memref<16384x256xf32, #tpu.memory_space<hbm>> -> memref<128x256xf32, #tpu.memory_space<hbm>>
      %dma_start3A_41 = arith.constant 0 : i32
      %dma_start3A_42 = tpu.memref_slice %arg4[%add3A_22, %dma_start3A_41] : memref<16384x256xf32, #tpu.memory_space<hbm>> -> memref<128x256xf32, #tpu.memory_space<hbm>>
      tpu.enqueue_dma source(%arg6 : memref<128x256xf32, #tpu.memory_space<vmem>>) target(%dma_start3A_42 : memref<128x256xf32, #tpu.memory_space<hbm>>) target_semaphore(%run_scoped3A : memref<!tpu.dma_semaphore, #tpu.memory_space<semaphore_mem>>)
      %dma_wait3A_43 = arith.constant 0 : i32
      %dma_wait3A_44 = tpu.memref_slice %arg4[%add3A_22, %dma_wait3A_43] : memref<16384x256xf32, #tpu.memory_space<hbm>> -> memref<128x256xf32, #tpu.memory_space<hbm>>
      %dma_wait3A_45 = arith.constant 0 : i32
      %dma_wait3A_46 = tpu.memref_slice %arg4[%add3A_22, %dma_wait3A_45] : memref<16384x256xf32, #tpu.memory_space<hbm>> -> memref<128x256xf32, #tpu.memory_space<hbm>>
      tpu.wait_dma2 semaphore(%run_scoped3A : memref<!tpu.dma_semaphore, #tpu.memory_space<semaphore_mem>>) src(%arg6 : memref<128x256xf32, #tpu.memory_space<vmem>>) dst(%dma_wait3A_46 : memref<128x256xf32, #tpu.memory_space<hbm>>)
      tpu.yield
    }) : () -> ()
    %mul3A_29 = arith.constant 512 : i32
    %mul3A_30 = arith.muli %add3A, %mul3A_29 : i32
    %add3A_31 = arith.constant 384 : i32
    %add3A_32 = arith.addi %mul3A_30, %add3A_31 : i32
    "tpu.region"() ({
      %run_scoped3A = tpu.sem_alloc : memref<!tpu.dma_semaphore, #tpu.memory_space<semaphore_mem>>
      %dma_start3A_39 = tpu.memref_slice %arg3[%add3A_32] : memref<16384xi32, #tpu.memory_space<hbm>> -> memref<128xi32, #tpu.memory_space<hbm>>
      %dma_start3A_40 = tpu.memref_slice %arg3[%add3A_32] : memref<16384xi32, #tpu.memory_space<hbm>> -> memref<128xi32, #tpu.memory_space<hbm>>
      tpu.enqueue_dma source(%dma_start3A_40 : memref<128xi32, #tpu.memory_space<hbm>>) target(%arg5 : memref<128xi32, #tpu.memory_space<vmem>>) target_semaphore(%run_scoped3A : memref<!tpu.dma_semaphore, #tpu.memory_space<semaphore_mem>>)
      %dma_wait3A_41 = tpu.memref_slice %arg3[%add3A_32] : memref<16384xi32, #tpu.memory_space<hbm>> -> memref<128xi32, #tpu.memory_space<hbm>>
      %dma_wait3A_42 = tpu.memref_slice %arg3[%add3A_32] : memref<16384xi32, #tpu.memory_space<hbm>> -> memref<128xi32, #tpu.memory_space<hbm>>
      tpu.wait_dma2 semaphore(%run_scoped3A : memref<!tpu.dma_semaphore, #tpu.memory_space<semaphore_mem>>) src(%dma_wait3A_42 : memref<128xi32, #tpu.memory_space<hbm>>) dst(%arg5 : memref<128xi32, #tpu.memory_space<vmem>>)
      tpu.yield
    }) : () -> ()
    %dma_start3A_33 = arith.constant 0 : i32
    %dma_start3A_34 = arith.constant 0 : i32
    %dma_start3A_35 = tpu.memref_slice %arg2[%dma_start3A_33, %dma_start3A_34] : memref<8192x256xf32, #tpu.memory_space<hbm>> -> memref<8192x256xf32, #tpu.memory_space<hbm>>
    tpu.enqueue_indirect_dma source(%dma_start3A_35 : memref<8192x256xf32, #tpu.memory_space<hbm>>) target(%arg6 : memref<128x256xf32, #tpu.memory_space<vmem>>) offsets(%arg5 : memref<128xi32, #tpu.memory_space<vmem>>) semaphore(%arg7 : memref<!tpu.dma_semaphore, #tpu.memory_space<semaphore_mem>>)
    %dma_wait3A_36 = arith.constant 0 : i32
    %dma_wait3A_37 = arith.constant 0 : i32
    %dma_wait3A_38 = tpu.memref_slice %arg2[%dma_wait3A_36, %dma_wait3A_37] : memref<8192x256xf32, #tpu.memory_space<hbm>> -> memref<8192x256xf32, #tpu.memory_space<hbm>>
    tpu.wait_indirect_dma semaphore(%arg7 : memref<!tpu.dma_semaphore, #tpu.memory_space<semaphore_mem>>) src(%dma_wait3A_38 : memref<8192x256xf32, #tpu.memory_space<hbm>>) dst(%arg6 : memref<128x256xf32, #tpu.memory_space<vmem>>)
    "tpu.region"() ({
      %run_scoped3A = tpu.sem_alloc : memref<!tpu.dma_semaphore, #tpu.memory_space<semaphore_mem>>
      %dma_start3A_39 = arith.constant 0 : i32
      %dma_start3A_40 = tpu.memref_slice %arg4[%add3A_32, %dma_start3A_39] : memref<16384x256xf32, #tpu.memory_space<hbm>> -> memref<128x256xf32, #tpu.memory_space<hbm>>
      %dma_start3A_41 = arith.constant 0 : i32
      %dma_start3A_42 = tpu.memref_slice %arg4[%add3A_32, %dma_start3A_41] : memref<16384x256xf32, #tpu.memory_space<hbm>> -> memref<128x256xf32, #tpu.memory_space<hbm>>
      tpu.enqueue_dma source(%arg6 : memref<128x256xf32, #tpu.memory_space<vmem>>) target(%dma_start3A_42 : memref<128x256xf32, #tpu.memory_space<hbm>>) target_semaphore(%run_scoped3A : memref<!tpu.dma_semaphore, #tpu.memory_space<semaphore_mem>>)
      %dma_wait3A_43 = arith.constant 0 : i32
      %dma_wait3A_44 = tpu.memref_slice %arg4[%add3A_32, %dma_wait3A_43] : memref<16384x256xf32, #tpu.memory_space<hbm>> -> memref<128x256xf32, #tpu.memory_space<hbm>>
      %dma_wait3A_45 = arith.constant 0 : i32
      %dma_wait3A_46 = tpu.memref_slice %arg4[%add3A_32, %dma_wait3A_45] : memref<16384x256xf32, #tpu.memory_space<hbm>> -> memref<128x256xf32, #tpu.memory_space<hbm>>
      tpu.wait_dma2 semaphore(%run_scoped3A : memref<!tpu.dma_semaphore, #tpu.memory_space<semaphore_mem>>) src(%arg6 : memref<128x256xf32, #tpu.memory_space<vmem>>) dst(%dma_wait3A_46 : memref<128x256xf32, #tpu.memory_space<hbm>>)
      tpu.yield
    }) : () -> ()
    return
  }
}

#map = affine_map<(d0, d1) -> (0, 0)>
#map1 = affine_map<(d0, d1) -> (0)>
module attributes {stable_mosaic.version = 14 : i64} {
  func.func @gather_kernel(%arg0: i32, %arg1: i32, %arg2: memref<8192x256xf32, #tpu.memory_space<hbm>>, %arg3: memref<16384xi32, #tpu.memory_space<hbm>>, %arg4: memref<16384x256xf32, #tpu.memory_space<hbm>>, %arg5: memref<128xi32, #tpu.memory_space<vmem>>, %arg6: memref<128x256xf32, #tpu.memory_space<vmem>>, %arg7: memref<!tpu.dma_semaphore, #tpu.memory_space<semaphore_mem>>) attributes {dimension_semantics = [#tpu.dimension_semantics<core_parallel>, #tpu.dimension_semantics<subcore_parallel>], iteration_bounds = array<i64: 2, 16>, scalar_prefetch = 0 : i64, scratch_operands = 3 : i64, tpu.core_type = #tpu.core_type<sc_vector_subcore>, window_params = [{transform_indices = #map}, {transform_indices = #map1}, {transform_indices = #map}]} {
    %mul3A = arith.constant 2 : i32
    %mul3A_0 = arith.muli %arg1, %mul3A : i32
    %add3A = arith.addi %mul3A_0, %arg0 : i32
    %mul3A_1 = arith.constant 512 : i32
    %mul3A_2 = arith.muli %add3A, %mul3A_1 : i32
    %add3A_3 = arith.constant 0 : i32
    %add3A_4 = arith.addi %mul3A_2, %add3A_3 : i32
    "tpu.region"() ({
      %run_scoped3A = tpu.sem_alloc : memref<!tpu.dma_semaphore, #tpu.memory_space<semaphore_mem>>
      %dma_start3A_39 = tpu.memref_slice %arg3[%add3A_4] : memref<16384xi32, #tpu.memory_space<hbm>> -> memref<128xi32, #tpu.memory_space<hbm>>
      %dma_start3A_40 = tpu.memref_slice %arg3[%add3A_4] : memref<16384xi32, #tpu.memory_space<hbm>> -> memref<128xi32, #tpu.memory_space<hbm>>
      tpu.enqueue_dma source(%dma_start3A_40 : memref<128xi32, #tpu.memory_space<hbm>>) target(%arg5 : memref<128xi32, #tpu.memory_space<vmem>>) target_semaphore(%run_scoped3A : memref<!tpu.dma_semaphore, #tpu.memory_space<semaphore_mem>>)
      %dma_wait3A_41 = tpu.memref_slice %arg3[%add3A_4] : memref<16384xi32, #tpu.memory_space<hbm>> -> memref<128xi32, #tpu.memory_space<hbm>>
      %dma_wait3A_42 = tpu.memref_slice %arg3[%add3A_4] : memref<16384xi32, #tpu.memory_space<hbm>> -> memref<128xi32, #tpu.memory_space<hbm>>
      tpu.wait_dma2 semaphore(%run_scoped3A : memref<!tpu.dma_semaphore, #tpu.memory_space<semaphore_mem>>) src(%dma_wait3A_42 : memref<128xi32, #tpu.memory_space<hbm>>) dst(%arg5 : memref<128xi32, #tpu.memory_space<vmem>>)
      tpu.yield
    }) : () -> ()
    %dma_start3A = arith.constant 0 : i32
    %dma_start3A_5 = arith.constant 0 : i32
    %dma_start3A_6 = tpu.memref_slice %arg2[%dma_start3A, %dma_start3A_5] : memref<8192x256xf32, #tpu.memory_space<hbm>> -> memref<8192x256xf32, #tpu.memory_space<hbm>>
    tpu.enqueue_indirect_dma source(%dma_start3A_6 : memref<8192x256xf32, #tpu.memory_space<hbm>>) target(%arg6 : memref<128x256xf32, #tpu.memory_space<vmem>>) offsets(%arg5 : memref<128xi32, #tpu.memory_space<vmem>>) semaphore(%arg7 : memref<!tpu.dma_semaphore, #tpu.memory_space<semaphore_mem>>)
    %dma_wait3A = arith.constant 0 : i32
    %dma_wait3A_7 = arith.constant 0 : i32
    %dma_wait3A_8 = tpu.memref_slice %arg2[%dma_wait3A, %dma_wait3A_7] : memref<8192x256xf32, #tpu.memory_space<hbm>> -> memref<8192x256xf32, #tpu.memory_space<hbm>>
    tpu.wait_indirect_dma semaphore(%arg7 : memref<!tpu.dma_semaphore, #tpu.memory_space<semaphore_mem>>) src(%dma_wait3A_8 : memref<8192x256xf32, #tpu.memory_space<hbm>>) dst(%arg6 : memref<128x256xf32, #tpu.memory_space<vmem>>)
    "tpu.region"() ({
      %run_scoped3A = tpu.sem_alloc : memref<!tpu.dma_semaphore, #tpu.memory_space<semaphore_mem>>
      %dma_start3A_39 = arith.constant 0 : i32
      %dma_start3A_40 = tpu.memref_slice %arg4[%add3A_4, %dma_start3A_39] : memref<16384x256xf32, #tpu.memory_space<hbm>> -> memref<128x256xf32, #tpu.memory_space<hbm>>
      %dma_start3A_41 = arith.constant 0 : i32
      %dma_start3A_42 = tpu.memref_slice %arg4[%add3A_4, %dma_start3A_41] : memref<16384x256xf32, #tpu.memory_space<hbm>> -> memref<128x256xf32, #tpu.memory_space<hbm>>
      tpu.enqueue_dma source(%arg6 : memref<128x256xf32, #tpu.memory_space<vmem>>) target(%dma_start3A_42 : memref<128x256xf32, #tpu.memory_space<hbm>>) target_semaphore(%run_scoped3A : memref<!tpu.dma_semaphore, #tpu.memory_space<semaphore_mem>>)
      %dma_wait3A_43 = arith.constant 0 : i32
      %dma_wait3A_44 = tpu.memref_slice %arg4[%add3A_4, %dma_wait3A_43] : memref<16384x256xf32, #tpu.memory_space<hbm>> -> memref<128x256xf32, #tpu.memory_space<hbm>>
      %dma_wait3A_45 = arith.constant 0 : i32
      %dma_wait3A_46 = tpu.memref_slice %arg4[%add3A_4, %dma_wait3A_45] : memref<16384x256xf32, #tpu.memory_space<hbm>> -> memref<128x256xf32, #tpu.memory_space<hbm>>
      tpu.wait_dma2 semaphore(%run_scoped3A : memref<!tpu.dma_semaphore, #tpu.memory_space<semaphore_mem>>) src(%arg6 : memref<128x256xf32, #tpu.memory_space<vmem>>) dst(%dma_wait3A_46 : memref<128x256xf32, #tpu.memory_space<hbm>>)
      tpu.yield
    }) : () -> ()
    %mul3A_9 = arith.constant 512 : i32
    %mul3A_10 = arith.muli %add3A, %mul3A_9 : i32
    %add3A_11 = arith.constant 128 : i32
    %add3A_12 = arith.addi %mul3A_10, %add3A_11 : i32
    "tpu.region"() ({
      %run_scoped3A = tpu.sem_alloc : memref<!tpu.dma_semaphore, #tpu.memory_space<semaphore_mem>>
      %dma_start3A_39 = tpu.memref_slice %arg3[%add3A_12] : memref<16384xi32, #tpu.memory_space<hbm>> -> memref<128xi32, #tpu.memory_space<hbm>>
      %dma_start3A_40 = tpu.memref_slice %arg3[%add3A_12] : memref<16384xi32, #tpu.memory_space<hbm>> -> memref<128xi32, #tpu.memory_space<hbm>>
      tpu.enqueue_dma source(%dma_start3A_40 : memref<128xi32, #tpu.memory_space<hbm>>) target(%arg5 : memref<128xi32, #tpu.memory_space<vmem>>) target_semaphore(%run_scoped3A : memref<!tpu.dma_semaphore, #tpu.memory_space<semaphore_mem>>)
      %dma_wait3A_41 = tpu.memref_slice %arg3[%add3A_12] : memref<16384xi32, #tpu.memory_space<hbm>> -> memref<128xi32, #tpu.memory_space<hbm>>
      %dma_wait3A_42 = tpu.memref_slice %arg3[%add3A_12] : memref<16384xi32, #tpu.memory_space<hbm>> -> memref<128xi32, #tpu.memory_space<hbm>>
      tpu.wait_dma2 semaphore(%run_scoped3A : memref<!tpu.dma_semaphore, #tpu.memory_space<semaphore_mem>>) src(%dma_wait3A_42 : memref<128xi32, #tpu.memory_space<hbm>>) dst(%arg5 : memref<128xi32, #tpu.memory_space<vmem>>)
      tpu.yield
    }) : () -> ()
    %dma_start3A_13 = arith.constant 0 : i32
    %dma_start3A_14 = arith.constant 0 : i32
    %dma_start3A_15 = tpu.memref_slice %arg2[%dma_start3A_13, %dma_start3A_14] : memref<8192x256xf32, #tpu.memory_space<hbm>> -> memref<8192x256xf32, #tpu.memory_space<hbm>>
    tpu.enqueue_indirect_dma source(%dma_start3A_15 : memref<8192x256xf32, #tpu.memory_space<hbm>>) target(%arg6 : memref<128x256xf32, #tpu.memory_space<vmem>>) offsets(%arg5 : memref<128xi32, #tpu.memory_space<vmem>>) semaphore(%arg7 : memref<!tpu.dma_semaphore, #tpu.memory_space<semaphore_mem>>)
    %dma_wait3A_16 = arith.constant 0 : i32
    %dma_wait3A_17 = arith.constant 0 : i32
    %dma_wait3A_18 = tpu.memref_slice %arg2[%dma_wait3A_16, %dma_wait3A_17] : memref<8192x256xf32, #tpu.memory_space<hbm>> -> memref<8192x256xf32, #tpu.memory_space<hbm>>
    tpu.wait_indirect_dma semaphore(%arg7 : memref<!tpu.dma_semaphore, #tpu.memory_space<semaphore_mem>>) src(%dma_wait3A_18 : memref<8192x256xf32, #tpu.memory_space<hbm>>) dst(%arg6 : memref<128x256xf32, #tpu.memory_space<vmem>>)
    "tpu.region"() ({
      %run_scoped3A = tpu.sem_alloc : memref<!tpu.dma_semaphore, #tpu.memory_space<semaphore_mem>>
      %dma_start3A_39 = arith.constant 0 : i32
      %dma_start3A_40 = tpu.memref_slice %arg4[%add3A_12, %dma_start3A_39] : memref<16384x256xf32, #tpu.memory_space<hbm>> -> memref<128x256xf32, #tpu.memory_space<hbm>>
      %dma_start3A_41 = arith.constant 0 : i32
      %dma_start3A_42 = tpu.memref_slice %arg4[%add3A_12, %dma_start3A_41] : memref<16384x256xf32, #tpu.memory_space<hbm>> -> memref<128x256xf32, #tpu.memory_space<hbm>>
      tpu.enqueue_dma source(%arg6 : memref<128x256xf32, #tpu.memory_space<vmem>>) target(%dma_start3A_42 : memref<128x256xf32, #tpu.memory_space<hbm>>) target_semaphore(%run_scoped3A : memref<!tpu.dma_semaphore, #tpu.memory_space<semaphore_mem>>)
      %dma_wait3A_43 = arith.constant 0 : i32
      %dma_wait3A_44 = tpu.memref_slice %arg4[%add3A_12, %dma_wait3A_43] : memref<16384x256xf32, #tpu.memory_space<hbm>> -> memref<128x256xf32, #tpu.memory_space<hbm>>
      %dma_wait3A_45 = arith.constant 0 : i32
      %dma_wait3A_46 = tpu.memref_slice %arg4[%add3A_12, %dma_wait3A_45] : memref<16384x256xf32, #tpu.memory_space<hbm>> -> memref<128x256xf32, #tpu.memory_space<hbm>>
      tpu.wait_dma2 semaphore(%run_scoped3A : memref<!tpu.dma_semaphore, #tpu.memory_space<semaphore_mem>>) src(%arg6 : memref<128x256xf32, #tpu.memory_space<vmem>>) dst(%dma_wait3A_46 : memref<128x256xf32, #tpu.memory_space<hbm>>)
      tpu.yield
    }) : () -> ()
    %mul3A_19 = arith.constant 512 : i32
    %mul3A_20 = arith.muli %add3A, %mul3A_19 : i32
    %add3A_21 = arith.constant 256 : i32
    %add3A_22 = arith.addi %mul3A_20, %add3A_21 : i32
    "tpu.region"() ({
      %run_scoped3A = tpu.sem_alloc : memref<!tpu.dma_semaphore, #tpu.memory_space<semaphore_mem>>
      %dma_start3A_39 = tpu.memref_slice %arg3[%add3A_22] : memref<16384xi32, #tpu.memory_space<hbm>> -> memref<128xi32, #tpu.memory_space<hbm>>
      %dma_start3A_40 = tpu.memref_slice %arg3[%add3A_22] : memref<16384xi32, #tpu.memory_space<hbm>> -> memref<128xi32, #tpu.memory_space<hbm>>
      tpu.enqueue_dma source(%dma_start3A_40 : memref<128xi32, #tpu.memory_space<hbm>>) target(%arg5 : memref<128xi32, #tpu.memory_space<vmem>>) target_semaphore(%run_scoped3A : memref<!tpu.dma_semaphore, #tpu.memory_space<semaphore_mem>>)
      %dma_wait3A_41 = tpu.memref_slice %arg3[%add3A_22] : memref<16384xi32, #tpu.memory_space<hbm>> -> memref<128xi32, #tpu.memory_space<hbm>>
      %dma_wait3A_42 = tpu.memref_slice %arg3[%add3A_22] : memref<16384xi32, #tpu.memory_space<hbm>> -> memref<128xi32, #tpu.memory_space<hbm>>
      tpu.wait_dma2 semaphore(%run_scoped3A : memref<!tpu.dma_semaphore, #tpu.memory_space<semaphore_mem>>) src(%dma_wait3A_42 : memref<128xi32, #tpu.memory_space<hbm>>) dst(%arg5 : memref<128xi32, #tpu.memory_space<vmem>>)
      tpu.yield
    }) : () -> ()
    %dma_start3A_23 = arith.constant 0 : i32
    %dma_start3A_24 = arith.constant 0 : i32
    %dma_start3A_25 = tpu.memref_slice %arg2[%dma_start3A_23, %dma_start3A_24] : memref<8192x256xf32, #tpu.memory_space<hbm>> -> memref<8192x256xf32, #tpu.memory_space<hbm>>
    tpu.enqueue_indirect_dma source(%dma_start3A_25 : memref<8192x256xf32, #tpu.memory_space<hbm>>) target(%arg6 : memref<128x256xf32, #tpu.memory_space<vmem>>) offsets(%arg5 : memref<128xi32, #tpu.memory_space<vmem>>) semaphore(%arg7 : memref<!tpu.dma_semaphore, #tpu.memory_space<semaphore_mem>>)
    %dma_wait3A_26 = arith.constant 0 : i32
    %dma_wait3A_27 = arith.constant 0 : i32
    %dma_wait3A_28 = tpu.memref_slice %arg2[%dma_wait3A_26, %dma_wait3A_27] : memref<8192x256xf32, #tpu.memory_space<hbm>> -> memref<8192x256xf32, #tpu.memory_space<hbm>>
    tpu.wait_indirect_dma semaphore(%arg7 : memref<!tpu.dma_semaphore, #tpu.memory_space<semaphore_mem>>) src(%dma_wait3A_28 : memref<8192x256xf32, #tpu.memory_space<hbm>>) dst(%arg6 : memref<128x256xf32, #tpu.memory_space<vmem>>)
    "tpu.region"() ({
      %run_scoped3A = tpu.sem_alloc : memref<!tpu.dma_semaphore, #tpu.memory_space<semaphore_mem>>
      %dma_start3A_39 = arith.constant 0 : i32
      %dma_start3A_40 = tpu.memref_slice %arg4[%add3A_22, %dma_start3A_39] : memref<16384x256xf32, #tpu.memory_space<hbm>> -> memref<128x256xf32, #tpu.memory_space<hbm>>
      %dma_start3A_41 = arith.constant 0 : i32
      %dma_start3A_42 = tpu.memref_slice %arg4[%add3A_22, %dma_start3A_41] : memref<16384x256xf32, #tpu.memory_space<hbm>> -> memref<128x256xf32, #tpu.memory_space<hbm>>
      tpu.enqueue_dma source(%arg6 : memref<128x256xf32, #tpu.memory_space<vmem>>) target(%dma_start3A_42 : memref<128x256xf32, #tpu.memory_space<hbm>>) target_semaphore(%run_scoped3A : memref<!tpu.dma_semaphore, #tpu.memory_space<semaphore_mem>>)
      %dma_wait3A_43 = arith.constant 0 : i32
      %dma_wait3A_44 = tpu.memref_slice %arg4[%add3A_22, %dma_wait3A_43] : memref<16384x256xf32, #tpu.memory_space<hbm>> -> memref<128x256xf32, #tpu.memory_space<hbm>>
      %dma_wait3A_45 = arith.constant 0 : i32
      %dma_wait3A_46 = tpu.memref_slice %arg4[%add3A_22, %dma_wait3A_45] : memref<16384x256xf32, #tpu.memory_space<hbm>> -> memref<128x256xf32, #tpu.memory_space<hbm>>
      tpu.wait_dma2 semaphore(%run_scoped3A : memref<!tpu.dma_semaphore, #tpu.memory_space<semaphore_mem>>) src(%arg6 : memref<128x256xf32, #tpu.memory_space<vmem>>) dst(%dma_wait3A_46 : memref<128x256xf32, #tpu.memory_space<hbm>>)
      tpu.yield
    }) : () -> ()
    %mul3A_29 = arith.constant 512 : i32
    %mul3A_30 = arith.muli %add3A, %mul3A_29 : i32
    %add3A_31 = arith.constant 384 : i32
    %add3A_32 = arith.addi %mul3A_30, %add3A_31 : i32
    "tpu.region"() ({
      %run_scoped3A = tpu.sem_alloc : memref<!tpu.dma_semaphore, #tpu.memory_space<semaphore_mem>>
      %dma_start3A_39 = tpu.memref_slice %arg3[%add3A_32] : memref<16384xi32, #tpu.memory_space<hbm>> -> memref<128xi32, #tpu.memory_space<hbm>>
      %dma_start3A_40 = tpu.memref_slice %arg3[%add3A_32] : memref<16384xi32, #tpu.memory_space<hbm>> -> memref<128xi32, #tpu.memory_space<hbm>>
      tpu.enqueue_dma source(%dma_start3A_40 : memref<128xi32, #tpu.memory_space<hbm>>) target(%arg5 : memref<128xi32, #tpu.memory_space<vmem>>) target_semaphore(%run_scoped3A : memref<!tpu.dma_semaphore, #tpu.memory_space<semaphore_mem>>)
      %dma_wait3A_41 = tpu.memref_slice %arg3[%add3A_32] : memref<16384xi32, #tpu.memory_space<hbm>> -> memref<128xi32, #tpu.memory_space<hbm>>
      %dma_wait3A_42 = tpu.memref_slice %arg3[%add3A_32] : memref<16384xi32, #tpu.memory_space<hbm>> -> memref<128xi32, #tpu.memory_space<hbm>>
      tpu.wait_dma2 semaphore(%run_scoped3A : memref<!tpu.dma_semaphore, #tpu.memory_space<semaphore_mem>>) src(%dma_wait3A_42 : memref<128xi32, #tpu.memory_space<hbm>>) dst(%arg5 : memref<128xi32, #tpu.memory_space<vmem>>)
      tpu.yield
    }) : () -> ()
    %dma_start3A_33 = arith.constant 0 : i32
    %dma_start3A_34 = arith.constant 0 : i32
    %dma_start3A_35 = tpu.memref_slice %arg2[%dma_start3A_33, %dma_start3A_34] : memref<8192x256xf32, #tpu.memory_space<hbm>> -> memref<8192x256xf32, #tpu.memory_space<hbm>>
    tpu.enqueue_indirect_dma source(%dma_start3A_35 : memref<8192x256xf32, #tpu.memory_space<hbm>>) target(%arg6 : memref<128x256xf32, #tpu.memory_space<vmem>>) offsets(%arg5 : memref<128xi32, #tpu.memory_space<vmem>>) semaphore(%arg7 : memref<!tpu.dma_semaphore, #tpu.memory_space<semaphore_mem>>)
    %dma_wait3A_36 = arith.constant 0 : i32
    %dma_wait3A_37 = arith.constant 0 : i32
    %dma_wait3A_38 = tpu.memref_slice %arg2[%dma_wait3A_36, %dma_wait3A_37] : memref<8192x256xf32, #tpu.memory_space<hbm>> -> memref<8192x256xf32, #tpu.memory_space<hbm>>
    tpu.wait_indirect_dma semaphore(%arg7 : memref<!tpu.dma_semaphore, #tpu.memory_space<semaphore_mem>>) src(%dma_wait3A_38 : memref<8192x256xf32, #tpu.memory_space<hbm>>) dst(%arg6 : memref<128x256xf32, #tpu.memory_space<vmem>>)
    "tpu.region"() ({
      %run_scoped3A = tpu.sem_alloc : memref<!tpu.dma_semaphore, #tpu.memory_space<semaphore_mem>>
      %dma_start3A_39 = arith.constant 0 : i32
      %dma_start3A_40 = tpu.memref_slice %arg4[%add3A_32, %dma_start3A_39] : memref<16384x256xf32, #tpu.memory_space<hbm>> -> memref<128x256xf32, #tpu.memory_space<hbm>>
      %dma_start3A_41 = arith.constant 0 : i32
      %dma_start3A_42 = tpu.memref_slice %arg4[%add3A_32, %dma_start3A_41] : memref<16384x256xf32, #tpu.memory_space<hbm>> -> memref<128x256xf32, #tpu.memory_space<hbm>>
      tpu.enqueue_dma source(%arg6 : memref<128x256xf32, #tpu.memory_space<vmem>>) target(%dma_start3A_42 : memref<128x256xf32, #tpu.memory_space<hbm>>) target_semaphore(%run_scoped3A : memref<!tpu.dma_semaphore, #tpu.memory_space<semaphore_mem>>)
      %dma_wait3A_43 = arith.constant 0 : i32
      %dma_wait3A_44 = tpu.memref_slice %arg4[%add3A_32, %dma_wait3A_43] : memref<16384x256xf32, #tpu.memory_space<hbm>> -> memref<128x256xf32, #tpu.memory_space<hbm>>
      %dma_wait3A_45 = arith.constant 0 : i32
      %dma_wait3A_46 = tpu.memref_slice %arg4[%add3A_32, %dma_wait3A_45] : memref<16384x256xf32, #tpu.memory_space<hbm>> -> memref<128x256xf32, #tpu.memory_space<hbm>>
      tpu.wait_dma2 semaphore(%run_scoped3A : memref<!tpu.dma_semaphore, #tpu.memory_space<semaphore_mem>>) src(%arg6 : memref<128x256xf32, #tpu.memory_space<vmem>>) dst(%dma_wait3A_46 : memref<128x256xf32, #tpu.memory_space<hbm>>)
      tpu.yield
    }) : () -> ()
    return
  }
}

module attributes {stable_mosaic.version = 14 : i64} {
  func.func @_argmin_body(%arg0: i32, %arg1: memref<512x256xf32, #tpu.memory_space<vmem>>, %arg2: memref<512x1xf32, #tpu.memory_space<vmem>>, %arg3: memref<1x1x8192xf32, #tpu.memory_space<vmem>>, %arg4: memref<256x8192xbf16, #tpu.memory_space<vmem>>, %arg5: memref<1x512x1xi32, #tpu.memory_space<vmem>>, %arg6: memref<1x512x1xf32, #tpu.memory_space<vmem>>) attributes {dimension_semantics = [#tpu.dimension_semantics<arbitrary>], iteration_bounds = array<i64: 32>, scalar_prefetch = 0 : i64, scratch_operands = 0 : i64, tpu.core_type = #tpu.core_type<tc>, window_params = [{transform_indices = @transform_0, window_bounds = array<i64: 512, 256>}, {transform_indices = @transform_1, window_bounds = array<i64: 512, 1>}, {pipeline_mode = #tpu.pipeline_mode<synchronous>, transform_indices = @transform_2, window_bounds = array<i64: 1, 1, 8192>}, {pipeline_mode = #tpu.pipeline_mode<synchronous>, transform_indices = @transform_3, window_bounds = array<i64: 256, 8192>}, {transform_indices = @transform_4, window_bounds = array<i64: 1, 512, 1>}, {transform_indices = @transform_5, window_bounds = array<i64: 1, 512, 1>}]} {
    %get3A = arith.constant 0 : index
    %get3A_0 = arith.constant 0 : index
    %get3A_1 = vector.load %arg1[%get3A, %get3A_0] : memref<512x256xf32, #tpu.memory_space<vmem>>, vector<512x256xf32>
    %get3A_2 = arith.constant 0 : index
    %get3A_3 = arith.constant 0 : index
    %get3A_4 = vector.load %arg2[%get3A_2, %get3A_3] : memref<512x1xf32, #tpu.memory_space<vmem>>, vector<512x1xf32>
    %broadcast_in_dim3A = arith.constant 0x7F800000 : f32
    %broadcast_in_dim3A_5 = vector.broadcast %broadcast_in_dim3A : f32 to vector<512x1xf32>
    %broadcast_in_dim3A_6 = arith.constant 0 : i32
    %broadcast_in_dim3A_7 = vector.broadcast %broadcast_in_dim3A_6 : i32 to vector<512x1xi32>
    %get3A_8 = arith.constant 0 : index
    %get3A_9 = arith.constant 0 : index
    %get3A_10 = vector.load %arg4[%get3A_8, %get3A_9] : memref<256x8192xbf16, #tpu.memory_space<vmem>>, vector<256x1024xbf16>
    %dot_general3A = arith.constant dense<0.000000e+00> : vector<512x1024xf32>
    %dot_general3A_11 = tpu.matmul %get3A_1, %get3A_10, %dot_general3A {dimension_numbers = #tpu.dot_dimension_numbers<[1], [0], [0], [1], [0, 0, 1, 1], [], []>, transpose_lhs_hint = false} : vector<512x256xf32>, vector<256x1024xbf16>, vector<512x1024xf32> -> vector<512x1024xf32>
    %get3A_12 = arith.constant 0 : index
    %get3A_13 = arith.constant 0 : index
    %get3A_14 = arith.constant 0 : index
    %get3A_15 = vector.load %arg3[%get3A_12, %get3A_13, %get3A_14] : memref<1x1x8192xf32, #tpu.memory_space<vmem>>, vector<1x1x1024xf32>
    %get3A_16 = vector.shape_cast %get3A_15 : vector<1x1x1024xf32> to vector<1x1024xf32>
    %add3A = vector.broadcast %get3A_4 : vector<512x1xf32> to vector<512x1024xf32>
    %add3A_17 = vector.broadcast %get3A_16 : vector<1x1024xf32> to vector<512x1024xf32>
    %add3A_18 = arith.addf %add3A, %add3A_17 : vector<512x1024xf32>
    %mul3A = arith.constant 2.000000e+00 : f32
    %mul3A_19 = vector.broadcast %mul3A : f32 to vector<512x1024xf32>
    %mul3A_20 = arith.mulf %mul3A_19, %dot_general3A_11 : vector<512x1024xf32>
    %sub3A = arith.subf %add3A_18, %mul3A_20 : vector<512x1024xf32>
    %reduce_min3A = arith.constant dense<0x7F800000> : vector<512xf32>
    %reduce_min3A_21 = vector.multi_reduction <minimumf>, %sub3A, %reduce_min3A [1] : vector<512x1024xf32> to vector<512xf32>
    %broadcast_in_dim3A_22 = vector.shape_cast %reduce_min3A_21 : vector<512xf32> to vector<512x1xf32>
    %iota3A = tpu.iota {dimensions = array<i32: 1>} : vector<512x1024xi32>
    %add3A_23 = arith.constant 0 : i32
    %add3A_24 = vector.broadcast %add3A_23 : i32 to vector<512x1024xi32>
    %add3A_25 = arith.addi %iota3A, %add3A_24 : vector<512x1024xi32>
    %eq3A = vector.broadcast %broadcast_in_dim3A_22 : vector<512x1xf32> to vector<512x1024xf32>
    %eq3A_26 = arith.cmpf oeq, %sub3A, %eq3A : vector<512x1024xf32>
    %jit3A = arith.constant 8192 : i32
    %broadcast_in_dim3A_27 = vector.broadcast %jit3A : i32 to vector<512x1024xi32>
    %select_n3A = arith.select %eq3A_26, %add3A_25, %broadcast_in_dim3A_27 : vector<512x1024xi1>, vector<512x1024xi32>
    %reduce_min3A_28 = arith.constant dense<2147483647> : vector<512xi32>
    %reduce_min3A_29 = vector.multi_reduction <minsi>, %select_n3A, %reduce_min3A_28 [1] : vector<512x1024xi32> to vector<512xi32>
    %broadcast_in_dim3A_30 = vector.shape_cast %reduce_min3A_29 : vector<512xi32> to vector<512x1xi32>
    %lt3A = arith.cmpf olt, %broadcast_in_dim3A_22, %broadcast_in_dim3A_5 : vector<512x1xf32>
    %select_n3A_31 = arith.select %lt3A, %broadcast_in_dim3A_30, %broadcast_in_dim3A_7 : vector<512x1xi1>, vector<512x1xi32>
    %select_n3A_32 = arith.select %lt3A, %broadcast_in_dim3A_22, %broadcast_in_dim3A_5 : vector<512x1xi1>, vector<512x1xf32>
    %get3A_33 = arith.constant 0 : index
    %get3A_34 = arith.constant 1024 : index
    %get3A_35 = vector.load %arg4[%get3A_33, %get3A_34] : memref<256x8192xbf16, #tpu.memory_space<vmem>>, vector<256x1024xbf16>
    %dot_general3A_36 = arith.constant dense<0.000000e+00> : vector<512x1024xf32>
    %dot_general3A_37 = tpu.matmul %get3A_1, %get3A_35, %dot_general3A_36 {dimension_numbers = #tpu.dot_dimension_numbers<[1], [0], [0], [1], [0, 0, 1, 1], [], []>, transpose_lhs_hint = false} : vector<512x256xf32>, vector<256x1024xbf16>, vector<512x1024xf32> -> vector<512x1024xf32>
    %get3A_38 = arith.constant 0 : index
    %get3A_39 = arith.constant 0 : index
    %get3A_40 = arith.constant 1024 : index
    %get3A_41 = vector.load %arg3[%get3A_38, %get3A_39, %get3A_40] : memref<1x1x8192xf32, #tpu.memory_space<vmem>>, vector<1x1x1024xf32>
    %get3A_42 = vector.shape_cast %get3A_41 : vector<1x1x1024xf32> to vector<1x1024xf32>
    %add3A_43 = vector.broadcast %get3A_4 : vector<512x1xf32> to vector<512x1024xf32>
    %add3A_44 = vector.broadcast %get3A_42 : vector<1x1024xf32> to vector<512x1024xf32>
    %add3A_45 = arith.addf %add3A_43, %add3A_44 : vector<512x1024xf32>
    %mul3A_46 = arith.constant 2.000000e+00 : f32
    %mul3A_47 = vector.broadcast %mul3A_46 : f32 to vector<512x1024xf32>
    %mul3A_48 = arith.mulf %mul3A_47, %dot_general3A_37 : vector<512x1024xf32>
    %sub3A_49 = arith.subf %add3A_45, %mul3A_48 : vector<512x1024xf32>
    %reduce_min3A_50 = arith.constant dense<0x7F800000> : vector<512xf32>
    %reduce_min3A_51 = vector.multi_reduction <minimumf>, %sub3A_49, %reduce_min3A_50 [1] : vector<512x1024xf32> to vector<512xf32>
    %broadcast_in_dim3A_52 = vector.shape_cast %reduce_min3A_51 : vector<512xf32> to vector<512x1xf32>
    %iota3A_53 = tpu.iota {dimensions = array<i32: 1>} : vector<512x1024xi32>
    %add3A_54 = arith.constant 1024 : i32
    %add3A_55 = vector.broadcast %add3A_54 : i32 to vector<512x1024xi32>
    %add3A_56 = arith.addi %iota3A_53, %add3A_55 : vector<512x1024xi32>
    %eq3A_57 = vector.broadcast %broadcast_in_dim3A_52 : vector<512x1xf32> to vector<512x1024xf32>
    %eq3A_58 = arith.cmpf oeq, %sub3A_49, %eq3A_57 : vector<512x1024xf32>
    %jit3A_59 = arith.constant 8192 : i32
    %broadcast_in_dim3A_60 = vector.broadcast %jit3A_59 : i32 to vector<512x1024xi32>
    %select_n3A_61 = arith.select %eq3A_58, %add3A_56, %broadcast_in_dim3A_60 : vector<512x1024xi1>, vector<512x1024xi32>
    %reduce_min3A_62 = arith.constant dense<2147483647> : vector<512xi32>
    %reduce_min3A_63 = vector.multi_reduction <minsi>, %select_n3A_61, %reduce_min3A_62 [1] : vector<512x1024xi32> to vector<512xi32>
    %broadcast_in_dim3A_64 = vector.shape_cast %reduce_min3A_63 : vector<512xi32> to vector<512x1xi32>
    %lt3A_65 = arith.cmpf olt, %broadcast_in_dim3A_52, %select_n3A_32 : vector<512x1xf32>
    %select_n3A_66 = arith.select %lt3A_65, %broadcast_in_dim3A_64, %select_n3A_31 : vector<512x1xi1>, vector<512x1xi32>
    %select_n3A_67 = arith.select %lt3A_65, %broadcast_in_dim3A_52, %select_n3A_32 : vector<512x1xi1>, vector<512x1xf32>
    %get3A_68 = arith.constant 0 : index
    %get3A_69 = arith.constant 2048 : index
    %get3A_70 = vector.load %arg4[%get3A_68, %get3A_69] : memref<256x8192xbf16, #tpu.memory_space<vmem>>, vector<256x1024xbf16>
    %dot_general3A_71 = arith.constant dense<0.000000e+00> : vector<512x1024xf32>
    %dot_general3A_72 = tpu.matmul %get3A_1, %get3A_70, %dot_general3A_71 {dimension_numbers = #tpu.dot_dimension_numbers<[1], [0], [0], [1], [0, 0, 1, 1], [], []>, transpose_lhs_hint = false} : vector<512x256xf32>, vector<256x1024xbf16>, vector<512x1024xf32> -> vector<512x1024xf32>
    %get3A_73 = arith.constant 0 : index
    %get3A_74 = arith.constant 0 : index
    %get3A_75 = arith.constant 2048 : index
    %get3A_76 = vector.load %arg3[%get3A_73, %get3A_74, %get3A_75] : memref<1x1x8192xf32, #tpu.memory_space<vmem>>, vector<1x1x1024xf32>
    %get3A_77 = vector.shape_cast %get3A_76 : vector<1x1x1024xf32> to vector<1x1024xf32>
    %add3A_78 = vector.broadcast %get3A_4 : vector<512x1xf32> to vector<512x1024xf32>
    %add3A_79 = vector.broadcast %get3A_77 : vector<1x1024xf32> to vector<512x1024xf32>
    %add3A_80 = arith.addf %add3A_78, %add3A_79 : vector<512x1024xf32>
    %mul3A_81 = arith.constant 2.000000e+00 : f32
    %mul3A_82 = vector.broadcast %mul3A_81 : f32 to vector<512x1024xf32>
    %mul3A_83 = arith.mulf %mul3A_82, %dot_general3A_72 : vector<512x1024xf32>
    %sub3A_84 = arith.subf %add3A_80, %mul3A_83 : vector<512x1024xf32>
    %reduce_min3A_85 = arith.constant dense<0x7F800000> : vector<512xf32>
    %reduce_min3A_86 = vector.multi_reduction <minimumf>, %sub3A_84, %reduce_min3A_85 [1] : vector<512x1024xf32> to vector<512xf32>
    %broadcast_in_dim3A_87 = vector.shape_cast %reduce_min3A_86 : vector<512xf32> to vector<512x1xf32>
    %iota3A_88 = tpu.iota {dimensions = array<i32: 1>} : vector<512x1024xi32>
    %add3A_89 = arith.constant 2048 : i32
    %add3A_90 = vector.broadcast %add3A_89 : i32 to vector<512x1024xi32>
    %add3A_91 = arith.addi %iota3A_88, %add3A_90 : vector<512x1024xi32>
    %eq3A_92 = vector.broadcast %broadcast_in_dim3A_87 : vector<512x1xf32> to vector<512x1024xf32>
    %eq3A_93 = arith.cmpf oeq, %sub3A_84, %eq3A_92 : vector<512x1024xf32>
    %jit3A_94 = arith.constant 8192 : i32
    %broadcast_in_dim3A_95 = vector.broadcast %jit3A_94 : i32 to vector<512x1024xi32>
    %select_n3A_96 = arith.select %eq3A_93, %add3A_91, %broadcast_in_dim3A_95 : vector<512x1024xi1>, vector<512x1024xi32>
    %reduce_min3A_97 = arith.constant dense<2147483647> : vector<512xi32>
    %reduce_min3A_98 = vector.multi_reduction <minsi>, %select_n3A_96, %reduce_min3A_97 [1] : vector<512x1024xi32> to vector<512xi32>
    %broadcast_in_dim3A_99 = vector.shape_cast %reduce_min3A_98 : vector<512xi32> to vector<512x1xi32>
    %lt3A_100 = arith.cmpf olt, %broadcast_in_dim3A_87, %select_n3A_67 : vector<512x1xf32>
    %select_n3A_101 = arith.select %lt3A_100, %broadcast_in_dim3A_99, %select_n3A_66 : vector<512x1xi1>, vector<512x1xi32>
    %select_n3A_102 = arith.select %lt3A_100, %broadcast_in_dim3A_87, %select_n3A_67 : vector<512x1xi1>, vector<512x1xf32>
    %get3A_103 = arith.constant 0 : index
    %get3A_104 = arith.constant 3072 : index
    %get3A_105 = vector.load %arg4[%get3A_103, %get3A_104] : memref<256x8192xbf16, #tpu.memory_space<vmem>>, vector<256x1024xbf16>
    %dot_general3A_106 = arith.constant dense<0.000000e+00> : vector<512x1024xf32>
    %dot_general3A_107 = tpu.matmul %get3A_1, %get3A_105, %dot_general3A_106 {dimension_numbers = #tpu.dot_dimension_numbers<[1], [0], [0], [1], [0, 0, 1, 1], [], []>, transpose_lhs_hint = false} : vector<512x256xf32>, vector<256x1024xbf16>, vector<512x1024xf32> -> vector<512x1024xf32>
    %get3A_108 = arith.constant 0 : index
    %get3A_109 = arith.constant 0 : index
    %get3A_110 = arith.constant 3072 : index
    %get3A_111 = vector.load %arg3[%get3A_108, %get3A_109, %get3A_110] : memref<1x1x8192xf32, #tpu.memory_space<vmem>>, vector<1x1x1024xf32>
    %get3A_112 = vector.shape_cast %get3A_111 : vector<1x1x1024xf32> to vector<1x1024xf32>
    %add3A_113 = vector.broadcast %get3A_4 : vector<512x1xf32> to vector<512x1024xf32>
    %add3A_114 = vector.broadcast %get3A_112 : vector<1x1024xf32> to vector<512x1024xf32>
    %add3A_115 = arith.addf %add3A_113, %add3A_114 : vector<512x1024xf32>
    %mul3A_116 = arith.constant 2.000000e+00 : f32
    %mul3A_117 = vector.broadcast %mul3A_116 : f32 to vector<512x1024xf32>
    %mul3A_118 = arith.mulf %mul3A_117, %dot_general3A_107 : vector<512x1024xf32>
    %sub3A_119 = arith.subf %add3A_115, %mul3A_118 : vector<512x1024xf32>
    %reduce_min3A_120 = arith.constant dense<0x7F800000> : vector<512xf32>
    %reduce_min3A_121 = vector.multi_reduction <minimumf>, %sub3A_119, %reduce_min3A_120 [1] : vector<512x1024xf32> to vector<512xf32>
    %broadcast_in_dim3A_122 = vector.shape_cast %reduce_min3A_121 : vector<512xf32> to vector<512x1xf32>
    %iota3A_123 = tpu.iota {dimensions = array<i32: 1>} : vector<512x1024xi32>
    %add3A_124 = arith.constant 3072 : i32
    %add3A_125 = vector.broadcast %add3A_124 : i32 to vector<512x1024xi32>
    %add3A_126 = arith.addi %iota3A_123, %add3A_125 : vector<512x1024xi32>
    %eq3A_127 = vector.broadcast %broadcast_in_dim3A_122 : vector<512x1xf32> to vector<512x1024xf32>
    %eq3A_128 = arith.cmpf oeq, %sub3A_119, %eq3A_127 : vector<512x1024xf32>
    %jit3A_129 = arith.constant 8192 : i32
    %broadcast_in_dim3A_130 = vector.broadcast %jit3A_129 : i32 to vector<512x1024xi32>
    %select_n3A_131 = arith.select %eq3A_128, %add3A_126, %broadcast_in_dim3A_130 : vector<512x1024xi1>, vector<512x1024xi32>
    %reduce_min3A_132 = arith.constant dense<2147483647> : vector<512xi32>
    %reduce_min3A_133 = vector.multi_reduction <minsi>, %select_n3A_131, %reduce_min3A_132 [1] : vector<512x1024xi32> to vector<512xi32>
    %broadcast_in_dim3A_134 = vector.shape_cast %reduce_min3A_133 : vector<512xi32> to vector<512x1xi32>
    %lt3A_135 = arith.cmpf olt, %broadcast_in_dim3A_122, %select_n3A_102 : vector<512x1xf32>
    %select_n3A_136 = arith.select %lt3A_135, %broadcast_in_dim3A_134, %select_n3A_101 : vector<512x1xi1>, vector<512x1xi32>
    %select_n3A_137 = arith.select %lt3A_135, %broadcast_in_dim3A_122, %select_n3A_102 : vector<512x1xi1>, vector<512x1xf32>
    %get3A_138 = arith.constant 0 : index
    %get3A_139 = arith.constant 4096 : index
    %get3A_140 = vector.load %arg4[%get3A_138, %get3A_139] : memref<256x8192xbf16, #tpu.memory_space<vmem>>, vector<256x1024xbf16>
    %dot_general3A_141 = arith.constant dense<0.000000e+00> : vector<512x1024xf32>
    %dot_general3A_142 = tpu.matmul %get3A_1, %get3A_140, %dot_general3A_141 {dimension_numbers = #tpu.dot_dimension_numbers<[1], [0], [0], [1], [0, 0, 1, 1], [], []>, transpose_lhs_hint = false} : vector<512x256xf32>, vector<256x1024xbf16>, vector<512x1024xf32> -> vector<512x1024xf32>
    %get3A_143 = arith.constant 0 : index
    %get3A_144 = arith.constant 0 : index
    %get3A_145 = arith.constant 4096 : index
    %get3A_146 = vector.load %arg3[%get3A_143, %get3A_144, %get3A_145] : memref<1x1x8192xf32, #tpu.memory_space<vmem>>, vector<1x1x1024xf32>
    %get3A_147 = vector.shape_cast %get3A_146 : vector<1x1x1024xf32> to vector<1x1024xf32>
    %add3A_148 = vector.broadcast %get3A_4 : vector<512x1xf32> to vector<512x1024xf32>
    %add3A_149 = vector.broadcast %get3A_147 : vector<1x1024xf32> to vector<512x1024xf32>
    %add3A_150 = arith.addf %add3A_148, %add3A_149 : vector<512x1024xf32>
    %mul3A_151 = arith.constant 2.000000e+00 : f32
    %mul3A_152 = vector.broadcast %mul3A_151 : f32 to vector<512x1024xf32>
    %mul3A_153 = arith.mulf %mul3A_152, %dot_general3A_142 : vector<512x1024xf32>
    %sub3A_154 = arith.subf %add3A_150, %mul3A_153 : vector<512x1024xf32>
    %reduce_min3A_155 = arith.constant dense<0x7F800000> : vector<512xf32>
    %reduce_min3A_156 = vector.multi_reduction <minimumf>, %sub3A_154, %reduce_min3A_155 [1] : vector<512x1024xf32> to vector<512xf32>
    %broadcast_in_dim3A_157 = vector.shape_cast %reduce_min3A_156 : vector<512xf32> to vector<512x1xf32>
    %iota3A_158 = tpu.iota {dimensions = array<i32: 1>} : vector<512x1024xi32>
    %add3A_159 = arith.constant 4096 : i32
    %add3A_160 = vector.broadcast %add3A_159 : i32 to vector<512x1024xi32>
    %add3A_161 = arith.addi %iota3A_158, %add3A_160 : vector<512x1024xi32>
    %eq3A_162 = vector.broadcast %broadcast_in_dim3A_157 : vector<512x1xf32> to vector<512x1024xf32>
    %eq3A_163 = arith.cmpf oeq, %sub3A_154, %eq3A_162 : vector<512x1024xf32>
    %jit3A_164 = arith.constant 8192 : i32
    %broadcast_in_dim3A_165 = vector.broadcast %jit3A_164 : i32 to vector<512x1024xi32>
    %select_n3A_166 = arith.select %eq3A_163, %add3A_161, %broadcast_in_dim3A_165 : vector<512x1024xi1>, vector<512x1024xi32>
    %reduce_min3A_167 = arith.constant dense<2147483647> : vector<512xi32>
    %reduce_min3A_168 = vector.multi_reduction <minsi>, %select_n3A_166, %reduce_min3A_167 [1] : vector<512x1024xi32> to vector<512xi32>
    %broadcast_in_dim3A_169 = vector.shape_cast %reduce_min3A_168 : vector<512xi32> to vector<512x1xi32>
    %lt3A_170 = arith.cmpf olt, %broadcast_in_dim3A_157, %select_n3A_137 : vector<512x1xf32>
    %select_n3A_171 = arith.select %lt3A_170, %broadcast_in_dim3A_169, %select_n3A_136 : vector<512x1xi1>, vector<512x1xi32>
    %select_n3A_172 = arith.select %lt3A_170, %broadcast_in_dim3A_157, %select_n3A_137 : vector<512x1xi1>, vector<512x1xf32>
    %get3A_173 = arith.constant 0 : index
    %get3A_174 = arith.constant 5120 : index
    %get3A_175 = vector.load %arg4[%get3A_173, %get3A_174] : memref<256x8192xbf16, #tpu.memory_space<vmem>>, vector<256x1024xbf16>
    %dot_general3A_176 = arith.constant dense<0.000000e+00> : vector<512x1024xf32>
    %dot_general3A_177 = tpu.matmul %get3A_1, %get3A_175, %dot_general3A_176 {dimension_numbers = #tpu.dot_dimension_numbers<[1], [0], [0], [1], [0, 0, 1, 1], [], []>, transpose_lhs_hint = false} : vector<512x256xf32>, vector<256x1024xbf16>, vector<512x1024xf32> -> vector<512x1024xf32>
    %get3A_178 = arith.constant 0 : index
    %get3A_179 = arith.constant 0 : index
    %get3A_180 = arith.constant 5120 : index
    %get3A_181 = vector.load %arg3[%get3A_178, %get3A_179, %get3A_180] : memref<1x1x8192xf32, #tpu.memory_space<vmem>>, vector<1x1x1024xf32>
    %get3A_182 = vector.shape_cast %get3A_181 : vector<1x1x1024xf32> to vector<1x1024xf32>
    %add3A_183 = vector.broadcast %get3A_4 : vector<512x1xf32> to vector<512x1024xf32>
    %add3A_184 = vector.broadcast %get3A_182 : vector<1x1024xf32> to vector<512x1024xf32>
    %add3A_185 = arith.addf %add3A_183, %add3A_184 : vector<512x1024xf32>
    %mul3A_186 = arith.constant 2.000000e+00 : f32
    %mul3A_187 = vector.broadcast %mul3A_186 : f32 to vector<512x1024xf32>
    %mul3A_188 = arith.mulf %mul3A_187, %dot_general3A_177 : vector<512x1024xf32>
    %sub3A_189 = arith.subf %add3A_185, %mul3A_188 : vector<512x1024xf32>
    %reduce_min3A_190 = arith.constant dense<0x7F800000> : vector<512xf32>
    %reduce_min3A_191 = vector.multi_reduction <minimumf>, %sub3A_189, %reduce_min3A_190 [1] : vector<512x1024xf32> to vector<512xf32>
    %broadcast_in_dim3A_192 = vector.shape_cast %reduce_min3A_191 : vector<512xf32> to vector<512x1xf32>
    %iota3A_193 = tpu.iota {dimensions = array<i32: 1>} : vector<512x1024xi32>
    %add3A_194 = arith.constant 5120 : i32
    %add3A_195 = vector.broadcast %add3A_194 : i32 to vector<512x1024xi32>
    %add3A_196 = arith.addi %iota3A_193, %add3A_195 : vector<512x1024xi32>
    %eq3A_197 = vector.broadcast %broadcast_in_dim3A_192 : vector<512x1xf32> to vector<512x1024xf32>
    %eq3A_198 = arith.cmpf oeq, %sub3A_189, %eq3A_197 : vector<512x1024xf32>
    %jit3A_199 = arith.constant 8192 : i32
    %broadcast_in_dim3A_200 = vector.broadcast %jit3A_199 : i32 to vector<512x1024xi32>
    %select_n3A_201 = arith.select %eq3A_198, %add3A_196, %broadcast_in_dim3A_200 : vector<512x1024xi1>, vector<512x1024xi32>
    %reduce_min3A_202 = arith.constant dense<2147483647> : vector<512xi32>
    %reduce_min3A_203 = vector.multi_reduction <minsi>, %select_n3A_201, %reduce_min3A_202 [1] : vector<512x1024xi32> to vector<512xi32>
    %broadcast_in_dim3A_204 = vector.shape_cast %reduce_min3A_203 : vector<512xi32> to vector<512x1xi32>
    %lt3A_205 = arith.cmpf olt, %broadcast_in_dim3A_192, %select_n3A_172 : vector<512x1xf32>
    %select_n3A_206 = arith.select %lt3A_205, %broadcast_in_dim3A_204, %select_n3A_171 : vector<512x1xi1>, vector<512x1xi32>
    %select_n3A_207 = arith.select %lt3A_205, %broadcast_in_dim3A_192, %select_n3A_172 : vector<512x1xi1>, vector<512x1xf32>
    %get3A_208 = arith.constant 0 : index
    %get3A_209 = arith.constant 6144 : index
    %get3A_210 = vector.load %arg4[%get3A_208, %get3A_209] : memref<256x8192xbf16, #tpu.memory_space<vmem>>, vector<256x1024xbf16>
    %dot_general3A_211 = arith.constant dense<0.000000e+00> : vector<512x1024xf32>
    %dot_general3A_212 = tpu.matmul %get3A_1, %get3A_210, %dot_general3A_211 {dimension_numbers = #tpu.dot_dimension_numbers<[1], [0], [0], [1], [0, 0, 1, 1], [], []>, transpose_lhs_hint = false} : vector<512x256xf32>, vector<256x1024xbf16>, vector<512x1024xf32> -> vector<512x1024xf32>
    %get3A_213 = arith.constant 0 : index
    %get3A_214 = arith.constant 0 : index
    %get3A_215 = arith.constant 6144 : index
    %get3A_216 = vector.load %arg3[%get3A_213, %get3A_214, %get3A_215] : memref<1x1x8192xf32, #tpu.memory_space<vmem>>, vector<1x1x1024xf32>
    %get3A_217 = vector.shape_cast %get3A_216 : vector<1x1x1024xf32> to vector<1x1024xf32>
    %add3A_218 = vector.broadcast %get3A_4 : vector<512x1xf32> to vector<512x1024xf32>
    %add3A_219 = vector.broadcast %get3A_217 : vector<1x1024xf32> to vector<512x1024xf32>
    %add3A_220 = arith.addf %add3A_218, %add3A_219 : vector<512x1024xf32>
    %mul3A_221 = arith.constant 2.000000e+00 : f32
    %mul3A_222 = vector.broadcast %mul3A_221 : f32 to vector<512x1024xf32>
    %mul3A_223 = arith.mulf %mul3A_222, %dot_general3A_212 : vector<512x1024xf32>
    %sub3A_224 = arith.subf %add3A_220, %mul3A_223 : vector<512x1024xf32>
    %reduce_min3A_225 = arith.constant dense<0x7F800000> : vector<512xf32>
    %reduce_min3A_226 = vector.multi_reduction <minimumf>, %sub3A_224, %reduce_min3A_225 [1] : vector<512x1024xf32> to vector<512xf32>
    %broadcast_in_dim3A_227 = vector.shape_cast %reduce_min3A_226 : vector<512xf32> to vector<512x1xf32>
    %iota3A_228 = tpu.iota {dimensions = array<i32: 1>} : vector<512x1024xi32>
    %add3A_229 = arith.constant 6144 : i32
    %add3A_230 = vector.broadcast %add3A_229 : i32 to vector<512x1024xi32>
    %add3A_231 = arith.addi %iota3A_228, %add3A_230 : vector<512x1024xi32>
    %eq3A_232 = vector.broadcast %broadcast_in_dim3A_227 : vector<512x1xf32> to vector<512x1024xf32>
    %eq3A_233 = arith.cmpf oeq, %sub3A_224, %eq3A_232 : vector<512x1024xf32>
    %jit3A_234 = arith.constant 8192 : i32
    %broadcast_in_dim3A_235 = vector.broadcast %jit3A_234 : i32 to vector<512x1024xi32>
    %select_n3A_236 = arith.select %eq3A_233, %add3A_231, %broadcast_in_dim3A_235 : vector<512x1024xi1>, vector<512x1024xi32>
    %reduce_min3A_237 = arith.constant dense<2147483647> : vector<512xi32>
    %reduce_min3A_238 = vector.multi_reduction <minsi>, %select_n3A_236, %reduce_min3A_237 [1] : vector<512x1024xi32> to vector<512xi32>
    %broadcast_in_dim3A_239 = vector.shape_cast %reduce_min3A_238 : vector<512xi32> to vector<512x1xi32>
    %lt3A_240 = arith.cmpf olt, %broadcast_in_dim3A_227, %select_n3A_207 : vector<512x1xf32>
    %select_n3A_241 = arith.select %lt3A_240, %broadcast_in_dim3A_239, %select_n3A_206 : vector<512x1xi1>, vector<512x1xi32>
    %select_n3A_242 = arith.select %lt3A_240, %broadcast_in_dim3A_227, %select_n3A_207 : vector<512x1xi1>, vector<512x1xf32>
    %get3A_243 = arith.constant 0 : index
    %get3A_244 = arith.constant 7168 : index
    %get3A_245 = vector.load %arg4[%get3A_243, %get3A_244] : memref<256x8192xbf16, #tpu.memory_space<vmem>>, vector<256x1024xbf16>
    %dot_general3A_246 = arith.constant dense<0.000000e+00> : vector<512x1024xf32>
    %dot_general3A_247 = tpu.matmul %get3A_1, %get3A_245, %dot_general3A_246 {dimension_numbers = #tpu.dot_dimension_numbers<[1], [0], [0], [1], [0, 0, 1, 1], [], []>, transpose_lhs_hint = false} : vector<512x256xf32>, vector<256x1024xbf16>, vector<512x1024xf32> -> vector<512x1024xf32>
    %get3A_248 = arith.constant 0 : index
    %get3A_249 = arith.constant 0 : index
    %get3A_250 = arith.constant 7168 : index
    %get3A_251 = vector.load %arg3[%get3A_248, %get3A_249, %get3A_250] : memref<1x1x8192xf32, #tpu.memory_space<vmem>>, vector<1x1x1024xf32>
    %get3A_252 = vector.shape_cast %get3A_251 : vector<1x1x1024xf32> to vector<1x1024xf32>
    %add3A_253 = vector.broadcast %get3A_4 : vector<512x1xf32> to vector<512x1024xf32>
    %add3A_254 = vector.broadcast %get3A_252 : vector<1x1024xf32> to vector<512x1024xf32>
    %add3A_255 = arith.addf %add3A_253, %add3A_254 : vector<512x1024xf32>
    %mul3A_256 = arith.constant 2.000000e+00 : f32
    %mul3A_257 = vector.broadcast %mul3A_256 : f32 to vector<512x1024xf32>
    %mul3A_258 = arith.mulf %mul3A_257, %dot_general3A_247 : vector<512x1024xf32>
    %sub3A_259 = arith.subf %add3A_255, %mul3A_258 : vector<512x1024xf32>
    %reduce_min3A_260 = arith.constant dense<0x7F800000> : vector<512xf32>
    %reduce_min3A_261 = vector.multi_reduction <minimumf>, %sub3A_259, %reduce_min3A_260 [1] : vector<512x1024xf32> to vector<512xf32>
    %broadcast_in_dim3A_262 = vector.shape_cast %reduce_min3A_261 : vector<512xf32> to vector<512x1xf32>
    %iota3A_263 = tpu.iota {dimensions = array<i32: 1>} : vector<512x1024xi32>
    %add3A_264 = arith.constant 7168 : i32
    %add3A_265 = vector.broadcast %add3A_264 : i32 to vector<512x1024xi32>
    %add3A_266 = arith.addi %iota3A_263, %add3A_265 : vector<512x1024xi32>
    %eq3A_267 = vector.broadcast %broadcast_in_dim3A_262 : vector<512x1xf32> to vector<512x1024xf32>
    %eq3A_268 = arith.cmpf oeq, %sub3A_259, %eq3A_267 : vector<512x1024xf32>
    %jit3A_269 = arith.constant 8192 : i32
    %broadcast_in_dim3A_270 = vector.broadcast %jit3A_269 : i32 to vector<512x1024xi32>
    %select_n3A_271 = arith.select %eq3A_268, %add3A_266, %broadcast_in_dim3A_270 : vector<512x1024xi1>, vector<512x1024xi32>
    %reduce_min3A_272 = arith.constant dense<2147483647> : vector<512xi32>
    %reduce_min3A_273 = vector.multi_reduction <minsi>, %select_n3A_271, %reduce_min3A_272 [1] : vector<512x1024xi32> to vector<512xi32>
    %broadcast_in_dim3A_274 = vector.shape_cast %reduce_min3A_273 : vector<512xi32> to vector<512x1xi32>
    %lt3A_275 = arith.cmpf olt, %broadcast_in_dim3A_262, %select_n3A_242 : vector<512x1xf32>
    %select_n3A_276 = arith.select %lt3A_275, %broadcast_in_dim3A_274, %select_n3A_241 : vector<512x1xi1>, vector<512x1xi32>
    %select_n3A_277 = arith.select %lt3A_275, %broadcast_in_dim3A_262, %select_n3A_242 : vector<512x1xi1>, vector<512x1xf32>
    %swap3A = arith.constant 0 : index
    %swap3A_278 = arith.constant 0 : index
    %swap3A_279 = arith.constant 0 : index
    %swap3A_280 = vector.load %arg5[%swap3A, %swap3A_278, %swap3A_279] : memref<1x512x1xi32, #tpu.memory_space<vmem>>, vector<1x512x1xi32>
    %swap3A_281 = vector.shape_cast %swap3A_280 : vector<1x512x1xi32> to vector<512x1xi32>
    %swap3A_282 = vector.shape_cast %select_n3A_276 : vector<512x1xi32> to vector<1x512x1xi32>
    tpu.vector_store %arg5[%swap3A, %swap3A_278, %swap3A_279], %swap3A_282 {strides = array<i32>} : memref<1x512x1xi32, #tpu.memory_space<vmem>>, vector<1x512x1xi32>,
    %swap3A_283 = arith.constant 0 : index
    %swap3A_284 = arith.constant 0 : index
    %swap3A_285 = arith.constant 0 : index
    %swap3A_286 = vector.load %arg6[%swap3A_283, %swap3A_284, %swap3A_285] : memref<1x512x1xf32, #tpu.memory_space<vmem>>, vector<1x512x1xf32>
    %swap3A_287 = vector.shape_cast %swap3A_286 : vector<1x512x1xf32> to vector<512x1xf32>
    %swap3A_288 = vector.shape_cast %select_n3A_277 : vector<512x1xf32> to vector<1x512x1xf32>
    tpu.vector_store %arg6[%swap3A_283, %swap3A_284, %swap3A_285], %swap3A_288 {strides = array<i32>} : memref<1x512x1xf32, #tpu.memory_space<vmem>>, vector<1x512x1xf32>,
    return
  }
  func.func @transform_0(%arg0: i32) -> (i32, i32) {
    %c0_i32 = arith.constant 0 : i32
    %c0_i32_0 = arith.constant 0 : i32
    return %arg0, %c0_i32 : i32, i32
  }
  func.func @transform_1(%arg0: i32) -> (i32, i32) {
    %c0_i32 = arith.constant 0 : i32
    %c0_i32_0 = arith.constant 0 : i32
    return %arg0, %c0_i32 : i32, i32
  }
  func.func @transform_2(%arg0: i32) -> (i32, i32, i32) {
    %c0_i32 = arith.constant 0 : i32
    %c0_i32_0 = arith.constant 0 : i32
    %c0_i32_1 = arith.constant 0 : i32
    %c0_i32_2 = arith.constant 0 : i32
    return %c0_i32, %c0_i32_0, %c0_i32_1 : i32, i32, i32
  }
  func.func @transform_3(%arg0: i32) -> (i32, i32) {
    %c0_i32 = arith.constant 0 : i32
    %c0_i32_0 = arith.constant 0 : i32
    %c0_i32_1 = arith.constant 0 : i32
    return %c0_i32, %c0_i32_0 : i32, i32
  }
  func.func @transform_4(%arg0: i32) -> (i32, i32, i32) {
    %c0_i32 = arith.constant 0 : i32
    %c0_i32_0 = arith.constant 0 : i32
    %c0_i32_1 = arith.constant 0 : i32
    return %arg0, %c0_i32, %c0_i32_0 : i32, i32, i32
  }
  func.func @transform_5(%arg0: i32) -> (i32, i32, i32) {
    %c0_i32 = arith.constant 0 : i32
    %c0_i32_0 = arith.constant 0 : i32
    %c0_i32_1 = arith.constant 0 : i32
    return %arg0, %c0_i32, %c0_i32_0 : i32, i32, i32
  }
}

module attributes {stable_mosaic.version = 14 : i64} {
  func.func @_combine_body(%arg0: i32, %arg1: memref<512x256xf32, #tpu.memory_space<vmem>>, %arg2: memref<512x256xf32, #tpu.memory_space<vmem>>, %arg3: memref<512x256xf32, #tpu.memory_space<vmem>>, %arg4: memref<512x256xf32, #tpu.memory_space<vmem>>, %arg5: memref<512x256xf32, #tpu.memory_space<vmem>>, %arg6: memref<1x512x1xf32, #tpu.memory_space<vmem>>, %arg7: memref<1x512x1xf32, #tpu.memory_space<vmem>>, %arg8: memref<1x512x1xf32, #tpu.memory_space<vmem>>, %arg9: memref<1x512x1xf32, #tpu.memory_space<vmem>>, %arg10: memref<512x256xf32, #tpu.memory_space<vmem>>, %arg11: memref<1x1xf32, #tpu.memory_space<smem>>) attributes {dimension_semantics = [#tpu.dimension_semantics<arbitrary>], iteration_bounds = array<i64: 32>, scalar_prefetch = 0 : i64, scratch_operands = 0 : i64, tpu.core_type = #tpu.core_type<tc>, window_params = [{transform_indices = @transform_0, window_bounds = array<i64: 512, 256>}, {transform_indices = @transform_1, window_bounds = array<i64: 512, 256>}, {transform_indices = @transform_2, window_bounds = array<i64: 512, 256>}, {transform_indices = @transform_3, window_bounds = array<i64: 512, 256>}, {transform_indices = @transform_4, window_bounds = array<i64: 512, 256>}, {transform_indices = @transform_5, window_bounds = array<i64: 1, 512, 1>}, {transform_indices = @transform_6, window_bounds = array<i64: 1, 512, 1>}, {transform_indices = @transform_7, window_bounds = array<i64: 1, 512, 1>}, {transform_indices = @transform_8, window_bounds = array<i64: 1, 512, 1>}, {transform_indices = @transform_9, window_bounds = array<i64: 512, 256>}, {transform_indices = @transform_10, window_bounds = array<i64: 1, 1>}]} {
    %get3A = arith.constant 0 : index
    %get3A_0 = arith.constant 0 : index
    %get3A_1 = vector.load %arg2[%get3A, %get3A_0] : memref<512x256xf32, #tpu.memory_space<vmem>>, vector<512x256xf32>
    %get3A_2 = arith.constant 0 : index
    %get3A_3 = arith.constant 0 : index
    %get3A_4 = vector.load %arg3[%get3A_2, %get3A_3] : memref<512x256xf32, #tpu.memory_space<vmem>>, vector<512x256xf32>
    %add3A = arith.addf %get3A_1, %get3A_4 : vector<512x256xf32>
    %get3A_5 = arith.constant 0 : index
    %get3A_6 = arith.constant 0 : index
    %get3A_7 = vector.load %arg4[%get3A_5, %get3A_6] : memref<512x256xf32, #tpu.memory_space<vmem>>, vector<512x256xf32>
    %add3A_8 = arith.addf %add3A, %get3A_7 : vector<512x256xf32>
    %get3A_9 = arith.constant 0 : index
    %get3A_10 = arith.constant 0 : index
    %get3A_11 = vector.load %arg5[%get3A_9, %get3A_10] : memref<512x256xf32, #tpu.memory_space<vmem>>, vector<512x256xf32>
    %add3A_12 = arith.addf %add3A_8, %get3A_11 : vector<512x256xf32>
    %get3A_13 = arith.constant 0 : index
    %get3A_14 = arith.constant 0 : index
    %get3A_15 = vector.load %arg1[%get3A_13, %get3A_14] : memref<512x256xf32, #tpu.memory_space<vmem>>, vector<512x256xf32>
    %sub3A = arith.subf %add3A_12, %get3A_15 : vector<512x256xf32>
    %add3A_16 = arith.addf %get3A_15, %sub3A : vector<512x256xf32>
    %swap3A = arith.constant 0 : index
    %swap3A_17 = arith.constant 0 : index
    %swap3A_18 = vector.load %arg10[%swap3A, %swap3A_17] : memref<512x256xf32, #tpu.memory_space<vmem>>, vector<512x256xf32>
    tpu.vector_store %arg10[%swap3A, %swap3A_17], %add3A_16 {strides = array<i32>} : memref<512x256xf32, #tpu.memory_space<vmem>>, vector<512x256xf32>,
    %get3A_19 = arith.constant 0 : index
    %get3A_20 = arith.constant 0 : index
    %get3A_21 = arith.constant 0 : index
    %get3A_22 = vector.load %arg6[%get3A_19, %get3A_20, %get3A_21] : memref<1x512x1xf32, #tpu.memory_space<vmem>>, vector<1x512x1xf32>
    %reduce_sum3A = vector.shape_cast %get3A_22 : vector<1x512x1xf32> to vector<1x1x512x1xf32>
    %reduce_sum3A_23 = arith.constant dense<0.000000e+00> : vector<1xf32>
    %reduce_sum3A_24 = vector.multi_reduction <add>, %reduce_sum3A, %reduce_sum3A_23 [1, 2, 3] : vector<1x1x512x1xf32> to vector<1xf32>
    %reduce_sum3A_25 = vector.shape_cast %reduce_sum3A_24 : vector<1xf32> to vector<1x1x1x1xf32>
    %reduce_sum3A_26 = vector.extract %reduce_sum3A_25[0, 0, 0, 0] : f32 from vector<1x1x1x1xf32>
    %get3A_27 = arith.constant 0 : index
    %get3A_28 = arith.constant 0 : index
    %get3A_29 = arith.constant 0 : index
    %get3A_30 = vector.load %arg7[%get3A_27, %get3A_28, %get3A_29] : memref<1x512x1xf32, #tpu.memory_space<vmem>>, vector<1x512x1xf32>
    %reduce_sum3A_31 = vector.shape_cast %get3A_30 : vector<1x512x1xf32> to vector<1x1x512x1xf32>
    %reduce_sum3A_32 = arith.constant dense<0.000000e+00> : vector<1xf32>
    %reduce_sum3A_33 = vector.multi_reduction <add>, %reduce_sum3A_31, %reduce_sum3A_32 [1, 2, 3] : vector<1x1x512x1xf32> to vector<1xf32>
    %reduce_sum3A_34 = vector.shape_cast %reduce_sum3A_33 : vector<1xf32> to vector<1x1x1x1xf32>
    %reduce_sum3A_35 = vector.extract %reduce_sum3A_34[0, 0, 0, 0] : f32 from vector<1x1x1x1xf32>
    %add3A_36 = arith.addf %reduce_sum3A_26, %reduce_sum3A_35 : f32
    %get3A_37 = arith.constant 0 : index
    %get3A_38 = arith.constant 0 : index
    %get3A_39 = arith.constant 0 : index
    %get3A_40 = vector.load %arg8[%get3A_37, %get3A_38, %get3A_39] : memref<1x512x1xf32, #tpu.memory_space<vmem>>, vector<1x512x1xf32>
    %reduce_sum3A_41 = vector.shape_cast %get3A_40 : vector<1x512x1xf32> to vector<1x1x512x1xf32>
    %reduce_sum3A_42 = arith.constant dense<0.000000e+00> : vector<1xf32>
    %reduce_sum3A_43 = vector.multi_reduction <add>, %reduce_sum3A_41, %reduce_sum3A_42 [1, 2, 3] : vector<1x1x512x1xf32> to vector<1xf32>
    %reduce_sum3A_44 = vector.shape_cast %reduce_sum3A_43 : vector<1xf32> to vector<1x1x1x1xf32>
    %reduce_sum3A_45 = vector.extract %reduce_sum3A_44[0, 0, 0, 0] : f32 from vector<1x1x1x1xf32>
    %add3A_46 = arith.addf %add3A_36, %reduce_sum3A_45 : f32
    %get3A_47 = arith.constant 0 : index
    %get3A_48 = arith.constant 0 : index
    %get3A_49 = arith.constant 0 : index
    %get3A_50 = vector.load %arg9[%get3A_47, %get3A_48, %get3A_49] : memref<1x512x1xf32, #tpu.memory_space<vmem>>, vector<1x512x1xf32>
    %reduce_sum3A_51 = vector.shape_cast %get3A_50 : vector<1x512x1xf32> to vector<1x1x512x1xf32>
    %reduce_sum3A_52 = arith.constant dense<0.000000e+00> : vector<1xf32>
    %reduce_sum3A_53 = vector.multi_reduction <add>, %reduce_sum3A_51, %reduce_sum3A_52 [1, 2, 3] : vector<1x1x512x1xf32> to vector<1xf32>
    %reduce_sum3A_54 = vector.shape_cast %reduce_sum3A_53 : vector<1xf32> to vector<1x1x1x1xf32>
    %reduce_sum3A_55 = vector.extract %reduce_sum3A_54[0, 0, 0, 0] : f32 from vector<1x1x1x1xf32>
    %add3A_56 = arith.addf %add3A_46, %reduce_sum3A_55 : f32
    %eq3A = arith.constant 0 : i32
    %eq3A_57 = arith.cmpi eq, %arg0, %eq3A : i32
    %convert_element_type3A = arith.extui %eq3A_57 : i1 to i32
    %cond3A = arith.constant 0 : i32
    %cond3A_58 = arith.cmpi ne, %convert_element_type3A, %cond3A : i32
    scf.if %cond3A_58 {
      %swap3A_63 = arith.constant 0 : index
      %swap3A_64 = arith.constant 0 : index
      %swap3A_65 = memref.load %arg11[%swap3A_63, %swap3A_64] : memref<1x1xf32, #tpu.memory_space<smem>>
      memref.store %add3A_56, %arg11[%swap3A_63, %swap3A_64] : memref<1x1xf32, #tpu.memory_space<smem>>
    } else {
    }
    %gt3A = arith.constant 0 : i32
    %gt3A_59 = arith.cmpi sgt, %arg0, %gt3A : i32
    %convert_element_type3A_60 = arith.extui %gt3A_59 : i1 to i32
    %cond3A_61 = arith.constant 0 : i32
    %cond3A_62 = arith.cmpi ne, %convert_element_type3A_60, %cond3A_61 : i32
    scf.if %cond3A_62 {
      %get3A_63 = arith.constant 0 : index
      %get3A_64 = arith.constant 0 : index
      %get3A_65 = memref.load %arg11[%get3A_63, %get3A_64] : memref<1x1xf32, #tpu.memory_space<smem>>
      %add3A_66 = arith.addf %get3A_65, %add3A_56 : f32
      %swap3A_67 = arith.constant 0 : index
      %swap3A_68 = arith.constant 0 : index
      %swap3A_69 = memref.load %arg11[%swap3A_67, %swap3A_68] : memref<1x1xf32, #tpu.memory_space<smem>>
      memref.store %add3A_66, %arg11[%swap3A_67, %swap3A_68] : memref<1x1xf32, #tpu.memory_space<smem>>
    } else {
    }
    return
  }
  func.func @transform_0(%arg0: i32) -> (i32, i32) {
    %c0_i32 = arith.constant 0 : i32
    %c0_i32_0 = arith.constant 0 : i32
    return %arg0, %c0_i32 : i32, i32
  }
  func.func @transform_1(%arg0: i32) -> (i32, i32) {
    %c0_i32 = arith.constant 0 : i32
    %c0_i32_0 = arith.constant 0 : i32
    return %arg0, %c0_i32 : i32, i32
  }
  func.func @transform_2(%arg0: i32) -> (i32, i32) {
    %c0_i32 = arith.constant 0 : i32
    %c0_i32_0 = arith.constant 0 : i32
    return %arg0, %c0_i32 : i32, i32
  }
  func.func @transform_3(%arg0: i32) -> (i32, i32) {
    %c0_i32 = arith.constant 0 : i32
    %c0_i32_0 = arith.constant 0 : i32
    return %arg0, %c0_i32 : i32, i32
  }
  func.func @transform_4(%arg0: i32) -> (i32, i32) {
    %c0_i32 = arith.constant 0 : i32
    %c0_i32_0 = arith.constant 0 : i32
    return %arg0, %c0_i32 : i32, i32
  }
  func.func @transform_5(%arg0: i32) -> (i32, i32, i32) {
    %c0_i32 = arith.constant 0 : i32
    %c0_i32_0 = arith.constant 0 : i32
    %c0_i32_1 = arith.constant 0 : i32
    return %arg0, %c0_i32, %c0_i32_0 : i32, i32, i32
  }
  func.func @transform_6(%arg0: i32) -> (i32, i32, i32) {
    %c0_i32 = arith.constant 0 : i32
    %c0_i32_0 = arith.constant 0 : i32
    %c0_i32_1 = arith.constant 0 : i32
    return %arg0, %c0_i32, %c0_i32_0 : i32, i32, i32
  }
  func.func @transform_7(%arg0: i32) -> (i32, i32, i32) {
    %c0_i32 = arith.constant 0 : i32
    %c0_i32_0 = arith.constant 0 : i32
    %c0_i32_1 = arith.constant 0 : i32
    return %arg0, %c0_i32, %c0_i32_0 : i32, i32, i32
  }
  func.func @transform_8(%arg0: i32) -> (i32, i32, i32) {
    %c0_i32 = arith.constant 0 : i32
    %c0_i32_0 = arith.constant 0 : i32
    %c0_i32_1 = arith.constant 0 : i32
    return %arg0, %c0_i32, %c0_i32_0 : i32, i32, i32
  }
  func.func @transform_9(%arg0: i32) -> (i32, i32) {
    %c0_i32 = arith.constant 0 : i32
    %c0_i32_0 = arith.constant 0 : i32
    return %arg0, %c0_i32 : i32, i32
  }
  func.func @transform_10(%arg0: i32) -> (i32, i32) {
    %c0_i32 = arith.constant 0 : i32
    %c0_i32_0 = arith.constant 0 : i32
    %c0_i32_1 = arith.constant 0 : i32
    return %c0_i32, %c0_i32_0 : i32, i32
  }
}

</mosaic_0001>

<sc_bundles>
// kernel: kernel.11.cloned.1.call-start
scs
__scs_entry_jumppad:
0x0: {  	(pc) =	sbr.rel $0x88, $3  }
0x1: {  	(tag) =	ssettag $0x0;
	lr =	simm.s32 $0x1  }
0x2: {  	[smem:$0x3F9F] =	sst lr;
	_ =	strace $0xD0000000  }
0x3: {  	_ = 	snop  }
0x4: {  	_ = 	snop  }
0x5: {  	_ = 	snop  }
0x6: {  	_ = 	snop  }
0x7: {  	_ = 	snop  }
__scs_overlays_trampoline_lowered:
0x8: {  	[smem:$0x3FAE] =	sst s0  }
0x9: {  	[smem:$0x3FAF] =	sst s1  }
0xa: {  	[smem:$0x3FB0] =	sst s2  }
0xb: {  	[smem:$0x3FB1] =	sst s3  }
0xc: {  	[smem:$0x3FB2] =	sst s4  }
0xd: {  	[smem:$0x3FB3] =	sst s5  }
0xe: {  	[smem:$0x3FB4] =	sst s6  }
0xf: {  	[smem:$0x3FB5] =	sst s7  }
0x10: {  	[smem:$0x3FB6] =	sst s8  }
0x11: {  	[smem:$0x3FB7] =	sst s9;
	s0 =	simm.s32 @!p0 $0x0  }
0x12: {  	s1 =	sld [smem:$0x3F9D];
	s0 =	simm.s32 @p0 $0x1  }
0x13: {  	[smem:$0x3FB8] =	sst s0;
	s0 =	simm.s32 @!p1 $0x0  }
0x14: {  	s2 =	sld [smem:$0x3F9C];
	s0 =	simm.s32 @p1 $0x1  }
0x15: {  	[smem:$0x3FB9] =	sst s0;
	s0 =	simm.s32 @!p2 $0x0  }
0x16: {  	s3 =	sld [smem:$0x3FDB];
	s0 =	simm.s32 @p2 $0x1  }
0x17: {  	s4 =	simm.s32 $0x1BF5;
	[smem:$0x3FBB] =	sst s0  }
0x18: {  	s0 =	sld [smem:$0x3F9E];
	_ =	swait.ge [sflag:s4], $0x0  }
0x19: {  	s7 =	sld [smem:$0x3F9F]  }
0x1a: {  	s8 =	sadd.s32 $0xFFFFE003, lr  }
0x1b: {  	s9 =	sadd.s32 $0xFFFFFEF7, lr;
	s5 =	simm.s32 $0xFFFFFFFF;
	p2 =	slt.u32 s8, $0xFFFFF086  }
0x1c: {  	p1 =	slt.u32 s9, $0xF7A;
	s5 =	simm.s32 @!p2 $0x0  }
0x1d: {  	s5 =	simm.s32 @p1 $0x1;
	p0 =	seq.s32 s7, s2  }
0x1e: {  	s7 =	smul.u32 @!p0 $0xF7A, s2;
	p2 =	seq.s32 @!p0 s5, $0x0  }
0x1f: {  	s9 =	smul.u32 $0xF7A, s1;
	s8 =	simm.s32 @!p0 $0x1BF5;
	p2 =	por !p2, p0  }
0x20: {  	[sflag:s8] =	ssyncset.s32 @!p0 $0xFFFFF086;
	s6 =	sadd.s32 @!p0 s3, s7;
	s7 =	simm.s32 @!p0 $0x108  }
0x21: {  	s3 =	sadd.s32 s3, s9;
	s6 =	sadd.s32 @!p0 $0x88, s6;
	s7 =	simm.s32 @p2 $0x1082  }
0x22: {  	[simem:s7], [sflag:s8] =	dma.local @!p0 [hbm:s6], $0xF7A  }
0x23: {  	s9 =	sor.u32 $0xD0000000, s2;
	s6 =	simm.s32 $0x108;
	_ =	swait.ge @!p0 [sflag:s8], $0x0  }
0x24: {  	s3 =	sadd.s32 $0x88, s3;
	s6 =	simm.s32 @!p1 $0x1082;
	[sflag:s4] =	ssyncset.s32 $0xFFFFF086  }
0x25: {  	[simem:s6], [sflag:s4] =	dma.local [hbm:s3], $0xF7A  }
0x26: {  	[smem:$0x3F9F] =	sst s1;
	(tag) =	ssettag s2;
	_ =	strace s9  }
0x27: {  	s1 =	sld [smem:$0x3FAF]  }
0x28: {  	s2 =	sld [smem:$0x3FB0]  }
0x29: {  	s4 =	sld [smem:$0x3FB2]  }
0x2a: {  	p0 =	seq.s32 s5, $0x0;
	s5 =	sld [smem:$0x3FB3]  }
0x2b: {  	s6 =	sld [smem:$0x3FB4]  }
0x2c: {  	s7 =	sld [smem:$0x3FB5]  }
0x2d: {  	s3 =	simm.s32 $0x108;
	s8 =	sld [smem:$0x3FB6]  }
0x2e: {  	s3 =	simm.s32 @!p0 $0x1082;
	s9 =	sld [smem:$0x3FB7]  }
0x2f: {  	lr =	sadd.s32 s0, s3;
	s0 =	sld [smem:$0x3FAE]  }
0x30: {  	s3 =	sld [smem:$0x3FB1]  }
0x31: {  	[smem:$0x3FBA] =	sst s10  }
0x32: {  	s10 =	sld [smem:$0x3FB8];
	_ =	sdelay $0x3  }
0x33: {  	p0 =	seq.s32 s10, $0x1;
	s10 =	sld [smem:$0x3FBA];
	_ =	sdelay $0x3  }
0x34: {  	[smem:$0x3FBA] =	sst s10  }
0x35: {  	s10 =	sld [smem:$0x3FB9];
	_ =	sdelay $0x3  }
0x36: {  	p1 =	seq.s32 s10, $0x1;
	s10 =	sld [smem:$0x3FBA];
	_ =	sdelay $0x3  }
0x37: {  	[smem:$0x3FBA] =	sst s10  }
0x38: {  	s10 =	sld [smem:$0x3FBB]  }
0x39: {  	_ = 	snop;
	(pc) =	sbr.ind lr, $3  }
0x3a: {  	_ = 	snop  }
0x3b: {  	_ = 	snop  }
0x3c: {  	p2 =	seq.s32 s10, $0x1;
	s10 =	sld [smem:$0x3FBA]  }
0x3d: {  	_ =	shalt  }
0x3e: {  	_ =	shalt  }
0x3f: {  	_ =	shalt  }
0x40: {  	_ =	shalt  }
0x41: {  	_ =	shalt  }
0x42: {  	_ =	shalt  }
0x43: {  	_ =	shalt  }
0x44: {  	_ =	shalt  }
0x45: {  	_ =	shalt  }
0x46: {  	_ =	shalt  }
0x47: {  	_ =	shalt  }
0x48: {  	_ =	shalt  }
0x49: {  	_ =	shalt  }
0x4a: {  	_ =	shalt  }
0x4b: {  	_ =	shalt  }
0x4c: {  	_ =	shalt  }
0x4d: {  	_ =	shalt  }
0x4e: {  	_ =	shalt  }
0x4f: {  	_ =	shalt  }
0x50: {  	_ =	shalt  }
0x51: {  	_ =	shalt  }
0x52: {  	_ =	shalt  }
0x53: {  	_ =	shalt  }
0x54: {  	_ =	shalt  }
0x55: {  	_ =	shalt  }
0x56: {  	_ =	shalt  }
0x57: {  	_ =	shalt  }
0x58: {  	_ =	shalt  }
0x59: {  	_ =	shalt  }
0x5a: {  	_ =	shalt  }
0x5b: {  	_ =	shalt  }
0x5c: {  	_ =	shalt  }
0x5d: {  	_ =	shalt  }
0x5e: {  	_ =	shalt  }
0x5f: {  	_ =	shalt  }
0x60: {  	_ =	shalt  }
0x61: {  	_ =	shalt  }
0x62: {  	_ =	shalt  }
0x63: {  	_ =	shalt  }
0x64: {  	_ =	shalt  }
0x65: {  	_ =	shalt  }
0x66: {  	_ =	shalt  }
0x67: {  	_ =	shalt  }
0x68: {  	_ =	shalt  }
0x69: {  	_ =	shalt  }
0x6a: {  	_ =	shalt  }
0x6b: {  	_ =	shalt  }
0x6c: {  	_ =	shalt  }
0x6d: {  	_ =	shalt  }
0x6e: {  	_ =	shalt  }
0x6f: {  	_ =	shalt  }
0x70: {  	_ =	shalt  }
0x71: {  	_ =	shalt  }
0x72: {  	_ =	shalt  }
0x73: {  	_ =	shalt  }
0x74: {  	_ =	shalt  }
0x75: {  	_ =	shalt  }
0x76: {  	_ =	shalt  }
0x77: {  	_ =	shalt  }
0x78: {  	_ =	shalt  }
0x79: {  	_ =	shalt  }
0x7a: {  	_ =	shalt  }
0x7b: {  	_ =	shalt  }
0x7c: {  	_ =	shalt  }
0x7d: {  	_ =	shalt  }
0x7e: {  	_ =	shalt  }
0x7f: {  	_ =	shalt  }
0x80: {  	_ =	shalt  }
0x81: {  	_ =	shalt  }
0x82: {  	_ =	shalt  }
0x83: {  	_ =	shalt  }
0x84: {  	_ =	shalt  }
0x85: {  	_ =	shalt  }
0x86: {  	_ =	shalt  }
0x87: {  	_ =	shalt  }
.Lfunc_end0:
.L_simem_size_0:
called_computation_lowered:
.L_overlay_start_0:
0x88: {  	s2 =	sld [smem:$0x3FD9]  }
0x89: {  	s3 =	sld [smem:$0x3FFE];
	_ =	sdelay $0x1  }
0x8a: {  	s1 =	srdreg.scid  }
0x8b: {  	s0 =	sand.u32 $0x1, s1  }
0x8c: {  	s14 =	sshll.u32 s0, $0xA;
	s2 =	sadd.s32 s3, s2  }
0x8d: {  	s2 =	sadd.s32 s2, s14  }
0x8e: {  	[smem:$0x3FC6] =	sst s2  }
0x8f: {  	_ = 	snop  }
0x90: {  	s2 =	sld [smem:$0x3FD0];
	_ =	sdelay $0x2  }
0x91: {  	s15 =	simm.s32 $0xA;
	s4 =	simm.s32 $0x10  }
0x92: {  	[smem:s4], [sflag:s15] =	dma.local [hbm:s2], $0x1  }
0x93: {  	_ =	swait.eq [sflag:s15], $0x1  }
0x94: {  	[sflag:s15] =	ssyncset.done $0x0  }
0x95: {  	[sflag:s15] =	ssyncadd.s32 $0xFFFFFFFF  }
0x96: {  	s16 =	sld [smem:$0x11];
	(tm) =	ssettm $0x1  }
0x97: {  	s17 =	sld [smem:$0x3FFB];
	_ =	sdelay $0x3  }
0x98: {  	_ =	strace s17  }
0x99: {  	s3 =	sld [smem:$0x3FFC];
	_ =	sdelay $0x3  }
0x9a: {  	_ =	strace s3  }
0x9b: {  	s3 =	sld [smem:$0x3FFD];
	_ =	sdelay $0x3  }
0x9c: {  	_ =	strace s3  }
0x9d: {  	_ =	strace $0x8FFFFFFF  }
0x9e: {  	s18 =	sld [smem:$0x3FDB];
	_ =	sdelay $0x1  }
0x9f: {  	s19 =	simm.s32 $_scs_section_size  }
0xa0: {  	s5 =	simm.s32 $_size__tile_overlayer_lowered;
	s6 =	simm.s32 $_tile_overlayer_lowered  }
0xa1: {  	s22 =	simm.s32 $0x1BFF;
	s21 =	sshll.u32 s6, $0x1;
	s3 =	sadd.s32 s19, s18  }
0xa2: {  	s7 =	simm.s32 $0x0;
	s20 =	sshll.u32 s5, $0x1;
	s5 =	sadd.s32 s21, s3  }
0xa3: {  	[timem:s7], [sflag:s22] =	dma.local [hbm:s5], s20  }
0xa4: {  	_ =	swait.ge [sflag:s22], s20  }
0xa5: {  	s4 =	ssub.s32 $0x0, s20;
	[sflag:s22] =	ssyncset.done $0x0  }
0xa6: {  	[sflag:s22] =	ssyncadd.s32 s4;
	_ =	sdelay $0x1  }
0xa7: {  	s23 =	simm.s32 $0x1B8B  }
0xa8: {  	_ =	swait.ge [sflag:s23], $0x1  }
0xa9: {  	[sflag:s23] =	ssyncset.done $0x0  }
0xaa: {  	s25 =	simm.s32 $0x1B8E;
	s24 =	sld [smem:$0x3FFE];
	[sflag:s23] =	ssyncadd.s32 $0xFFFFFFFF  }
0xab: {  	s26 =	simm.s32 $execute0_lowered;
	[smem:$0x3FD2] =	sst s25  }
0xac: {  	s5 =	sshll.u32 s26, $0x1;
	_ =	strace $0x80000046;
	[dreg:$0x1] =	wrdreg $0xFFFFFFFF  }
0xad: {  	s28 =	simm.s32 $_size_execute0_lowered;
	s3 =	sadd.s32 s3, s5;
	[dreg:$0x0] =	wrdreg $0x0  }
0xae: {  	s5 =	sshll.u32 s28, $0x1;
	[dreg:$0x2] =	wrdreg s3  }
0xaf: {  	[dreg:$0x3] =	wrdreg s5  }
0xb0: {  	[dreg:$0x4] =	wrdreg $0xC0  }
0xb1: {  	_ =	task [dreg:s7], $0x5FFFF  }
0xb2: {  	[dreg:$0x1] =	wrdreg $0xFFFFFFFF  }
0xb3: {  	[dreg:$0x0] =	wrdreg $0x60  }
0xb4: {  	[dreg:$0x2] =	wrdreg s24  }
0xb5: {  	[dreg:$0x3] =	wrdreg s16  }
0xb6: {  	[dreg:$0x4] =	wrdreg $0x9  }
0xb7: {  	_ =	task.clear_ibuf [dreg:s7], $0x5FFFF;
	_ =	strace $0x90000046  }
0xb8: {  	s29 =	simm.s32 $0x9;
	_ =	strace $0x80000048  }
0xb9: {  	_ =	swait.ge [sflag:s29], $0x1  }
0xba: {  	[sflag:s29] =	ssyncadd.s32 $0xFFFFFFFF  }
0xbb: {  	_ =	strace $0x90000048  }
0xbc: {  	_ =	sfence  }
0xbd: {  	s30 =	sld [smem:$0x0];
	_ =	sdelay $0x2  }
0xbe: {  	s31 =	sshll.u32 s1, $0xD;
	s1 =	sshrl.u32 s1, $0x2  }
0xbf: {  	s3 =	sand.u32 $0x4000, s31;
	s1 =	sadd.s32 s1, s30  }
0xc0: {  	s0 =	sor.u32 s3, s0;
	s1 =	sshll.u32 s1, $0x11  }
0xc1: {  	s0 =	sor.u32 s1, s0  }
0xc2: {  	s0 =	sadd.s32 $0x8F2B, s0  }
0xc3: {  	[sflag:s0] =	ssyncadd.remote.s32 $0x1  }
0xc4: {  	_ =	sfence.sel $0xFFFF  }
0xc5: {  	[dreg:$0x0] =	wrdreg $0xFFFFFFFF;
	(pc) =	sbr.abs _section_cstart, $3  }
0xc6: {  	[dreg:$0x1] =	wrdreg $0xFFFFFFFF  }
0xc7: {  	_ =	task.clear_ibuf [dreg:s7], $0x2FFFF;
	_ =	strace $0x9FFFFFFF  }
0xc8: {  	(tm) =	ssettm $0x7FFFFFFF  }
0xc9: {  	_ =	shalt  }
tec
execute0_lowered:
.L_overlay_start_1:
0x0: {  	(tag) =	ssettag $0x1  }
0x1: {  	s4 =	rddreg [dreg:$0x0]  }
0x2: {  	s10 =	rddreg [dreg:$0x1]  }
0x3: {  	s0 =	rddreg [dreg:$0x2];
	s1 =	simm.s32 $0x0  }
0x4: {  	s5 =	srdreg.scid;
	s2 =	stileid.u32;
	s15 =	simm.s32 $0x880  }
0x5: {  	s16 =	simm.s32 $0x1080;
	s17 =	simm.s32 $0x1880;
	s18 =	simm.s32 $0x2080  }
0x6: {  	s19 =	simm.s32 $0x2880;
	s20 =	simm.s32 $0x3080;
	s28 =	simm.s32 $0x6880  }
0x7: {  	s29 =	simm.s32 $0x7080;
	s30 =	simm.s32 $0x7880;
	s31 =	simm.s32 $0x1  }
0x8: {  	[smem:$0x7FF] =	sst s1;
	s3 =	sadd.s32 $0x2E00, s4;
	s5 =	sand.u32 $0x1, s5  }
0x9: {  	s7 =	sshll.u32 s2, $0xA;
	s6 =	ssub.s32 $0x2, s5;
	s5 =	sshll.u32 s5, $0x9  }
0xa: {  	s11 =	sadd.s32 $0x162E00, s4;
	s21 =	sshrl.u32 s6, $0x1;
	s9 =	sor.u32 s5, s7  }
0xb: {  	_ =	strace $0x80000047;
	s12 =	ssub.s32 s6, s21;
	s22 =	sshrl.u32 s9, $0x3  }
0xc: {  	s5 =	sshll.u32 s9, $0x5;
	s23 =	sor.u32 $0x80, s9;
	s13 =	sor.u32 $0x100, s9  }
0xd: {  	s14 =	sor.u32 $0x180, s9;
	s21 =	simm.s32 $0x3880;
	s4 =	sadd.s32 s10, s22  }
0xe: {  	s5 =	sadd.s32 s11, s5;
	s24 =	sshrl.u32 s23, $0x3;
	s8 =	sshll.u32 s23, $0x5  }
0xf: {  	s25 =	sshrl.u32 s13, $0x3;
	s13 =	sshll.u32 s13, $0x5;
	s26 =	sshrl.u32 s14, $0x3  }
0x10: {  	s14 =	sshll.u32 s14, $0x5;
	s12 =	smax.u32 s12, $0x1;
	s22 =	simm.s32 $0x4080  }
0x11: {  	s23 =	simm.s32 $0x4880;
	s6 =	sadd.s32 s10, s24;
	s7 =	sadd.s32 s11, s8  }
0x12: {  	v2 =	vlaneseq.u32;
	s8 =	sadd.s32 s10, s25;
	s9 =	sadd.s32 s11, s13;
	s10 =	sadd.s32 s10, s26  }
0x13: {  	vm0 =	vmmov $0xffff;
	v1 =	vshrl.u32 v2, $0x3;
	s11 =	sadd.s32 s11, s14;
	s13 =	simm.s32 $0x2;
	s14 =	simm.s32 $0x80  }
0x14: {  	v0 =	vand.u32 $0x7, v2;
	v2 =	vor.u32 $0x8, v2;
	v1 =	vmul.u32 $0x8, v1;
	s24 =	simm.s32 $0x5080;
	s25 =	simm.s32 $0x5880;
	s26 =	simm.s32 $0x6080  }
.LBB2_1:
0x15: {  	[tilespmem:s1], [sflag:$0x2] =	stream.linear.gather [hbm4b:s4+s1], $0x80, $0x38;
	[tilespmem:$0x8080] =	vst v63  }
0x16: {  	_ =	swait.ge [sflag:s13], $0x80  }
0x17: {  	[sflag:s13] =	ssyncset.done $0x0  }
0x18: {  	[sflag:s13] =	ssyncadd.s32 $0xFFFFFF80  }
0x19: {  	v3 =	vld [tilespmem:$0x0];
	_ =	sdelay $0x4  }
0x1a: {  	v4 =	vshll.u32 v3, $0x1  }
0x1b: {  	v3 =	vand.u32 $0x7, v3;
	v4 =	vand.u32 $0xFFFFFFF0, v4  }
0x1c: {  	v3 =	vor.u32 v3, v4  }
0x1d: {  	v4 =	vperm.xlane v3, v0;
	_ =	sdelay $0x1  }
0x1e: {  	v3 =	vperm.xlane v3, v2;
	v4 =	vadd.s32 v1, v4;
	_ =	sdelay $0x1  }
0x1f: {  	v3 =	vadd.s32 v1, v3;
	_ =	sdelay $0x2  }
0x20: {  	[tilespmem:s14], [sflag:$0x1] =	stream.indirect_vreg.gather [hbm4b:s3+s1], $0x80, v4, vm0, $0xb8;
	[tilespmem:$0x8080] =	vst v63  }
0x21: {  	_ = 	snop  }
0x22: {  	[tilespmem:s15], [sflag:$0x1] =	stream.indirect_vreg.gather [hbm4b:s3+s1], $0x80, v3, vm0, $0xb8;
	[tilespmem:$0x8080] =	vst v63  }
0x23: {  	v3 =	vld [tilespmem:$0x10];
	_ =	sdelay $0x4  }
0x24: {  	v33 =	vshll.u32 v3, $0x1  }
0x25: {  	v3 =	vand.u32 $0x7, v3;
	v4 =	vand.u32 $0xFFFFFFF0, v33  }
0x26: {  	v3 =	vor.u32 v3, v4  }
0x27: {  	v4 =	vperm.xlane v3, v0;
	_ =	sdelay $0x1  }
0x28: {  	v3 =	vperm.xlane v3, v2;
	v4 =	vadd.s32 v1, v4;
	_ =	sdelay $0x1  }
0x29: {  	v3 =	vadd.s32 v1, v3;
	_ =	sdelay $0x2  }
0x2a: {  	[tilespmem:s16], [sflag:$0x1] =	stream.indirect_vreg.gather [hbm4b:s3+s1], $0x80, v4, vm0, $0xb8;
	[tilespmem:$0x8080] =	vst v63  }
0x2b: {  	_ = 	snop  }
0x2c: {  	[tilespmem:s17], [sflag:$0x1] =	stream.indirect_vreg.gather [hbm4b:s3+s1], $0x80, v3, vm0, $0xb8;
	[tilespmem:$0x8080] =	vst v63  }
0x2d: {  	v3 =	vld [tilespmem:$0x20];
	_ =	sdelay $0x4  }
0x2e: {  	v34 =	vshll.u32 v3, $0x1  }
0x2f: {  	v3 =	vand.u32 $0x7, v3;
	v4 =	vand.u32 $0xFFFFFFF0, v34  }
0x30: {  	v3 =	vor.u32 v3, v4  }
0x31: {  	v4 =	vperm.xlane v3, v0;
	_ =	sdelay $0x1  }
0x32: {  	v3 =	vperm.xlane v3, v2;
	v4 =	vadd.s32 v1, v4;
	_ =	sdelay $0x1  }
0x33: {  	v3 =	vadd.s32 v1, v3;
	_ =	sdelay $0x2  }
0x34: {  	[tilespmem:s18], [sflag:$0x1] =	stream.indirect_vreg.gather [hbm4b:s3+s1], $0x80, v4, vm0, $0xb8;
	[tilespmem:$0x8080] =	vst v63  }
0x35: {  	_ = 	snop  }
0x36: {  	[tilespmem:s19], [sflag:$0x1] =	stream.indirect_vreg.gather [hbm4b:s3+s1], $0x80, v3, vm0, $0xb8;
	[tilespmem:$0x8080] =	vst v63  }
0x37: {  	v3 =	vld [tilespmem:$0x30];
	_ =	sdelay $0x4  }
0x38: {  	v35 =	vshll.u32 v3, $0x1  }
0x39: {  	v3 =	vand.u32 $0x7, v3;
	v4 =	vand.u32 $0xFFFFFFF0, v35  }
0x3a: {  	v3 =	vor.u32 v3, v4  }
0x3b: {  	v4 =	vperm.xlane v3, v0;
	_ =	sdelay $0x1  }
0x3c: {  	v3 =	vperm.xlane v3, v2;
	v4 =	vadd.s32 v1, v4;
	_ =	sdelay $0x1  }
0x3d: {  	v3 =	vadd.s32 v1, v3;
	_ =	sdelay $0x2  }
0x3e: {  	[tilespmem:s20], [sflag:$0x1] =	stream.indirect_vreg.gather [hbm4b:s3+s1], $0x80, v4, vm0, $0xb8;
	[tilespmem:$0x8080] =	vst v63  }
0x3f: {  	_ = 	snop  }
0x40: {  	[tilespmem:s21], [sflag:$0x1] =	stream.indirect_vreg.gather [hbm4b:s3+s1], $0x80, v3, vm0, $0xb8;
	[tilespmem:$0x8080] =	vst v63  }
0x41: {  	v3 =	vld [tilespmem:$0x40];
	_ =	sdelay $0x4  }
0x42: {  	v36 =	vshll.u32 v3, $0x1  }
0x43: {  	v3 =	vand.u32 $0x7, v3;
	v4 =	vand.u32 $0xFFFFFFF0, v36  }
0x44: {  	v3 =	vor.u32 v3, v4  }
0x45: {  	v4 =	vperm.xlane v3, v0;
	_ =	sdelay $0x1  }
0x46: {  	v3 =	vperm.xlane v3, v2;
	v4 =	vadd.s32 v1, v4;
	_ =	sdelay $0x1  }
0x47: {  	v3 =	vadd.s32 v1, v3;
	_ =	sdelay $0x2  }
0x48: {  	[tilespmem:s22], [sflag:$0x1] =	stream.indirect_vreg.gather [hbm4b:s3+s1], $0x80, v4, vm0, $0xb8;
	[tilespmem:$0x8080] =	vst v63  }
0x49: {  	_ = 	snop  }
0x4a: {  	[tilespmem:s23], [sflag:$0x1] =	stream.indirect_vreg.gather [hbm4b:s3+s1], $0x80, v3, vm0, $0xb8;
	[tilespmem:$0x8080] =	vst v63  }
0x4b: {  	v3 =	vld [tilespmem:$0x50];
	_ =	sdelay $0x4  }
0x4c: {  	v37 =	vshll.u32 v3, $0x1  }
0x4d: {  	v3 =	vand.u32 $0x7, v3;
	v4 =	vand.u32 $0xFFFFFFF0, v37  }
0x4e: {  	v3 =	vor.u32 v3, v4  }
0x4f: {  	v4 =	vperm.xlane v3, v0;
	_ =	sdelay $0x1  }
0x50: {  	v3 =	vperm.xlane v3, v2;
	v4 =	vadd.s32 v1, v4;
	_ =	sdelay $0x1  }
0x51: {  	v3 =	vadd.s32 v1, v3;
	_ =	sdelay $0x2  }
0x52: {  	[tilespmem:s24], [sflag:$0x1] =	stream.indirect_vreg.gather [hbm4b:s3+s1], $0x80, v4, vm0, $0xb8;
	[tilespmem:$0x8080] =	vst v63  }
0x53: {  	_ = 	snop  }
0x54: {  	[tilespmem:s25], [sflag:$0x1] =	stream.indirect_vreg.gather [hbm4b:s3+s1], $0x80, v3, vm0, $0xb8;
	[tilespmem:$0x8080] =	vst v63  }
0x55: {  	v3 =	vld [tilespmem:$0x60];
	_ =	sdelay $0x4  }
0x56: {  	v38 =	vshll.u32 v3, $0x1  }
0x57: {  	v3 =	vand.u32 $0x7, v3;
	v4 =	vand.u32 $0xFFFFFFF0, v38  }
0x58: {  	v3 =	vor.u32 v3, v4  }
0x59: {  	v4 =	vperm.xlane v3, v0;
	_ =	sdelay $0x1  }
0x5a: {  	v3 =	vperm.xlane v3, v2;
	v4 =	vadd.s32 v1, v4;
	_ =	sdelay $0x1  }
0x5b: {  	v3 =	vadd.s32 v1, v3;
	_ =	sdelay $0x2  }
0x5c: {  	[tilespmem:s26], [sflag:$0x1] =	stream.indirect_vreg.gather [hbm4b:s3+s1], $0x80, v4, vm0, $0xb8;
	[tilespmem:$0x8080] =	vst v63  }
0x5d: {  	_ = 	snop  }
0x5e: {  	[tilespmem:s28], [sflag:$0x1] =	stream.indirect_vreg.gather [hbm4b:s3+s1], $0x80, v3, vm0, $0xb8;
	[tilespmem:$0x8080] =	vst v63  }
0x5f: {  	v3 =	vld [tilespmem:$0x70];
	_ =	sdelay $0x4  }
0x60: {  	v39 =	vshll.u32 v3, $0x1  }
0x61: {  	v3 =	vand.u32 $0x7, v3;
	v4 =	vand.u32 $0xFFFFFFF0, v39  }
0x62: {  	v3 =	vor.u32 v3, v4  }
0x63: {  	v4 =	vperm.xlane v3, v0;
	_ =	sdelay $0x1  }
0x64: {  	v3 =	vperm.xlane v3, v2;
	v4 =	vadd.s32 v1, v4;
	_ =	sdelay $0x1  }
0x65: {  	v3 =	vadd.s32 v1, v3;
	_ =	sdelay $0x2  }
0x66: {  	[tilespmem:s29], [sflag:$0x1] =	stream.indirect_vreg.gather [hbm4b:s3+s1], $0x80, v4, vm0, $0xb8;
	[tilespmem:$0x8080] =	vst v63  }
0x67: {  	_ = 	snop  }
0x68: {  	[tilespmem:s30], [sflag:$0x1] =	stream.indirect_vreg.gather [hbm4b:s3+s1], $0x80, v3, vm0, $0xb8;
	[tilespmem:$0x8080] =	vst v63  }
0x69: {  	_ =	swait.ge [sflag:s31], $0x8000  }
0x6a: {  	[sflag:s31] =	ssyncset.done $0x0  }
0x6b: {  	[sflag:s31] =	ssyncadd.s32 $0xFFFF8000  }
0x6c: {  	[hbm4b:s5+s1] =	stream.linear.scatter [tilespmem:s14], [sflag:$0x2], $0x8000, $0x38;
	[tilespmem:$0x8080] =	vst v63  }
0x6d: {  	_ =	swait.ge [sflag:s13], $0x8000  }
0x6e: {  	[sflag:s13] =	ssyncset.done $0x0  }
0x6f: {  	[sflag:s13] =	ssyncadd.s32 $0xFFFF8000  }
0x70: {  	[tilespmem:s1], [sflag:$0x2] =	stream.linear.gather [hbm4b:s6+s1], $0x80, $0x38;
	[tilespmem:$0x8080] =	vst v63  }
0x71: {  	_ =	swait.ge [sflag:s13], $0x80  }
0x72: {  	[sflag:s13] =	ssyncset.done $0x0  }
0x73: {  	[sflag:s13] =	ssyncadd.s32 $0xFFFFFF80  }
0x74: {  	v3 =	vld [tilespmem:$0x0];
	_ =	sdelay $0x4  }
0x75: {  	v40 =	vshll.u32 v3, $0x1  }
0x76: {  	v3 =	vand.u32 $0x7, v3;
	v4 =	vand.u32 $0xFFFFFFF0, v40  }
0x77: {  	v3 =	vor.u32 v3, v4  }
0x78: {  	v4 =	vperm.xlane v3, v0;
	_ =	sdelay $0x1  }
0x79: {  	v3 =	vperm.xlane v3, v2;
	v4 =	vadd.s32 v1, v4;
	_ =	sdelay $0x1  }
0x7a: {  	v3 =	vadd.s32 v1, v3;
	_ =	sdelay $0x2  }
0x7b: {  	[tilespmem:s14], [sflag:$0x1] =	stream.indirect_vreg.gather [hbm4b:s3+s1], $0x80, v4, vm0, $0xb8;
	[tilespmem:$0x8080] =	vst v63  }
0x7c: {  	_ = 	snop  }
0x7d: {  	[tilespmem:s15], [sflag:$0x1] =	stream.indirect_vreg.gather [hbm4b:s3+s1], $0x80, v3, vm0, $0xb8;
	[tilespmem:$0x8080] =	vst v63  }
0x7e: {  	v3 =	vld [tilespmem:$0x10];
	_ =	sdelay $0x4  }
0x7f: {  	v41 =	vshll.u32 v3, $0x1  }
0x80: {  	v3 =	vand.u32 $0x7, v3;
	v4 =	vand.u32 $0xFFFFFFF0, v41  }
0x81: {  	v3 =	vor.u32 v3, v4  }
0x82: {  	v4 =	vperm.xlane v3, v0;
	_ =	sdelay $0x1  }
0x83: {  	v3 =	vperm.xlane v3, v2;
	v4 =	vadd.s32 v1, v4;
	_ =	sdelay $0x1  }
0x84: {  	v3 =	vadd.s32 v1, v3;
	_ =	sdelay $0x2  }
0x85: {  	[tilespmem:s16], [sflag:$0x1] =	stream.indirect_vreg.gather [hbm4b:s3+s1], $0x80, v4, vm0, $0xb8;
	[tilespmem:$0x8080] =	vst v63  }
0x86: {  	_ = 	snop  }
0x87: {  	[tilespmem:s17], [sflag:$0x1] =	stream.indirect_vreg.gather [hbm4b:s3+s1], $0x80, v3, vm0, $0xb8;
	[tilespmem:$0x8080] =	vst v63  }
0x88: {  	v3 =	vld [tilespmem:$0x20];
	_ =	sdelay $0x4  }
0x89: {  	v42 =	vshll.u32 v3, $0x1  }
0x8a: {  	v3 =	vand.u32 $0x7, v3;
	v4 =	vand.u32 $0xFFFFFFF0, v42  }
0x8b: {  	v3 =	vor.u32 v3, v4  }
0x8c: {  	v4 =	vperm.xlane v3, v0;
	_ =	sdelay $0x1  }
0x8d: {  	v3 =	vperm.xlane v3, v2;
	v4 =	vadd.s32 v1, v4;
	_ =	sdelay $0x1  }
0x8e: {  	v3 =	vadd.s32 v1, v3;
	_ =	sdelay $0x2  }
0x8f: {  	[tilespmem:s18], [sflag:$0x1] =	stream.indirect_vreg.gather [hbm4b:s3+s1], $0x80, v4, vm0, $0xb8;
	[tilespmem:$0x8080] =	vst v63  }
0x90: {  	_ = 	snop  }
0x91: {  	[tilespmem:s19], [sflag:$0x1] =	stream.indirect_vreg.gather [hbm4b:s3+s1], $0x80, v3, vm0, $0xb8;
	[tilespmem:$0x8080] =	vst v63  }
0x92: {  	v3 =	vld [tilespmem:$0x30];
	_ =	sdelay $0x4  }
0x93: {  	v43 =	vshll.u32 v3, $0x1  }
0x94: {  	v3 =	vand.u32 $0x7, v3;
	v4 =	vand.u32 $0xFFFFFFF0, v43  }
0x95: {  	v3 =	vor.u32 v3, v4  }
0x96: {  	v4 =	vperm.xlane v3, v0;
	_ =	sdelay $0x1  }
0x97: {  	v3 =	vperm.xlane v3, v2;
	v4 =	vadd.s32 v1, v4;
	_ =	sdelay $0x1  }
0x98: {  	v3 =	vadd.s32 v1, v3;
	_ =	sdelay $0x2  }
0x99: {  	[tilespmem:s20], [sflag:$0x1] =	stream.indirect_vreg.gather [hbm4b:s3+s1], $0x80, v4, vm0, $0xb8;
	[tilespmem:$0x8080] =	vst v63  }
0x9a: {  	_ = 	snop  }
0x9b: {  	[tilespmem:s21], [sflag:$0x1] =	stream.indirect_vreg.gather [hbm4b:s3+s1], $0x80, v3, vm0, $0xb8;
	[tilespmem:$0x8080] =	vst v63  }
0x9c: {  	v3 =	vld [tilespmem:$0x40];
	_ =	sdelay $0x4  }
0x9d: {  	v44 =	vshll.u32 v3, $0x1  }
0x9e: {  	v3 =	vand.u32 $0x7, v3;
	v4 =	vand.u32 $0xFFFFFFF0, v44  }
0x9f: {  	v3 =	vor.u32 v3, v4  }
0xa0: {  	v4 =	vperm.xlane v3, v0;
	_ =	sdelay $0x1  }
0xa1: {  	v3 =	vperm.xlane v3, v2;
	v4 =	vadd.s32 v1, v4;
	_ =	sdelay $0x1  }
0xa2: {  	v3 =	vadd.s32 v1, v3;
	_ =	sdelay $0x2  }
0xa3: {  	[tilespmem:s22], [sflag:$0x1] =	stream.indirect_vreg.gather [hbm4b:s3+s1], $0x80, v4, vm0, $0xb8;
	[tilespmem:$0x8080] =	vst v63  }
0xa4: {  	_ = 	snop  }
0xa5: {  	[tilespmem:s23], [sflag:$0x1] =	stream.indirect_vreg.gather [hbm4b:s3+s1], $0x80, v3, vm0, $0xb8;
	[tilespmem:$0x8080] =	vst v63  }
0xa6: {  	v3 =	vld [tilespmem:$0x50];
	_ =	sdelay $0x4  }
0xa7: {  	v45 =	vshll.u32 v3, $0x1  }
0xa8: {  	v3 =	vand.u32 $0x7, v3;
	v4 =	vand.u32 $0xFFFFFFF0, v45  }
0xa9: {  	v3 =	vor.u32 v3, v4  }
0xaa: {  	v4 =	vperm.xlane v3, v0;
	_ =	sdelay $0x1  }
0xab: {  	v3 =	vperm.xlane v3, v2;
	v4 =	vadd.s32 v1, v4;
	_ =	sdelay $0x1  }
0xac: {  	v3 =	vadd.s32 v1, v3;
	_ =	sdelay $0x2  }
0xad: {  	[tilespmem:s24], [sflag:$0x1] =	stream.indirect_vreg.gather [hbm4b:s3+s1], $0x80, v4, vm0, $0xb8;
	[tilespmem:$0x8080] =	vst v63  }
0xae: {  	_ = 	snop  }
0xaf: {  	[tilespmem:s25], [sflag:$0x1] =	stream.indirect_vreg.gather [hbm4b:s3+s1], $0x80, v3, vm0, $0xb8;
	[tilespmem:$0x8080] =	vst v63  }
0xb0: {  	v3 =	vld [tilespmem:$0x60];
	_ =	sdelay $0x4  }
0xb1: {  	v46 =	vshll.u32 v3, $0x1  }
0xb2: {  	v3 =	vand.u32 $0x7, v3;
	v4 =	vand.u32 $0xFFFFFFF0, v46  }
0xb3: {  	v3 =	vor.u32 v3, v4  }
0xb4: {  	v4 =	vperm.xlane v3, v0;
	_ =	sdelay $0x1  }
0xb5: {  	v3 =	vperm.xlane v3, v2;
	v4 =	vadd.s32 v1, v4;
	_ =	sdelay $0x1  }
0xb6: {  	v3 =	vadd.s32 v1, v3;
	_ =	sdelay $0x2  }
0xb7: {  	[tilespmem:s26], [sflag:$0x1] =	stream.indirect_vreg.gather [hbm4b:s3+s1], $0x80, v4, vm0, $0xb8;
	[tilespmem:$0x8080] =	vst v63  }
0xb8: {  	_ = 	snop  }
0xb9: {  	[tilespmem:s28], [sflag:$0x1] =	stream.indirect_vreg.gather [hbm4b:s3+s1], $0x80, v3, vm0, $0xb8;
	[tilespmem:$0x8080] =	vst v63  }
0xba: {  	v3 =	vld [tilespmem:$0x70];
	_ =	sdelay $0x4  }
0xbb: {  	v47 =	vshll.u32 v3, $0x1  }
0xbc: {  	v3 =	vand.u32 $0x7, v3;
	v4 =	vand.u32 $0xFFFFFFF0, v47  }
0xbd: {  	v3 =	vor.u32 v3, v4  }
0xbe: {  	v4 =	vperm.xlane v3, v0;
	_ =	sdelay $0x1  }
0xbf: {  	v3 =	vperm.xlane v3, v2;
	v4 =	vadd.s32 v1, v4;
	_ =	sdelay $0x1  }
0xc0: {  	v3 =	vadd.s32 v1, v3;
	_ =	sdelay $0x2  }
0xc1: {  	[tilespmem:s29], [sflag:$0x1] =	stream.indirect_vreg.gather [hbm4b:s3+s1], $0x80, v4, vm0, $0xb8;
	[tilespmem:$0x8080] =	vst v63  }
0xc2: {  	_ = 	snop  }
0xc3: {  	[tilespmem:s30], [sflag:$0x1] =	stream.indirect_vreg.gather [hbm4b:s3+s1], $0x80, v3, vm0, $0xb8;
	[tilespmem:$0x8080] =	vst v63  }
0xc4: {  	_ =	swait.ge [sflag:s31], $0x8000  }
0xc5: {  	[sflag:s31] =	ssyncset.done $0x0  }
0xc6: {  	[sflag:s31] =	ssyncadd.s32 $0xFFFF8000  }
0xc7: {  	[hbm4b:s7+s1] =	stream.linear.scatter [tilespmem:s14], [sflag:$0x2], $0x8000, $0x38;
	[tilespmem:$0x8080] =	vst v63  }
0xc8: {  	_ =	swait.ge [sflag:s13], $0x8000  }
0xc9: {  	[sflag:s13] =	ssyncset.done $0x0  }
0xca: {  	[sflag:s13] =	ssyncadd.s32 $0xFFFF8000  }
0xcb: {  	[tilespmem:s1], [sflag:$0x2] =	stream.linear.gather [hbm4b:s8+s1], $0x80, $0x38;
	[tilespmem:$0x8080] =	vst v63  }
0xcc: {  	_ =	swait.ge [sflag:s13], $0x80  }
0xcd: {  	[sflag:s13] =	ssyncset.done $0x0  }
0xce: {  	[sflag:s13] =	ssyncadd.s32 $0xFFFFFF80  }
0xcf: {  	v3 =	vld [tilespmem:$0x0];
	_ =	sdelay $0x4  }
0xd0: {  	v48 =	vshll.u32 v3, $0x1  }
0xd1: {  	v3 =	vand.u32 $0x7, v3;
	v4 =	vand.u32 $0xFFFFFFF0, v48  }
0xd2: {  	v3 =	vor.u32 v3, v4  }
0xd3: {  	v4 =	vperm.xlane v3, v0;
	_ =	sdelay $0x1  }
0xd4: {  	v3 =	vperm.xlane v3, v2;
	v4 =	vadd.s32 v1, v4;
	_ =	sdelay $0x1  }
0xd5: {  	v3 =	vadd.s32 v1, v3;
	_ =	sdelay $0x2  }
0xd6: {  	[tilespmem:s14], [sflag:$0x1] =	stream.indirect_vreg.gather [hbm4b:s3+s1], $0x80, v4, vm0, $0xb8;
	[tilespmem:$0x8080] =	vst v63  }
0xd7: {  	_ = 	snop  }
0xd8: {  	[tilespmem:s15], [sflag:$0x1] =	stream.indirect_vreg.gather [hbm4b:s3+s1], $0x80, v3, vm0, $0xb8;
	[tilespmem:$0x8080] =	vst v63  }
0xd9: {  	v3 =	vld [tilespmem:$0x10];
	_ =	sdelay $0x4  }
0xda: {  	v49 =	vshll.u32 v3, $0x1  }
0xdb: {  	v3 =	vand.u32 $0x7, v3;
	v4 =	vand.u32 $0xFFFFFFF0, v49  }
0xdc: {  	v3 =	vor.u32 v3, v4  }
0xdd: {  	v4 =	vperm.xlane v3, v0;
	_ =	sdelay $0x1  }
0xde: {  	v3 =	vperm.xlane v3, v2;
	v4 =	vadd.s32 v1, v4;
	_ =	sdelay $0x1  }
0xdf: {  	v3 =	vadd.s32 v1, v3;
	_ =	sdelay $0x2  }
0xe0: {  	[tilespmem:s16], [sflag:$0x1] =	stream.indirect_vreg.gather [hbm4b:s3+s1], $0x80, v4, vm0, $0xb8;
	[tilespmem:$0x8080] =	vst v63  }
0xe1: {  	_ = 	snop  }
0xe2: {  	[tilespmem:s17], [sflag:$0x1] =	stream.indirect_vreg.gather [hbm4b:s3+s1], $0x80, v3, vm0, $0xb8;
	[tilespmem:$0x8080] =	vst v63  }
0xe3: {  	v3 =	vld [tilespmem:$0x20];
	_ =	sdelay $0x4  }
0xe4: {  	v50 =	vshll.u32 v3, $0x1  }
0xe5: {  	v3 =	vand.u32 $0x7, v3;
	v4 =	vand.u32 $0xFFFFFFF0, v50  }
0xe6: {  	v3 =	vor.u32 v3, v4  }
0xe7: {  	v4 =	vperm.xlane v3, v0;
	_ =	sdelay $0x1  }
0xe8: {  	v3 =	vperm.xlane v3, v2;
	v4 =	vadd.s32 v1, v4;
	_ =	sdelay $0x1  }
0xe9: {  	v3 =	vadd.s32 v1, v3;
	_ =	sdelay $0x2  }
0xea: {  	[tilespmem:s18], [sflag:$0x1] =	stream.indirect_vreg.gather [hbm4b:s3+s1], $0x80, v4, vm0, $0xb8;
	[tilespmem:$0x8080] =	vst v63  }
0xeb: {  	_ = 	snop  }
0xec: {  	[tilespmem:s19], [sflag:$0x1] =	stream.indirect_vreg.gather [hbm4b:s3+s1], $0x80, v3, vm0, $0xb8;
	[tilespmem:$0x8080] =	vst v63  }
0xed: {  	v3 =	vld [tilespmem:$0x30];
	_ =	sdelay $0x4  }
0xee: {  	v51 =	vshll.u32 v3, $0x1  }
0xef: {  	v3 =	vand.u32 $0x7, v3;
	v4 =	vand.u32 $0xFFFFFFF0, v51  }
0xf0: {  	v3 =	vor.u32 v3, v4  }
0xf1: {  	v4 =	vperm.xlane v3, v0;
	_ =	sdelay $0x1  }
0xf2: {  	v3 =	vperm.xlane v3, v2;
	v4 =	vadd.s32 v1, v4;
	_ =	sdelay $0x1  }
0xf3: {  	v3 =	vadd.s32 v1, v3;
	_ =	sdelay $0x2  }
0xf4: {  	[tilespmem:s20], [sflag:$0x1] =	stream.indirect_vreg.gather [hbm4b:s3+s1], $0x80, v4, vm0, $0xb8;
	[tilespmem:$0x8080] =	vst v63  }
0xf5: {  	_ = 	snop  }
0xf6: {  	[tilespmem:s21], [sflag:$0x1] =	stream.indirect_vreg.gather [hbm4b:s3+s1], $0x80, v3, vm0, $0xb8;
	[tilespmem:$0x8080] =	vst v63  }
0xf7: {  	v3 =	vld [tilespmem:$0x40];
	_ =	sdelay $0x4  }
0xf8: {  	v52 =	vshll.u32 v3, $0x1  }
0xf9: {  	v3 =	vand.u32 $0x7, v3;
	v4 =	vand.u32 $0xFFFFFFF0, v52  }
0xfa: {  	v3 =	vor.u32 v3, v4  }
0xfb: {  	v4 =	vperm.xlane v3, v0;
	_ =	sdelay $0x1  }
0xfc: {  	v3 =	vperm.xlane v3, v2;
	v4 =	vadd.s32 v1, v4;
	_ =	sdelay $0x1  }
0xfd: {  	v3 =	vadd.s32 v1, v3;
	_ =	sdelay $0x2  }
0xfe: {  	[tilespmem:s22], [sflag:$0x1] =	stream.indirect_vreg.gather [hbm4b:s3+s1], $0x80, v4, vm0, $0xb8;
	[tilespmem:$0x8080] =	vst v63  }
0xff: {  	_ = 	snop  }
0x100: {  	[tilespmem:s23], [sflag:$0x1] =	stream.indirect_vreg.gather [hbm4b:s3+s1], $0x80, v3, vm0, $0xb8;
	[tilespmem:$0x8080] =	vst v63  }
0x101: {  	v3 =	vld [tilespmem:$0x50];
	_ =	sdelay $0x4  }
0x102: {  	v53 =	vshll.u32 v3, $0x1  }
0x103: {  	v3 =	vand.u32 $0x7, v3;
	v4 =	vand.u32 $0xFFFFFFF0, v53  }
0x104: {  	v3 =	vor.u32 v3, v4  }
0x105: {  	v4 =	vperm.xlane v3, v0;
	_ =	sdelay $0x1  }
0x106: {  	v3 =	vperm.xlane v3, v2;
	v4 =	vadd.s32 v1, v4;
	_ =	sdelay $0x1  }
0x107: {  	v3 =	vadd.s32 v1, v3;
	_ =	sdelay $0x2  }
0x108: {  	[tilespmem:s24], [sflag:$0x1] =	stream.indirect_vreg.gather [hbm4b:s3+s1], $0x80, v4, vm0, $0xb8;
	[tilespmem:$0x8080] =	vst v63  }
0x109: {  	_ = 	snop  }
0x10a: {  	[tilespmem:s25], [sflag:$0x1] =	stream.indirect_vreg.gather [hbm4b:s3+s1], $0x80, v3, vm0, $0xb8;
	[tilespmem:$0x8080] =	vst v63  }
0x10b: {  	v3 =	vld [tilespmem:$0x60];
	_ =	sdelay $0x4  }
0x10c: {  	v54 =	vshll.u32 v3, $0x1  }
0x10d: {  	v3 =	vand.u32 $0x7, v3;
	v4 =	vand.u32 $0xFFFFFFF0, v54  }
0x10e: {  	v3 =	vor.u32 v3, v4  }
0x10f: {  	v4 =	vperm.xlane v3, v0;
	_ =	sdelay $0x1  }
0x110: {  	v3 =	vperm.xlane v3, v2;
	v4 =	vadd.s32 v1, v4;
	_ =	sdelay $0x1  }
0x111: {  	v3 =	vadd.s32 v1, v3;
	_ =	sdelay $0x2  }
0x112: {  	[tilespmem:s26], [sflag:$0x1] =	stream.indirect_vreg.gather [hbm4b:s3+s1], $0x80, v4, vm0, $0xb8;
	[tilespmem:$0x8080] =	vst v63  }
0x113: {  	_ = 	snop  }
0x114: {  	[tilespmem:s28], [sflag:$0x1] =	stream.indirect_vreg.gather [hbm4b:s3+s1], $0x80, v3, vm0, $0xb8;
	[tilespmem:$0x8080] =	vst v63  }
0x115: {  	v3 =	vld [tilespmem:$0x70];
	_ =	sdelay $0x4  }
0x116: {  	v55 =	vshll.u32 v3, $0x1  }
0x117: {  	v3 =	vand.u32 $0x7, v3;
	v4 =	vand.u32 $0xFFFFFFF0, v55  }
0x118: {  	v3 =	vor.u32 v3, v4  }
0x119: {  	v4 =	vperm.xlane v3, v0;
	_ =	sdelay $0x1  }
0x11a: {  	v3 =	vperm.xlane v3, v2;
	v4 =	vadd.s32 v1, v4;
	_ =	sdelay $0x1  }
0x11b: {  	v3 =	vadd.s32 v1, v3;
	_ =	sdelay $0x2  }
0x11c: {  	[tilespmem:s29], [sflag:$0x1] =	stream.indirect_vreg.gather [hbm4b:s3+s1], $0x80, v4, vm0, $0xb8;
	[tilespmem:$0x8080] =	vst v63  }
0x11d: {  	_ = 	snop  }
0x11e: {  	[tilespmem:s30], [sflag:$0x1] =	stream.indirect_vreg.gather [hbm4b:s3+s1], $0x80, v3, vm0, $0xb8;
	[tilespmem:$0x8080] =	vst v63  }
0x11f: {  	_ =	swait.ge [sflag:s31], $0x8000  }
0x120: {  	[sflag:s31] =	ssyncset.done $0x0  }
0x121: {  	[sflag:s31] =	ssyncadd.s32 $0xFFFF8000  }
0x122: {  	[hbm4b:s9+s1] =	stream.linear.scatter [tilespmem:s14], [sflag:$0x2], $0x8000, $0x38;
	[tilespmem:$0x8080] =	vst v63  }
0x123: {  	_ =	swait.ge [sflag:s13], $0x8000  }
0x124: {  	[sflag:s13] =	ssyncset.done $0x0  }
0x125: {  	[sflag:s13] =	ssyncadd.s32 $0xFFFF8000  }
0x126: {  	[tilespmem:s1], [sflag:$0x2] =	stream.linear.gather [hbm4b:s10+s1], $0x80, $0x38;
	[tilespmem:$0x8080] =	vst v63  }
0x127: {  	_ =	swait.ge [sflag:s13], $0x80  }
0x128: {  	[sflag:s13] =	ssyncset.done $0x0  }
0x129: {  	[sflag:s13] =	ssyncadd.s32 $0xFFFFFF80  }
0x12a: {  	v3 =	vld [tilespmem:$0x0];
	_ =	sdelay $0x4  }
0x12b: {  	v56 =	vshll.u32 v3, $0x1  }
0x12c: {  	v3 =	vand.u32 $0x7, v3;
	v4 =	vand.u32 $0xFFFFFFF0, v56  }
0x12d: {  	v3 =	vor.u32 v3, v4  }
0x12e: {  	v4 =	vperm.xlane v3, v0;
	_ =	sdelay $0x1  }
0x12f: {  	v3 =	vperm.xlane v3, v2;
	v4 =	vadd.s32 v1, v4;
	_ =	sdelay $0x1  }
0x130: {  	v3 =	vadd.s32 v1, v3;
	_ =	sdelay $0x2  }
0x131: {  	[tilespmem:s14], [sflag:$0x1] =	stream.indirect_vreg.gather [hbm4b:s3+s1], $0x80, v4, vm0, $0xb8;
	[tilespmem:$0x8080] =	vst v63  }
0x132: {  	_ = 	snop  }
0x133: {  	[tilespmem:s15], [sflag:$0x1] =	stream.indirect_vreg.gather [hbm4b:s3+s1], $0x80, v3, vm0, $0xb8;
	[tilespmem:$0x8080] =	vst v63  }
0x134: {  	v3 =	vld [tilespmem:$0x10];
	_ =	sdelay $0x4  }
0x135: {  	v57 =	vshll.u32 v3, $0x1  }
0x136: {  	v3 =	vand.u32 $0x7, v3;
	v4 =	vand.u32 $0xFFFFFFF0, v57  }
0x137: {  	v3 =	vor.u32 v3, v4  }
0x138: {  	v4 =	vperm.xlane v3, v0;
	_ =	sdelay $0x1  }
0x139: {  	v3 =	vperm.xlane v3, v2;
	v4 =	vadd.s32 v1, v4;
	_ =	sdelay $0x1  }
0x13a: {  	v3 =	vadd.s32 v1, v3;
	_ =	sdelay $0x2  }
0x13b: {  	[tilespmem:s16], [sflag:$0x1] =	stream.indirect_vreg.gather [hbm4b:s3+s1], $0x80, v4, vm0, $0xb8;
	[tilespmem:$0x8080] =	vst v63  }
0x13c: {  	_ = 	snop  }
0x13d: {  	[tilespmem:s17], [sflag:$0x1] =	stream.indirect_vreg.gather [hbm4b:s3+s1], $0x80, v3, vm0, $0xb8;
	[tilespmem:$0x8080] =	vst v63  }
0x13e: {  	v3 =	vld [tilespmem:$0x20];
	_ =	sdelay $0x4  }
0x13f: {  	v58 =	vshll.u32 v3, $0x1  }
0x140: {  	v3 =	vand.u32 $0x7, v3;
	v4 =	vand.u32 $0xFFFFFFF0, v58  }
0x141: {  	v3 =	vor.u32 v3, v4  }
0x142: {  	v4 =	vperm.xlane v3, v0;
	_ =	sdelay $0x1  }
0x143: {  	v3 =	vperm.xlane v3, v2;
	v4 =	vadd.s32 v1, v4;
	_ =	sdelay $0x1  }
0x144: {  	v3 =	vadd.s32 v1, v3;
	_ =	sdelay $0x2  }
0x145: {  	[tilespmem:s18], [sflag:$0x1] =	stream.indirect_vreg.gather [hbm4b:s3+s1], $0x80, v4, vm0, $0xb8;
	[tilespmem:$0x8080] =	vst v63  }
0x146: {  	_ = 	snop  }
0x147: {  	[tilespmem:s19], [sflag:$0x1] =	stream.indirect_vreg.gather [hbm4b:s3+s1], $0x80, v3, vm0, $0xb8;
	[tilespmem:$0x8080] =	vst v63  }
0x148: {  	v3 =	vld [tilespmem:$0x30];
	_ =	sdelay $0x4  }
0x149: {  	v59 =	vshll.u32 v3, $0x1  }
0x14a: {  	v3 =	vand.u32 $0x7, v3;
	v4 =	vand.u32 $0xFFFFFFF0, v59  }
0x14b: {  	v3 =	vor.u32 v3, v4  }
0x14c: {  	v4 =	vperm.xlane v3, v0;
	_ =	sdelay $0x1  }
0x14d: {  	v3 =	vperm.xlane v3, v2;
	v4 =	vadd.s32 v1, v4;
	_ =	sdelay $0x1  }
0x14e: {  	v3 =	vadd.s32 v1, v3;
	_ =	sdelay $0x2  }
0x14f: {  	[tilespmem:s20], [sflag:$0x1] =	stream.indirect_vreg.gather [hbm4b:s3+s1], $0x80, v4, vm0, $0xb8;
	[tilespmem:$0x8080] =	vst v63  }
0x150: {  	_ = 	snop  }
0x151: {  	[tilespmem:s21], [sflag:$0x1] =	stream.indirect_vreg.gather [hbm4b:s3+s1], $0x80, v3, vm0, $0xb8;
	[tilespmem:$0x8080] =	vst v63  }
0x152: {  	v3 =	vld [tilespmem:$0x40];
	_ =	sdelay $0x4  }
0x153: {  	v60 =	vshll.u32 v3, $0x1  }
0x154: {  	v3 =	vand.u32 $0x7, v3;
	v4 =	vand.u32 $0xFFFFFFF0, v60  }
0x155: {  	v3 =	vor.u32 v3, v4  }
0x156: {  	v4 =	vperm.xlane v3, v0;
	_ =	sdelay $0x1  }
0x157: {  	v3 =	vperm.xlane v3, v2;
	v4 =	vadd.s32 v1, v4;
	_ =	sdelay $0x1  }
0x158: {  	v3 =	vadd.s32 v1, v3;
	_ =	sdelay $0x2  }
0x159: {  	[tilespmem:s22], [sflag:$0x1] =	stream.indirect_vreg.gather [hbm4b:s3+s1], $0x80, v4, vm0, $0xb8;
	[tilespmem:$0x8080] =	vst v63  }
0x15a: {  	_ = 	snop  }
0x15b: {  	[tilespmem:s23], [sflag:$0x1] =	stream.indirect_vreg.gather [hbm4b:s3+s1], $0x80, v3, vm0, $0xb8;
	[tilespmem:$0x8080] =	vst v63  }
0x15c: {  	v3 =	vld [tilespmem:$0x50];
	_ =	sdelay $0x4  }
0x15d: {  	v61 =	vshll.u32 v3, $0x1  }
0x15e: {  	v3 =	vand.u32 $0x7, v3;
	v4 =	vand.u32 $0xFFFFFFF0, v61  }
0x15f: {  	v3 =	vor.u32 v3, v4  }
0x160: {  	v4 =	vperm.xlane v3, v0;
	_ =	sdelay $0x1  }
0x161: {  	v3 =	vperm.xlane v3, v2;
	v4 =	vadd.s32 v1, v4;
	_ =	sdelay $0x1  }
0x162: {  	v3 =	vadd.s32 v1, v3;
	_ =	sdelay $0x2  }
0x163: {  	[tilespmem:s24], [sflag:$0x1] =	stream.indirect_vreg.gather [hbm4b:s3+s1], $0x80, v4, vm0, $0xb8;
	[tilespmem:$0x8080] =	vst v63  }
0x164: {  	_ = 	snop  }
0x165: {  	[tilespmem:s25], [sflag:$0x1] =	stream.indirect_vreg.gather [hbm4b:s3+s1], $0x80, v3, vm0, $0xb8;
	[tilespmem:$0x8080] =	vst v63  }
0x166: {  	v3 =	vld [tilespmem:$0x60];
	_ =	sdelay $0x4  }
0x167: {  	v62 =	vshll.u32 v3, $0x1  }
0x168: {  	v3 =	vand.u32 $0x7, v3;
	v4 =	vand.u32 $0xFFFFFFF0, v62  }
0x169: {  	v3 =	vor.u32 v3, v4  }
0x16a: {  	v4 =	vperm.xlane v3, v0;
	_ =	sdelay $0x1  }
0x16b: {  	v3 =	vperm.xlane v3, v2;
	v4 =	vadd.s32 v1, v4;
	_ =	sdelay $0x1  }
0x16c: {  	v3 =	vadd.s32 v1, v3;
	_ =	sdelay $0x2  }
0x16d: {  	[tilespmem:s26], [sflag:$0x1] =	stream.indirect_vreg.gather [hbm4b:s3+s1], $0x80, v4, vm0, $0xb8;
	[tilespmem:$0x8080] =	vst v63  }
0x16e: {  	_ = 	snop  }
0x16f: {  	[tilespmem:s28], [sflag:$0x1] =	stream.indirect_vreg.gather [hbm4b:s3+s1], $0x80, v3, vm0, $0xb8;
	[tilespmem:$0x8080] =	vst v63  }
0x170: {  	v3 =	vld [tilespmem:$0x70];
	_ =	sdelay $0x4  }
0x171: {  	v63 =	vshll.u32 v3, $0x1  }
0x172: {  	v3 =	vand.u32 $0x7, v3;
	v4 =	vand.u32 $0xFFFFFFF0, v63  }
0x173: {  	v3 =	vor.u32 v3, v4  }
0x174: {  	v4 =	vperm.xlane v3, v0;
	_ =	sdelay $0x1  }
0x175: {  	v3 =	vperm.xlane v3, v2;
	v4 =	vadd.s32 v1, v4;
	_ =	sdelay $0x1  }
0x176: {  	v3 =	vadd.s32 v1, v3;
	_ =	sdelay $0x2  }
0x177: {  	[tilespmem:s29], [sflag:$0x1] =	stream.indirect_vreg.gather [hbm4b:s3+s1], $0x80, v4, vm0, $0xb8;
	[tilespmem:$0x8080] =	vst v63  }
0x178: {  	_ = 	snop  }
0x179: {  	[tilespmem:s30], [sflag:$0x1] =	stream.indirect_vreg.gather [hbm4b:s3+s1], $0x80, v3, vm0, $0xb8;
	[tilespmem:$0x8080] =	vst v63  }
0x17a: {  	_ =	swait.ge [sflag:s31], $0x8000  }
0x17b: {  	p0 =	sne.s32 s12, $0x1;
	[sflag:s31] =	ssyncset.done $0x0  }
.Ltmp0:
0x17c: {  	[sflag:s31] =	ssyncadd.s32 $0xFFFF8000;
	(pc) =	sbr.rel @p0 .LBB2_1-.Ltmp0, $4  }
0x17d: {  	[hbm4b:s11+s1] =	stream.linear.scatter [tilespmem:s14], [sflag:$0x2], $0x8000, $0x38;
	[tilespmem:$0x8080] =	vst v63  }
0x17e: {  	_ =	swait.ge [sflag:s13], $0x8000  }
0x17f: {  	[sflag:s13] =	ssyncset.done $0x0  }
0x180: {  	s12 =	sadd.s32 $0xFFFFFFFF, s12;
	[sflag:s13] =	ssyncadd.s32 $0xFFFF8000  }
0x181: {  	_ =	sfence.sel $0x180000  }
0x182: {  	[bflag:$0x0] =	sbarrier.arrive $0xFFFF  }
0x183: {  	p0 =	sne.s32 s2, $0x0;
	_ =	strace $0x90000047  }
0x184: {  	s0 =	sadd.s32 @!p0 $0x100000, s0;
	[bflag:$0x2] =	sbarrier.arrive $0xFFFF  }
0x185: {  	[sflag:s0] =	ssyncadd.tile.s32 @!p0 $0x1;
	_ =	shalt  }
.Lfunc_end2:
_tile_overlayer_lowered:
.L_overlay_start_2:
0x186: {  	(tag) =	ssettag $0x2  }
0x187: {  	s0 =	rddreg [dreg:$0x0];
	s2 =	stileid.u32  }
0x188: {  	s1 =	rddreg [dreg:$0x1];
	p0 =	sne.s32 s2, $0x0  }
0x189: {  	s3 =	rddreg [dreg:$0x2];
	[bflag:$0x3] =	sbarrier.arrive $0xFFFF;
	s2 =	simm.s32 @!p0 $0x1C02  }
0x18a: {  	[timem:s3], [sflag:s2] =	dma.local @!p0 [hbm:s0], s1  }
0x18b: {  	s0 =	simm.s32 @!p0 $0x2  }
0x18c: {  	_ =	swait.ge @!p0 [sflag:s0], s1  }
0x18d: {  	s1 =	ssub.s32 @!p0 $0x0, s1;
	[sflag:s0] =	ssyncset.done @!p0 $0x0  }
0x18e: {  	[sflag:s0] =	ssyncadd.s32 @!p0 s1  }
0x18f: {  	[bflag:$0x3] =	sbarrier.arrive $0xFFFF  }
0x190: {  	_ =	shalt  }

// kernel: kernel.14.cloned.1.call-start
scs
__scs_entry_jumppad:
0x0: {  	(pc) =	sbr.rel $0x88, $3  }
0x1: {  	(tag) =	ssettag $0x0;
	lr =	simm.s32 $0x1  }
0x2: {  	[smem:$0x3F9F] =	sst lr;
	_ =	strace $0xD0000000  }
0x3: {  	_ = 	snop  }
0x4: {  	_ = 	snop  }
0x5: {  	_ = 	snop  }
0x6: {  	_ = 	snop  }
0x7: {  	_ = 	snop  }
__scs_overlays_trampoline_lowered:
0x8: {  	[smem:$0x3FAE] =	sst s0  }
0x9: {  	[smem:$0x3FAF] =	sst s1  }
0xa: {  	[smem:$0x3FB0] =	sst s2  }
0xb: {  	[smem:$0x3FB1] =	sst s3  }
0xc: {  	[smem:$0x3FB2] =	sst s4  }
0xd: {  	[smem:$0x3FB3] =	sst s5  }
0xe: {  	[smem:$0x3FB4] =	sst s6  }
0xf: {  	[smem:$0x3FB5] =	sst s7  }
0x10: {  	[smem:$0x3FB6] =	sst s8  }
0x11: {  	[smem:$0x3FB7] =	sst s9;
	s0 =	simm.s32 @!p0 $0x0  }
0x12: {  	s1 =	sld [smem:$0x3F9D];
	s0 =	simm.s32 @p0 $0x1  }
0x13: {  	[smem:$0x3FB8] =	sst s0;
	s0 =	simm.s32 @!p1 $0x0  }
0x14: {  	s2 =	sld [smem:$0x3F9C];
	s0 =	simm.s32 @p1 $0x1  }
0x15: {  	[smem:$0x3FB9] =	sst s0;
	s0 =	simm.s32 @!p2 $0x0  }
0x16: {  	s3 =	sld [smem:$0x3FDB];
	s0 =	simm.s32 @p2 $0x1  }
0x17: {  	s4 =	simm.s32 $0x1BF5;
	[smem:$0x3FBB] =	sst s0  }
0x18: {  	s0 =	sld [smem:$0x3F9E];
	_ =	swait.ge [sflag:s4], $0x0  }
0x19: {  	s7 =	sld [smem:$0x3F9F]  }
0x1a: {  	s8 =	sadd.s32 $0xFFFFE003, lr  }
0x1b: {  	s9 =	sadd.s32 $0xFFFFFEF7, lr;
	s5 =	simm.s32 $0xFFFFFFFF;
	p2 =	slt.u32 s8, $0xFFFFF086  }
0x1c: {  	p1 =	slt.u32 s9, $0xF7A;
	s5 =	simm.s32 @!p2 $0x0  }
0x1d: {  	s5 =	simm.s32 @p1 $0x1;
	p0 =	seq.s32 s7, s2  }
0x1e: {  	s7 =	smul.u32 @!p0 $0xF7A, s2;
	p2 =	seq.s32 @!p0 s5, $0x0  }
0x1f: {  	s9 =	smul.u32 $0xF7A, s1;
	s8 =	simm.s32 @!p0 $0x1BF5;
	p2 =	por !p2, p0  }
0x20: {  	[sflag:s8] =	ssyncset.s32 @!p0 $0xFFFFF086;
	s6 =	sadd.s32 @!p0 s3, s7;
	s7 =	simm.s32 @!p0 $0x108  }
0x21: {  	s3 =	sadd.s32 s3, s9;
	s6 =	sadd.s32 @!p0 $0x88, s6;
	s7 =	simm.s32 @p2 $0x1082  }
0x22: {  	[simem:s7], [sflag:s8] =	dma.local @!p0 [hbm:s6], $0xF7A  }
0x23: {  	s9 =	sor.u32 $0xD0000000, s2;
	s6 =	simm.s32 $0x108;
	_ =	swait.ge @!p0 [sflag:s8], $0x0  }
0x24: {  	s3 =	sadd.s32 $0x88, s3;
	s6 =	simm.s32 @!p1 $0x1082;
	[sflag:s4] =	ssyncset.s32 $0xFFFFF086  }
0x25: {  	[simem:s6], [sflag:s4] =	dma.local [hbm:s3], $0xF7A  }
0x26: {  	[smem:$0x3F9F] =	sst s1;
	(tag) =	ssettag s2;
	_ =	strace s9  }
0x27: {  	s1 =	sld [smem:$0x3FAF]  }
0x28: {  	s2 =	sld [smem:$0x3FB0]  }
0x29: {  	s4 =	sld [smem:$0x3FB2]  }
0x2a: {  	p0 =	seq.s32 s5, $0x0;
	s5 =	sld [smem:$0x3FB3]  }
0x2b: {  	s6 =	sld [smem:$0x3FB4]  }
0x2c: {  	s7 =	sld [smem:$0x3FB5]  }
0x2d: {  	s3 =	simm.s32 $0x108;
	s8 =	sld [smem:$0x3FB6]  }
0x2e: {  	s3 =	simm.s32 @!p0 $0x1082;
	s9 =	sld [smem:$0x3FB7]  }
0x2f: {  	lr =	sadd.s32 s0, s3;
	s0 =	sld [smem:$0x3FAE]  }
0x30: {  	s3 =	sld [smem:$0x3FB1]  }
0x31: {  	[smem:$0x3FBA] =	sst s10  }
0x32: {  	s10 =	sld [smem:$0x3FB8];
	_ =	sdelay $0x3  }
0x33: {  	p0 =	seq.s32 s10, $0x1;
	s10 =	sld [smem:$0x3FBA];
	_ =	sdelay $0x3  }
0x34: {  	[smem:$0x3FBA] =	sst s10  }
0x35: {  	s10 =	sld [smem:$0x3FB9];
	_ =	sdelay $0x3  }
0x36: {  	p1 =	seq.s32 s10, $0x1;
	s10 =	sld [smem:$0x3FBA];
	_ =	sdelay $0x3  }
0x37: {  	[smem:$0x3FBA] =	sst s10  }
0x38: {  	s10 =	sld [smem:$0x3FBB]  }
0x39: {  	_ = 	snop;
	(pc) =	sbr.ind lr, $3  }
0x3a: {  	_ = 	snop  }
0x3b: {  	_ = 	snop  }
0x3c: {  	p2 =	seq.s32 s10, $0x1;
	s10 =	sld [smem:$0x3FBA]  }
0x3d: {  	_ =	shalt  }
0x3e: {  	_ =	shalt  }
0x3f: {  	_ =	shalt  }
0x40: {  	_ =	shalt  }
0x41: {  	_ =	shalt  }
0x42: {  	_ =	shalt  }
0x43: {  	_ =	shalt  }
0x44: {  	_ =	shalt  }
0x45: {  	_ =	shalt  }
0x46: {  	_ =	shalt  }
0x47: {  	_ =	shalt  }
0x48: {  	_ =	shalt  }
0x49: {  	_ =	shalt  }
0x4a: {  	_ =	shalt  }
0x4b: {  	_ =	shalt  }
0x4c: {  	_ =	shalt  }
0x4d: {  	_ =	shalt  }
0x4e: {  	_ =	shalt  }
0x4f: {  	_ =	shalt  }
0x50: {  	_ =	shalt  }
0x51: {  	_ =	shalt  }
0x52: {  	_ =	shalt  }
0x53: {  	_ =	shalt  }
0x54: {  	_ =	shalt  }
0x55: {  	_ =	shalt  }
0x56: {  	_ =	shalt  }
0x57: {  	_ =	shalt  }
0x58: {  	_ =	shalt  }
0x59: {  	_ =	shalt  }
0x5a: {  	_ =	shalt  }
0x5b: {  	_ =	shalt  }
0x5c: {  	_ =	shalt  }
0x5d: {  	_ =	shalt  }
0x5e: {  	_ =	shalt  }
0x5f: {  	_ =	shalt  }
0x60: {  	_ =	shalt  }
0x61: {  	_ =	shalt  }
0x62: {  	_ =	shalt  }
0x63: {  	_ =	shalt  }
0x64: {  	_ =	shalt  }
0x65: {  	_ =	shalt  }
0x66: {  	_ =	shalt  }
0x67: {  	_ =	shalt  }
0x68: {  	_ =	shalt  }
0x69: {  	_ =	shalt  }
0x6a: {  	_ =	shalt  }
0x6b: {  	_ =	shalt  }
0x6c: {  	_ =	shalt  }
0x6d: {  	_ =	shalt  }
0x6e: {  	_ =	shalt  }
0x6f: {  	_ =	shalt  }
0x70: {  	_ =	shalt  }
0x71: {  	_ =	shalt  }
0x72: {  	_ =	shalt  }
0x73: {  	_ =	shalt  }
0x74: {  	_ =	shalt  }
0x75: {  	_ =	shalt  }
0x76: {  	_ =	shalt  }
0x77: {  	_ =	shalt  }
0x78: {  	_ =	shalt  }
0x79: {  	_ =	shalt  }
0x7a: {  	_ =	shalt  }
0x7b: {  	_ =	shalt  }
0x7c: {  	_ =	shalt  }
0x7d: {  	_ =	shalt  }
0x7e: {  	_ =	shalt  }
0x7f: {  	_ =	shalt  }
0x80: {  	_ =	shalt  }
0x81: {  	_ =	shalt  }
0x82: {  	_ =	shalt  }
0x83: {  	_ =	shalt  }
0x84: {  	_ =	shalt  }
0x85: {  	_ =	shalt  }
0x86: {  	_ =	shalt  }
0x87: {  	_ =	shalt  }
.Lfunc_end0:
.L_simem_size_0:
called_computation.1_lowered:
.L_overlay_start_0:
0x88: {  	s2 =	sld [smem:$0x3FD9]  }
0x89: {  	s3 =	sld [smem:$0x3FFE];
	_ =	sdelay $0x1  }
0x8a: {  	s1 =	srdreg.scid  }
0x8b: {  	s0 =	sand.u32 $0x1, s1  }
0x8c: {  	s14 =	sshll.u32 s0, $0xA;
	s2 =	sadd.s32 s3, s2  }
0x8d: {  	s2 =	sadd.s32 s2, s14  }
0x8e: {  	[smem:$0x3FC6] =	sst s2  }
0x8f: {  	_ = 	snop  }
0x90: {  	s2 =	sld [smem:$0x3FD0];
	_ =	sdelay $0x2  }
0x91: {  	s15 =	simm.s32 $0xA;
	s4 =	simm.s32 $0x10  }
0x92: {  	[smem:s4], [sflag:s15] =	dma.local [hbm:s2], $0x1  }
0x93: {  	_ =	swait.eq [sflag:s15], $0x1  }
0x94: {  	[sflag:s15] =	ssyncset.done $0x0  }
0x95: {  	[sflag:s15] =	ssyncadd.s32 $0xFFFFFFFF  }
0x96: {  	s16 =	sld [smem:$0x12];
	(tm) =	ssettm $0x1  }
0x97: {  	s17 =	sld [smem:$0x3FFB];
	_ =	sdelay $0x3  }
0x98: {  	_ =	strace s17  }
0x99: {  	s3 =	sld [smem:$0x3FFC];
	_ =	sdelay $0x3  }
0x9a: {  	_ =	strace s3  }
0x9b: {  	s3 =	sld [smem:$0x3FFD];
	_ =	sdelay $0x3  }
0x9c: {  	_ =	strace s3  }
0x9d: {  	_ =	strace $0x8FFFFFFF  }
0x9e: {  	s18 =	sld [smem:$0x3FDB];
	_ =	sdelay $0x1  }
0x9f: {  	s19 =	simm.s32 $_scs_section_size  }
0xa0: {  	s5 =	simm.s32 $_size__tile_overlayer_lowered;
	s6 =	simm.s32 $_tile_overlayer_lowered  }
0xa1: {  	s22 =	simm.s32 $0x1BFF;
	s21 =	sshll.u32 s6, $0x1;
	s3 =	sadd.s32 s19, s18  }
0xa2: {  	s7 =	simm.s32 $0x0;
	s20 =	sshll.u32 s5, $0x1;
	s5 =	sadd.s32 s21, s3  }
0xa3: {  	[timem:s7], [sflag:s22] =	dma.local [hbm:s5], s20  }
0xa4: {  	_ =	swait.ge [sflag:s22], s20  }
0xa5: {  	s4 =	ssub.s32 $0x0, s20;
	[sflag:s22] =	ssyncset.done $0x0  }
0xa6: {  	[sflag:s22] =	ssyncadd.s32 s4;
	_ =	sdelay $0x1  }
0xa7: {  	s23 =	simm.s32 $0x1B8B  }
0xa8: {  	_ =	swait.ge [sflag:s23], $0x1  }
0xa9: {  	[sflag:s23] =	ssyncset.done $0x0  }
0xaa: {  	s25 =	simm.s32 $0x1B8E;
	s24 =	sld [smem:$0x3FFE];
	[sflag:s23] =	ssyncadd.s32 $0xFFFFFFFF  }
0xab: {  	s26 =	simm.s32 $execute0_lowered;
	[smem:$0x3FD2] =	sst s25  }
0xac: {  	s5 =	sshll.u32 s26, $0x1;
	_ =	strace $0x80000049;
	[dreg:$0x1] =	wrdreg $0xFFFFFFFF  }
0xad: {  	s28 =	simm.s32 $_size_execute0_lowered;
	s3 =	sadd.s32 s3, s5;
	[dreg:$0x0] =	wrdreg $0x0  }
0xae: {  	s5 =	sshll.u32 s28, $0x1;
	[dreg:$0x2] =	wrdreg s3  }
0xaf: {  	[dreg:$0x3] =	wrdreg s5  }
0xb0: {  	[dreg:$0x4] =	wrdreg $0xC0  }
0xb1: {  	_ =	task [dreg:s7], $0x5FFFF  }
0xb2: {  	[dreg:$0x1] =	wrdreg $0xFFFFFFFF  }
0xb3: {  	[dreg:$0x0] =	wrdreg $0x60  }
0xb4: {  	[dreg:$0x2] =	wrdreg s24  }
0xb5: {  	[dreg:$0x3] =	wrdreg s16  }
0xb6: {  	[dreg:$0x4] =	wrdreg $0x9  }
0xb7: {  	_ =	task.clear_ibuf [dreg:s7], $0x5FFFF;
	_ =	strace $0x90000049  }
0xb8: {  	s29 =	simm.s32 $0x9;
	_ =	strace $0x8000004B  }
0xb9: {  	_ =	swait.ge [sflag:s29], $0x1  }
0xba: {  	[sflag:s29] =	ssyncadd.s32 $0xFFFFFFFF  }
0xbb: {  	_ =	strace $0x9000004B  }
0xbc: {  	_ =	sfence  }
0xbd: {  	s30 =	sld [smem:$0x0];
	_ =	sdelay $0x2  }
0xbe: {  	s31 =	sshll.u32 s1, $0xD;
	s1 =	sshrl.u32 s1, $0x2  }
0xbf: {  	s3 =	sand.u32 $0x4000, s31;
	s1 =	sadd.s32 s1, s30  }
0xc0: {  	s0 =	sor.u32 s3, s0;
	s1 =	sshll.u32 s1, $0x11  }
0xc1: {  	s0 =	sor.u32 s1, s0  }
0xc2: {  	s0 =	sadd.s32 $0x8F2B, s0  }
0xc3: {  	[sflag:s0] =	ssyncadd.remote.s32 $0x1  }
0xc4: {  	_ =	sfence.sel $0xFFFF  }
0xc5: {  	[dreg:$0x0] =	wrdreg $0xFFFFFFFF;
	(pc) =	sbr.abs _section_cstart, $3  }
0xc6: {  	[dreg:$0x1] =	wrdreg $0xFFFFFFFF  }
0xc7: {  	_ =	task.clear_ibuf [dreg:s7], $0x2FFFF;
	_ =	strace $0x9FFFFFFF  }
0xc8: {  	(tm) =	ssettm $0x7FFFFFFF  }
0xc9: {  	_ =	shalt  }
tec
execute0_lowered:
.L_overlay_start_1:
0x0: {  	(tag) =	ssettag $0x1  }
0x1: {  	s4 =	rddreg [dreg:$0x0]  }
0x2: {  	s10 =	rddreg [dreg:$0x1]  }
0x3: {  	s0 =	rddreg [dreg:$0x2];
	s1 =	simm.s32 $0x0  }
0x4: {  	s5 =	srdreg.scid;
	s2 =	stileid.u32;
	s15 =	simm.s32 $0x880  }
0x5: {  	s16 =	simm.s32 $0x1080;
	s17 =	simm.s32 $0x1880;
	s18 =	simm.s32 $0x2080  }
0x6: {  	s19 =	simm.s32 $0x2880;
	s20 =	simm.s32 $0x3080;
	s28 =	simm.s32 $0x6880  }
0x7: {  	s29 =	simm.s32 $0x7080;
	s30 =	simm.s32 $0x7880;
	s31 =	simm.s32 $0x1  }
0x8: {  	[smem:$0x7FF] =	sst s1;
	s3 =	sadd.s32 $0x42E00, s4;
	s5 =	sand.u32 $0x1, s5  }
0x9: {  	s7 =	sshll.u32 s2, $0xA;
	s6 =	ssub.s32 $0x2, s5;
	s5 =	sshll.u32 s5, $0x9  }
0xa: {  	s11 =	sadd.s32 $0x1E2E00, s4;
	s21 =	sshrl.u32 s6, $0x1;
	s9 =	sor.u32 s5, s7  }
0xb: {  	_ =	strace $0x8000004A;
	s12 =	ssub.s32 s6, s21;
	s22 =	sshrl.u32 s9, $0x3  }
0xc: {  	s5 =	sshll.u32 s9, $0x5;
	s23 =	sor.u32 $0x80, s9;
	s13 =	sor.u32 $0x100, s9  }
0xd: {  	s14 =	sor.u32 $0x180, s9;
	s21 =	simm.s32 $0x3880;
	s4 =	sadd.s32 s10, s22  }
0xe: {  	s5 =	sadd.s32 s11, s5;
	s24 =	sshrl.u32 s23, $0x3;
	s8 =	sshll.u32 s23, $0x5  }
0xf: {  	s25 =	sshrl.u32 s13, $0x3;
	s13 =	sshll.u32 s13, $0x5;
	s26 =	sshrl.u32 s14, $0x3  }
0x10: {  	s14 =	sshll.u32 s14, $0x5;
	s12 =	smax.u32 s12, $0x1;
	s22 =	simm.s32 $0x4080  }
0x11: {  	s23 =	simm.s32 $0x4880;
	s6 =	sadd.s32 s10, s24;
	s7 =	sadd.s32 s11, s8  }
0x12: {  	v2 =	vlaneseq.u32;
	s8 =	sadd.s32 s10, s25;
	s9 =	sadd.s32 s11, s13;
	s10 =	sadd.s32 s10, s26  }
0x13: {  	vm0 =	vmmov $0xffff;
	v1 =	vshrl.u32 v2, $0x3;
	s11 =	sadd.s32 s11, s14;
	s13 =	simm.s32 $0x2;
	s14 =	simm.s32 $0x80  }
0x14: {  	v0 =	vand.u32 $0x7, v2;
	v2 =	vor.u32 $0x8, v2;
	v1 =	vmul.u32 $0x8, v1;
	s24 =	simm.s32 $0x5080;
	s25 =	simm.s32 $0x5880;
	s26 =	simm.s32 $0x6080  }
.LBB2_1:
0x15: {  	[tilespmem:s1], [sflag:$0x2] =	stream.linear.gather [hbm4b:s4+s1], $0x80, $0x38;
	[tilespmem:$0x8080] =	vst v63  }
0x16: {  	_ =	swait.ge [sflag:s13], $0x80  }
0x17: {  	[sflag:s13] =	ssyncset.done $0x0  }
0x18: {  	[sflag:s13] =	ssyncadd.s32 $0xFFFFFF80  }
0x19: {  	v3 =	vld [tilespmem:$0x0];
	_ =	sdelay $0x4  }
0x1a: {  	v4 =	vshll.u32 v3, $0x1  }
0x1b: {  	v3 =	vand.u32 $0x7, v3;
	v4 =	vand.u32 $0xFFFFFFF0, v4  }
0x1c: {  	v3 =	vor.u32 v3, v4  }
0x1d: {  	v4 =	vperm.xlane v3, v0;
	_ =	sdelay $0x1  }
0x1e: {  	v3 =	vperm.xlane v3, v2;
	v4 =	vadd.s32 v1, v4;
	_ =	sdelay $0x1  }
0x1f: {  	v3 =	vadd.s32 v1, v3;
	_ =	sdelay $0x2  }
0x20: {  	[tilespmem:s14], [sflag:$0x1] =	stream.indirect_vreg.gather [hbm4b:s3+s1], $0x80, v4, vm0, $0xb8;
	[tilespmem:$0x8080] =	vst v63  }
0x21: {  	_ = 	snop  }
0x22: {  	[tilespmem:s15], [sflag:$0x1] =	stream.indirect_vreg.gather [hbm4b:s3+s1], $0x80, v3, vm0, $0xb8;
	[tilespmem:$0x8080] =	vst v63  }
0x23: {  	v3 =	vld [tilespmem:$0x10];
	_ =	sdelay $0x4  }
0x24: {  	v33 =	vshll.u32 v3, $0x1  }
0x25: {  	v3 =	vand.u32 $0x7, v3;
	v4 =	vand.u32 $0xFFFFFFF0, v33  }
0x26: {  	v3 =	vor.u32 v3, v4  }
0x27: {  	v4 =	vperm.xlane v3, v0;
	_ =	sdelay $0x1  }
0x28: {  	v3 =	vperm.xlane v3, v2;
	v4 =	vadd.s32 v1, v4;
	_ =	sdelay $0x1  }
0x29: {  	v3 =	vadd.s32 v1, v3;
	_ =	sdelay $0x2  }
0x2a: {  	[tilespmem:s16], [sflag:$0x1] =	stream.indirect_vreg.gather [hbm4b:s3+s1], $0x80, v4, vm0, $0xb8;
	[tilespmem:$0x8080] =	vst v63  }
0x2b: {  	_ = 	snop  }
0x2c: {  	[tilespmem:s17], [sflag:$0x1] =	stream.indirect_vreg.gather [hbm4b:s3+s1], $0x80, v3, vm0, $0xb8;
	[tilespmem:$0x8080] =	vst v63  }
0x2d: {  	v3 =	vld [tilespmem:$0x20];
	_ =	sdelay $0x4  }
0x2e: {  	v34 =	vshll.u32 v3, $0x1  }
0x2f: {  	v3 =	vand.u32 $0x7, v3;
	v4 =	vand.u32 $0xFFFFFFF0, v34  }
0x30: {  	v3 =	vor.u32 v3, v4  }
0x31: {  	v4 =	vperm.xlane v3, v0;
	_ =	sdelay $0x1  }
0x32: {  	v3 =	vperm.xlane v3, v2;
	v4 =	vadd.s32 v1, v4;
	_ =	sdelay $0x1  }
0x33: {  	v3 =	vadd.s32 v1, v3;
	_ =	sdelay $0x2  }
0x34: {  	[tilespmem:s18], [sflag:$0x1] =	stream.indirect_vreg.gather [hbm4b:s3+s1], $0x80, v4, vm0, $0xb8;
	[tilespmem:$0x8080] =	vst v63  }
0x35: {  	_ = 	snop  }
0x36: {  	[tilespmem:s19], [sflag:$0x1] =	stream.indirect_vreg.gather [hbm4b:s3+s1], $0x80, v3, vm0, $0xb8;
	[tilespmem:$0x8080] =	vst v63  }
0x37: {  	v3 =	vld [tilespmem:$0x30];
	_ =	sdelay $0x4  }
0x38: {  	v35 =	vshll.u32 v3, $0x1  }
0x39: {  	v3 =	vand.u32 $0x7, v3;
	v4 =	vand.u32 $0xFFFFFFF0, v35  }
0x3a: {  	v3 =	vor.u32 v3, v4  }
0x3b: {  	v4 =	vperm.xlane v3, v0;
	_ =	sdelay $0x1  }
0x3c: {  	v3 =	vperm.xlane v3, v2;
	v4 =	vadd.s32 v1, v4;
	_ =	sdelay $0x1  }
0x3d: {  	v3 =	vadd.s32 v1, v3;
	_ =	sdelay $0x2  }
0x3e: {  	[tilespmem:s20], [sflag:$0x1] =	stream.indirect_vreg.gather [hbm4b:s3+s1], $0x80, v4, vm0, $0xb8;
	[tilespmem:$0x8080] =	vst v63  }
0x3f: {  	_ = 	snop  }
0x40: {  	[tilespmem:s21], [sflag:$0x1] =	stream.indirect_vreg.gather [hbm4b:s3+s1], $0x80, v3, vm0, $0xb8;
	[tilespmem:$0x8080] =	vst v63  }
0x41: {  	v3 =	vld [tilespmem:$0x40];
	_ =	sdelay $0x4  }
0x42: {  	v36 =	vshll.u32 v3, $0x1  }
0x43: {  	v3 =	vand.u32 $0x7, v3;
	v4 =	vand.u32 $0xFFFFFFF0, v36  }
0x44: {  	v3 =	vor.u32 v3, v4  }
0x45: {  	v4 =	vperm.xlane v3, v0;
	_ =	sdelay $0x1  }
0x46: {  	v3 =	vperm.xlane v3, v2;
	v4 =	vadd.s32 v1, v4;
	_ =	sdelay $0x1  }
0x47: {  	v3 =	vadd.s32 v1, v3;
	_ =	sdelay $0x2  }
0x48: {  	[tilespmem:s22], [sflag:$0x1] =	stream.indirect_vreg.gather [hbm4b:s3+s1], $0x80, v4, vm0, $0xb8;
	[tilespmem:$0x8080] =	vst v63  }
0x49: {  	_ = 	snop  }
0x4a: {  	[tilespmem:s23], [sflag:$0x1] =	stream.indirect_vreg.gather [hbm4b:s3+s1], $0x80, v3, vm0, $0xb8;
	[tilespmem:$0x8080] =	vst v63  }
0x4b: {  	v3 =	vld [tilespmem:$0x50];
	_ =	sdelay $0x4  }
0x4c: {  	v37 =	vshll.u32 v3, $0x1  }
0x4d: {  	v3 =	vand.u32 $0x7, v3;
	v4 =	vand.u32 $0xFFFFFFF0, v37  }
0x4e: {  	v3 =	vor.u32 v3, v4  }
0x4f: {  	v4 =	vperm.xlane v3, v0;
	_ =	sdelay $0x1  }
0x50: {  	v3 =	vperm.xlane v3, v2;
	v4 =	vadd.s32 v1, v4;
	_ =	sdelay $0x1  }
0x51: {  	v3 =	vadd.s32 v1, v3;
	_ =	sdelay $0x2  }
0x52: {  	[tilespmem:s24], [sflag:$0x1] =	stream.indirect_vreg.gather [hbm4b:s3+s1], $0x80, v4, vm0, $0xb8;
	[tilespmem:$0x8080] =	vst v63  }
0x53: {  	_ = 	snop  }
0x54: {  	[tilespmem:s25], [sflag:$0x1] =	stream.indirect_vreg.gather [hbm4b:s3+s1], $0x80, v3, vm0, $0xb8;
	[tilespmem:$0x8080] =	vst v63  }
0x55: {  	v3 =	vld [tilespmem:$0x60];
	_ =	sdelay $0x4  }
0x56: {  	v38 =	vshll.u32 v3, $0x1  }
0x57: {  	v3 =	vand.u32 $0x7, v3;
	v4 =	vand.u32 $0xFFFFFFF0, v38  }
0x58: {  	v3 =	vor.u32 v3, v4  }
0x59: {  	v4 =	vperm.xlane v3, v0;
	_ =	sdelay $0x1  }
0x5a: {  	v3 =	vperm.xlane v3, v2;
	v4 =	vadd.s32 v1, v4;
	_ =	sdelay $0x1  }
0x5b: {  	v3 =	vadd.s32 v1, v3;
	_ =	sdelay $0x2  }
0x5c: {  	[tilespmem:s26], [sflag:$0x1] =	stream.indirect_vreg.gather [hbm4b:s3+s1], $0x80, v4, vm0, $0xb8;
	[tilespmem:$0x8080] =	vst v63  }
0x5d: {  	_ = 	snop  }
0x5e: {  	[tilespmem:s28], [sflag:$0x1] =	stream.indirect_vreg.gather [hbm4b:s3+s1], $0x80, v3, vm0, $0xb8;
	[tilespmem:$0x8080] =	vst v63  }
0x5f: {  	v3 =	vld [tilespmem:$0x70];
	_ =	sdelay $0x4  }
0x60: {  	v39 =	vshll.u32 v3, $0x1  }
0x61: {  	v3 =	vand.u32 $0x7, v3;
	v4 =	vand.u32 $0xFFFFFFF0, v39  }
0x62: {  	v3 =	vor.u32 v3, v4  }
0x63: {  	v4 =	vperm.xlane v3, v0;
	_ =	sdelay $0x1  }
0x64: {  	v3 =	vperm.xlane v3, v2;
	v4 =	vadd.s32 v1, v4;
	_ =	sdelay $0x1  }
0x65: {  	v3 =	vadd.s32 v1, v3;
	_ =	sdelay $0x2  }
0x66: {  	[tilespmem:s29], [sflag:$0x1] =	stream.indirect_vreg.gather [hbm4b:s3+s1], $0x80, v4, vm0, $0xb8;
	[tilespmem:$0x8080] =	vst v63  }
0x67: {  	_ = 	snop  }
0x68: {  	[tilespmem:s30], [sflag:$0x1] =	stream.indirect_vreg.gather [hbm4b:s3+s1], $0x80, v3, vm0, $0xb8;
	[tilespmem:$0x8080] =	vst v63  }
0x69: {  	_ =	swait.ge [sflag:s31], $0x8000  }
0x6a: {  	[sflag:s31] =	ssyncset.done $0x0  }
0x6b: {  	[sflag:s31] =	ssyncadd.s32 $0xFFFF8000  }
0x6c: {  	[hbm4b:s5+s1] =	stream.linear.scatter [tilespmem:s14], [sflag:$0x2], $0x8000, $0x38;
	[tilespmem:$0x8080] =	vst v63  }
0x6d: {  	_ =	swait.ge [sflag:s13], $0x8000  }
0x6e: {  	[sflag:s13] =	ssyncset.done $0x0  }
0x6f: {  	[sflag:s13] =	ssyncadd.s32 $0xFFFF8000  }
0x70: {  	[tilespmem:s1], [sflag:$0x2] =	stream.linear.gather [hbm4b:s6+s1], $0x80, $0x38;
	[tilespmem:$0x8080] =	vst v63  }
0x71: {  	_ =	swait.ge [sflag:s13], $0x80  }
0x72: {  	[sflag:s13] =	ssyncset.done $0x0  }
0x73: {  	[sflag:s13] =	ssyncadd.s32 $0xFFFFFF80  }
0x74: {  	v3 =	vld [tilespmem:$0x0];
	_ =	sdelay $0x4  }
0x75: {  	v40 =	vshll.u32 v3, $0x1  }
0x76: {  	v3 =	vand.u32 $0x7, v3;
	v4 =	vand.u32 $0xFFFFFFF0, v40  }
0x77: {  	v3 =	vor.u32 v3, v4  }
0x78: {  	v4 =	vperm.xlane v3, v0;
	_ =	sdelay $0x1  }
0x79: {  	v3 =	vperm.xlane v3, v2;
	v4 =	vadd.s32 v1, v4;
	_ =	sdelay $0x1  }
0x7a: {  	v3 =	vadd.s32 v1, v3;
	_ =	sdelay $0x2  }
0x7b: {  	[tilespmem:s14], [sflag:$0x1] =	stream.indirect_vreg.gather [hbm4b:s3+s1], $0x80, v4, vm0, $0xb8;
	[tilespmem:$0x8080] =	vst v63  }
0x7c: {  	_ = 	snop  }
0x7d: {  	[tilespmem:s15], [sflag:$0x1] =	stream.indirect_vreg.gather [hbm4b:s3+s1], $0x80, v3, vm0, $0xb8;
	[tilespmem:$0x8080] =	vst v63  }
0x7e: {  	v3 =	vld [tilespmem:$0x10];
	_ =	sdelay $0x4  }
0x7f: {  	v41 =	vshll.u32 v3, $0x1  }
0x80: {  	v3 =	vand.u32 $0x7, v3;
	v4 =	vand.u32 $0xFFFFFFF0, v41  }
0x81: {  	v3 =	vor.u32 v3, v4  }
0x82: {  	v4 =	vperm.xlane v3, v0;
	_ =	sdelay $0x1  }
0x83: {  	v3 =	vperm.xlane v3, v2;
	v4 =	vadd.s32 v1, v4;
	_ =	sdelay $0x1  }
0x84: {  	v3 =	vadd.s32 v1, v3;
	_ =	sdelay $0x2  }
0x85: {  	[tilespmem:s16], [sflag:$0x1] =	stream.indirect_vreg.gather [hbm4b:s3+s1], $0x80, v4, vm0, $0xb8;
	[tilespmem:$0x8080] =	vst v63  }
0x86: {  	_ = 	snop  }
0x87: {  	[tilespmem:s17], [sflag:$0x1] =	stream.indirect_vreg.gather [hbm4b:s3+s1], $0x80, v3, vm0, $0xb8;
	[tilespmem:$0x8080] =	vst v63  }
0x88: {  	v3 =	vld [tilespmem:$0x20];
	_ =	sdelay $0x4  }
0x89: {  	v42 =	vshll.u32 v3, $0x1  }
0x8a: {  	v3 =	vand.u32 $0x7, v3;
	v4 =	vand.u32 $0xFFFFFFF0, v42  }
0x8b: {  	v3 =	vor.u32 v3, v4  }
0x8c: {  	v4 =	vperm.xlane v3, v0;
	_ =	sdelay $0x1  }
0x8d: {  	v3 =	vperm.xlane v3, v2;
	v4 =	vadd.s32 v1, v4;
	_ =	sdelay $0x1  }
0x8e: {  	v3 =	vadd.s32 v1, v3;
	_ =	sdelay $0x2  }
0x8f: {  	[tilespmem:s18], [sflag:$0x1] =	stream.indirect_vreg.gather [hbm4b:s3+s1], $0x80, v4, vm0, $0xb8;
	[tilespmem:$0x8080] =	vst v63  }
0x90: {  	_ = 	snop  }
0x91: {  	[tilespmem:s19], [sflag:$0x1] =	stream.indirect_vreg.gather [hbm4b:s3+s1], $0x80, v3, vm0, $0xb8;
	[tilespmem:$0x8080] =	vst v63  }
0x92: {  	v3 =	vld [tilespmem:$0x30];
	_ =	sdelay $0x4  }
0x93: {  	v43 =	vshll.u32 v3, $0x1  }
0x94: {  	v3 =	vand.u32 $0x7, v3;
	v4 =	vand.u32 $0xFFFFFFF0, v43  }
0x95: {  	v3 =	vor.u32 v3, v4  }
0x96: {  	v4 =	vperm.xlane v3, v0;
	_ =	sdelay $0x1  }
0x97: {  	v3 =	vperm.xlane v3, v2;
	v4 =	vadd.s32 v1, v4;
	_ =	sdelay $0x1  }
0x98: {  	v3 =	vadd.s32 v1, v3;
	_ =	sdelay $0x2  }
0x99: {  	[tilespmem:s20], [sflag:$0x1] =	stream.indirect_vreg.gather [hbm4b:s3+s1], $0x80, v4, vm0, $0xb8;
	[tilespmem:$0x8080] =	vst v63  }
0x9a: {  	_ = 	snop  }
0x9b: {  	[tilespmem:s21], [sflag:$0x1] =	stream.indirect_vreg.gather [hbm4b:s3+s1], $0x80, v3, vm0, $0xb8;
	[tilespmem:$0x8080] =	vst v63  }
0x9c: {  	v3 =	vld [tilespmem:$0x40];
	_ =	sdelay $0x4  }
0x9d: {  	v44 =	vshll.u32 v3, $0x1  }
0x9e: {  	v3 =	vand.u32 $0x7, v3;
	v4 =	vand.u32 $0xFFFFFFF0, v44  }
0x9f: {  	v3 =	vor.u32 v3, v4  }
0xa0: {  	v4 =	vperm.xlane v3, v0;
	_ =	sdelay $0x1  }
0xa1: {  	v3 =	vperm.xlane v3, v2;
	v4 =	vadd.s32 v1, v4;
	_ =	sdelay $0x1  }
0xa2: {  	v3 =	vadd.s32 v1, v3;
	_ =	sdelay $0x2  }
0xa3: {  	[tilespmem:s22], [sflag:$0x1] =	stream.indirect_vreg.gather [hbm4b:s3+s1], $0x80, v4, vm0, $0xb8;
	[tilespmem:$0x8080] =	vst v63  }
0xa4: {  	_ = 	snop  }
0xa5: {  	[tilespmem:s23], [sflag:$0x1] =	stream.indirect_vreg.gather [hbm4b:s3+s1], $0x80, v3, vm0, $0xb8;
	[tilespmem:$0x8080] =	vst v63  }
0xa6: {  	v3 =	vld [tilespmem:$0x50];
	_ =	sdelay $0x4  }
0xa7: {  	v45 =	vshll.u32 v3, $0x1  }
0xa8: {  	v3 =	vand.u32 $0x7, v3;
	v4 =	vand.u32 $0xFFFFFFF0, v45  }
0xa9: {  	v3 =	vor.u32 v3, v4  }
0xaa: {  	v4 =	vperm.xlane v3, v0;
	_ =	sdelay $0x1  }
0xab: {  	v3 =	vperm.xlane v3, v2;
	v4 =	vadd.s32 v1, v4;
	_ =	sdelay $0x1  }
0xac: {  	v3 =	vadd.s32 v1, v3;
	_ =	sdelay $0x2  }
0xad: {  	[tilespmem:s24], [sflag:$0x1] =	stream.indirect_vreg.gather [hbm4b:s3+s1], $0x80, v4, vm0, $0xb8;
	[tilespmem:$0x8080] =	vst v63  }
0xae: {  	_ = 	snop  }
0xaf: {  	[tilespmem:s25], [sflag:$0x1] =	stream.indirect_vreg.gather [hbm4b:s3+s1], $0x80, v3, vm0, $0xb8;
	[tilespmem:$0x8080] =	vst v63  }
0xb0: {  	v3 =	vld [tilespmem:$0x60];
	_ =	sdelay $0x4  }
0xb1: {  	v46 =	vshll.u32 v3, $0x1  }
0xb2: {  	v3 =	vand.u32 $0x7, v3;
	v4 =	vand.u32 $0xFFFFFFF0, v46  }
0xb3: {  	v3 =	vor.u32 v3, v4  }
0xb4: {  	v4 =	vperm.xlane v3, v0;
	_ =	sdelay $0x1  }
0xb5: {  	v3 =	vperm.xlane v3, v2;
	v4 =	vadd.s32 v1, v4;
	_ =	sdelay $0x1  }
0xb6: {  	v3 =	vadd.s32 v1, v3;
	_ =	sdelay $0x2  }
0xb7: {  	[tilespmem:s26], [sflag:$0x1] =	stream.indirect_vreg.gather [hbm4b:s3+s1], $0x80, v4, vm0, $0xb8;
	[tilespmem:$0x8080] =	vst v63  }
0xb8: {  	_ = 	snop  }
0xb9: {  	[tilespmem:s28], [sflag:$0x1] =	stream.indirect_vreg.gather [hbm4b:s3+s1], $0x80, v3, vm0, $0xb8;
	[tilespmem:$0x8080] =	vst v63  }
0xba: {  	v3 =	vld [tilespmem:$0x70];
	_ =	sdelay $0x4  }
0xbb: {  	v47 =	vshll.u32 v3, $0x1  }
0xbc: {  	v3 =	vand.u32 $0x7, v3;
	v4 =	vand.u32 $0xFFFFFFF0, v47  }
0xbd: {  	v3 =	vor.u32 v3, v4  }
0xbe: {  	v4 =	vperm.xlane v3, v0;
	_ =	sdelay $0x1  }
0xbf: {  	v3 =	vperm.xlane v3, v2;
	v4 =	vadd.s32 v1, v4;
	_ =	sdelay $0x1  }
0xc0: {  	v3 =	vadd.s32 v1, v3;
	_ =	sdelay $0x2  }
0xc1: {  	[tilespmem:s29], [sflag:$0x1] =	stream.indirect_vreg.gather [hbm4b:s3+s1], $0x80, v4, vm0, $0xb8;
	[tilespmem:$0x8080] =	vst v63  }
0xc2: {  	_ = 	snop  }
0xc3: {  	[tilespmem:s30], [sflag:$0x1] =	stream.indirect_vreg.gather [hbm4b:s3+s1], $0x80, v3, vm0, $0xb8;
	[tilespmem:$0x8080] =	vst v63  }
0xc4: {  	_ =	swait.ge [sflag:s31], $0x8000  }
0xc5: {  	[sflag:s31] =	ssyncset.done $0x0  }
0xc6: {  	[sflag:s31] =	ssyncadd.s32 $0xFFFF8000  }
0xc7: {  	[hbm4b:s7+s1] =	stream.linear.scatter [tilespmem:s14], [sflag:$0x2], $0x8000, $0x38;
	[tilespmem:$0x8080] =	vst v63  }
0xc8: {  	_ =	swait.ge [sflag:s13], $0x8000  }
0xc9: {  	[sflag:s13] =	ssyncset.done $0x0  }
0xca: {  	[sflag:s13] =	ssyncadd.s32 $0xFFFF8000  }
0xcb: {  	[tilespmem:s1], [sflag:$0x2] =	stream.linear.gather [hbm4b:s8+s1], $0x80, $0x38;
	[tilespmem:$0x8080] =	vst v63  }
0xcc: {  	_ =	swait.ge [sflag:s13], $0x80  }
0xcd: {  	[sflag:s13] =	ssyncset.done $0x0  }
0xce: {  	[sflag:s13] =	ssyncadd.s32 $0xFFFFFF80  }
0xcf: {  	v3 =	vld [tilespmem:$0x0];
	_ =	sdelay $0x4  }
0xd0: {  	v48 =	vshll.u32 v3, $0x1  }
0xd1: {  	v3 =	vand.u32 $0x7, v3;
	v4 =	vand.u32 $0xFFFFFFF0, v48  }
0xd2: {  	v3 =	vor.u32 v3, v4  }
0xd3: {  	v4 =	vperm.xlane v3, v0;
	_ =	sdelay $0x1  }
0xd4: {  	v3 =	vperm.xlane v3, v2;
	v4 =	vadd.s32 v1, v4;
	_ =	sdelay $0x1  }
0xd5: {  	v3 =	vadd.s32 v1, v3;
	_ =	sdelay $0x2  }
0xd6: {  	[tilespmem:s14], [sflag:$0x1] =	stream.indirect_vreg.gather [hbm4b:s3+s1], $0x80, v4, vm0, $0xb8;
	[tilespmem:$0x8080] =	vst v63  }
0xd7: {  	_ = 	snop  }
0xd8: {  	[tilespmem:s15], [sflag:$0x1] =	stream.indirect_vreg.gather [hbm4b:s3+s1], $0x80, v3, vm0, $0xb8;
	[tilespmem:$0x8080] =	vst v63  }
0xd9: {  	v3 =	vld [tilespmem:$0x10];
	_ =	sdelay $0x4  }
0xda: {  	v49 =	vshll.u32 v3, $0x1  }
0xdb: {  	v3 =	vand.u32 $0x7, v3;
	v4 =	vand.u32 $0xFFFFFFF0, v49  }
0xdc: {  	v3 =	vor.u32 v3, v4  }
0xdd: {  	v4 =	vperm.xlane v3, v0;
	_ =	sdelay $0x1  }
0xde: {  	v3 =	vperm.xlane v3, v2;
	v4 =	vadd.s32 v1, v4;
	_ =	sdelay $0x1  }
0xdf: {  	v3 =	vadd.s32 v1, v3;
	_ =	sdelay $0x2  }
0xe0: {  	[tilespmem:s16], [sflag:$0x1] =	stream.indirect_vreg.gather [hbm4b:s3+s1], $0x80, v4, vm0, $0xb8;
	[tilespmem:$0x8080] =	vst v63  }
0xe1: {  	_ = 	snop  }
0xe2: {  	[tilespmem:s17], [sflag:$0x1] =	stream.indirect_vreg.gather [hbm4b:s3+s1], $0x80, v3, vm0, $0xb8;
	[tilespmem:$0x8080] =	vst v63  }
0xe3: {  	v3 =	vld [tilespmem:$0x20];
	_ =	sdelay $0x4  }
0xe4: {  	v50 =	vshll.u32 v3, $0x1  }
0xe5: {  	v3 =	vand.u32 $0x7, v3;
	v4 =	vand.u32 $0xFFFFFFF0, v50  }
0xe6: {  	v3 =	vor.u32 v3, v4  }
0xe7: {  	v4 =	vperm.xlane v3, v0;
	_ =	sdelay $0x1  }
0xe8: {  	v3 =	vperm.xlane v3, v2;
	v4 =	vadd.s32 v1, v4;
	_ =	sdelay $0x1  }
0xe9: {  	v3 =	vadd.s32 v1, v3;
	_ =	sdelay $0x2  }
0xea: {  	[tilespmem:s18], [sflag:$0x1] =	stream.indirect_vreg.gather [hbm4b:s3+s1], $0x80, v4, vm0, $0xb8;
	[tilespmem:$0x8080] =	vst v63  }
0xeb: {  	_ = 	snop  }
0xec: {  	[tilespmem:s19], [sflag:$0x1] =	stream.indirect_vreg.gather [hbm4b:s3+s1], $0x80, v3, vm0, $0xb8;
	[tilespmem:$0x8080] =	vst v63  }
0xed: {  	v3 =	vld [tilespmem:$0x30];
	_ =	sdelay $0x4  }
0xee: {  	v51 =	vshll.u32 v3, $0x1  }
0xef: {  	v3 =	vand.u32 $0x7, v3;
	v4 =	vand.u32 $0xFFFFFFF0, v51  }
0xf0: {  	v3 =	vor.u32 v3, v4  }
0xf1: {  	v4 =	vperm.xlane v3, v0;
	_ =	sdelay $0x1  }
0xf2: {  	v3 =	vperm.xlane v3, v2;
	v4 =	vadd.s32 v1, v4;
	_ =	sdelay $0x1  }
0xf3: {  	v3 =	vadd.s32 v1, v3;
	_ =	sdelay $0x2  }
0xf4: {  	[tilespmem:s20], [sflag:$0x1] =	stream.indirect_vreg.gather [hbm4b:s3+s1], $0x80, v4, vm0, $0xb8;
	[tilespmem:$0x8080] =	vst v63  }
0xf5: {  	_ = 	snop  }
0xf6: {  	[tilespmem:s21], [sflag:$0x1] =	stream.indirect_vreg.gather [hbm4b:s3+s1], $0x80, v3, vm0, $0xb8;
	[tilespmem:$0x8080] =	vst v63  }
0xf7: {  	v3 =	vld [tilespmem:$0x40];
	_ =	sdelay $0x4  }
0xf8: {  	v52 =	vshll.u32 v3, $0x1  }
0xf9: {  	v3 =	vand.u32 $0x7, v3;
	v4 =	vand.u32 $0xFFFFFFF0, v52  }
0xfa: {  	v3 =	vor.u32 v3, v4  }
0xfb: {  	v4 =	vperm.xlane v3, v0;
	_ =	sdelay $0x1  }
0xfc: {  	v3 =	vperm.xlane v3, v2;
	v4 =	vadd.s32 v1, v4;
	_ =	sdelay $0x1  }
0xfd: {  	v3 =	vadd.s32 v1, v3;
	_ =	sdelay $0x2  }
0xfe: {  	[tilespmem:s22], [sflag:$0x1] =	stream.indirect_vreg.gather [hbm4b:s3+s1], $0x80, v4, vm0, $0xb8;
	[tilespmem:$0x8080] =	vst v63  }
0xff: {  	_ = 	snop  }
0x100: {  	[tilespmem:s23], [sflag:$0x1] =	stream.indirect_vreg.gather [hbm4b:s3+s1], $0x80, v3, vm0, $0xb8;
	[tilespmem:$0x8080] =	vst v63  }
0x101: {  	v3 =	vld [tilespmem:$0x50];
	_ =	sdelay $0x4  }
0x102: {  	v53 =	vshll.u32 v3, $0x1  }
0x103: {  	v3 =	vand.u32 $0x7, v3;
	v4 =	vand.u32 $0xFFFFFFF0, v53  }
0x104: {  	v3 =	vor.u32 v3, v4  }
0x105: {  	v4 =	vperm.xlane v3, v0;
	_ =	sdelay $0x1  }
0x106: {  	v3 =	vperm.xlane v3, v2;
	v4 =	vadd.s32 v1, v4;
	_ =	sdelay $0x1  }
0x107: {  	v3 =	vadd.s32 v1, v3;
	_ =	sdelay $0x2  }
0x108: {  	[tilespmem:s24], [sflag:$0x1] =	stream.indirect_vreg.gather [hbm4b:s3+s1], $0x80, v4, vm0, $0xb8;
	[tilespmem:$0x8080] =	vst v63  }
0x109: {  	_ = 	snop  }
0x10a: {  	[tilespmem:s25], [sflag:$0x1] =	stream.indirect_vreg.gather [hbm4b:s3+s1], $0x80, v3, vm0, $0xb8;
	[tilespmem:$0x8080] =	vst v63  }
0x10b: {  	v3 =	vld [tilespmem:$0x60];
	_ =	sdelay $0x4  }
0x10c: {  	v54 =	vshll.u32 v3, $0x1  }
0x10d: {  	v3 =	vand.u32 $0x7, v3;
	v4 =	vand.u32 $0xFFFFFFF0, v54  }
0x10e: {  	v3 =	vor.u32 v3, v4  }
0x10f: {  	v4 =	vperm.xlane v3, v0;
	_ =	sdelay $0x1  }
0x110: {  	v3 =	vperm.xlane v3, v2;
	v4 =	vadd.s32 v1, v4;
	_ =	sdelay $0x1  }
0x111: {  	v3 =	vadd.s32 v1, v3;
	_ =	sdelay $0x2  }
0x112: {  	[tilespmem:s26], [sflag:$0x1] =	stream.indirect_vreg.gather [hbm4b:s3+s1], $0x80, v4, vm0, $0xb8;
	[tilespmem:$0x8080] =	vst v63  }
0x113: {  	_ = 	snop  }
0x114: {  	[tilespmem:s28], [sflag:$0x1] =	stream.indirect_vreg.gather [hbm4b:s3+s1], $0x80, v3, vm0, $0xb8;
	[tilespmem:$0x8080] =	vst v63  }
0x115: {  	v3 =	vld [tilespmem:$0x70];
	_ =	sdelay $0x4  }
0x116: {  	v55 =	vshll.u32 v3, $0x1  }
0x117: {  	v3 =	vand.u32 $0x7, v3;
	v4 =	vand.u32 $0xFFFFFFF0, v55  }
0x118: {  	v3 =	vor.u32 v3, v4  }
0x119: {  	v4 =	vperm.xlane v3, v0;
	_ =	sdelay $0x1  }
0x11a: {  	v3 =	vperm.xlane v3, v2;
	v4 =	vadd.s32 v1, v4;
	_ =	sdelay $0x1  }
0x11b: {  	v3 =	vadd.s32 v1, v3;
	_ =	sdelay $0x2  }
0x11c: {  	[tilespmem:s29], [sflag:$0x1] =	stream.indirect_vreg.gather [hbm4b:s3+s1], $0x80, v4, vm0, $0xb8;
	[tilespmem:$0x8080] =	vst v63  }
0x11d: {  	_ = 	snop  }
0x11e: {  	[tilespmem:s30], [sflag:$0x1] =	stream.indirect_vreg.gather [hbm4b:s3+s1], $0x80, v3, vm0, $0xb8;
	[tilespmem:$0x8080] =	vst v63  }
0x11f: {  	_ =	swait.ge [sflag:s31], $0x8000  }
0x120: {  	[sflag:s31] =	ssyncset.done $0x0  }
0x121: {  	[sflag:s31] =	ssyncadd.s32 $0xFFFF8000  }
0x122: {  	[hbm4b:s9+s1] =	stream.linear.scatter [tilespmem:s14], [sflag:$0x2], $0x8000, $0x38;
	[tilespmem:$0x8080] =	vst v63  }
0x123: {  	_ =	swait.ge [sflag:s13], $0x8000  }
0x124: {  	[sflag:s13] =	ssyncset.done $0x0  }
0x125: {  	[sflag:s13] =	ssyncadd.s32 $0xFFFF8000  }
0x126: {  	[tilespmem:s1], [sflag:$0x2] =	stream.linear.gather [hbm4b:s10+s1], $0x80, $0x38;
	[tilespmem:$0x8080] =	vst v63  }
0x127: {  	_ =	swait.ge [sflag:s13], $0x80  }
0x128: {  	[sflag:s13] =	ssyncset.done $0x0  }
0x129: {  	[sflag:s13] =	ssyncadd.s32 $0xFFFFFF80  }
0x12a: {  	v3 =	vld [tilespmem:$0x0];
	_ =	sdelay $0x4  }
0x12b: {  	v56 =	vshll.u32 v3, $0x1  }
0x12c: {  	v3 =	vand.u32 $0x7, v3;
	v4 =	vand.u32 $0xFFFFFFF0, v56  }
0x12d: {  	v3 =	vor.u32 v3, v4  }
0x12e: {  	v4 =	vperm.xlane v3, v0;
	_ =	sdelay $0x1  }
0x12f: {  	v3 =	vperm.xlane v3, v2;
	v4 =	vadd.s32 v1, v4;
	_ =	sdelay $0x1  }
0x130: {  	v3 =	vadd.s32 v1, v3;
	_ =	sdelay $0x2  }
0x131: {  	[tilespmem:s14], [sflag:$0x1] =	stream.indirect_vreg.gather [hbm4b:s3+s1], $0x80, v4, vm0, $0xb8;
	[tilespmem:$0x8080] =	vst v63  }
0x132: {  	_ = 	snop  }
0x133: {  	[tilespmem:s15], [sflag:$0x1] =	stream.indirect_vreg.gather [hbm4b:s3+s1], $0x80, v3, vm0, $0xb8;
	[tilespmem:$0x8080] =	vst v63  }
0x134: {  	v3 =	vld [tilespmem:$0x10];
	_ =	sdelay $0x4  }
0x135: {  	v57 =	vshll.u32 v3, $0x1  }
0x136: {  	v3 =	vand.u32 $0x7, v3;
	v4 =	vand.u32 $0xFFFFFFF0, v57  }
0x137: {  	v3 =	vor.u32 v3, v4  }
0x138: {  	v4 =	vperm.xlane v3, v0;
	_ =	sdelay $0x1  }
0x139: {  	v3 =	vperm.xlane v3, v2;
	v4 =	vadd.s32 v1, v4;
	_ =	sdelay $0x1  }
0x13a: {  	v3 =	vadd.s32 v1, v3;
	_ =	sdelay $0x2  }
0x13b: {  	[tilespmem:s16], [sflag:$0x1] =	stream.indirect_vreg.gather [hbm4b:s3+s1], $0x80, v4, vm0, $0xb8;
	[tilespmem:$0x8080] =	vst v63  }
0x13c: {  	_ = 	snop  }
0x13d: {  	[tilespmem:s17], [sflag:$0x1] =	stream.indirect_vreg.gather [hbm4b:s3+s1], $0x80, v3, vm0, $0xb8;
	[tilespmem:$0x8080] =	vst v63  }
0x13e: {  	v3 =	vld [tilespmem:$0x20];
	_ =	sdelay $0x4  }
0x13f: {  	v58 =	vshll.u32 v3, $0x1  }
0x140: {  	v3 =	vand.u32 $0x7, v3;
	v4 =	vand.u32 $0xFFFFFFF0, v58  }
0x141: {  	v3 =	vor.u32 v3, v4  }
0x142: {  	v4 =	vperm.xlane v3, v0;
	_ =	sdelay $0x1  }
0x143: {  	v3 =	vperm.xlane v3, v2;
	v4 =	vadd.s32 v1, v4;
	_ =	sdelay $0x1  }
0x144: {  	v3 =	vadd.s32 v1, v3;
	_ =	sdelay $0x2  }
0x145: {  	[tilespmem:s18], [sflag:$0x1] =	stream.indirect_vreg.gather [hbm4b:s3+s1], $0x80, v4, vm0, $0xb8;
	[tilespmem:$0x8080] =	vst v63  }
0x146: {  	_ = 	snop  }
0x147: {  	[tilespmem:s19], [sflag:$0x1] =	stream.indirect_vreg.gather [hbm4b:s3+s1], $0x80, v3, vm0, $0xb8;
	[tilespmem:$0x8080] =	vst v63  }
0x148: {  	v3 =	vld [tilespmem:$0x30];
	_ =	sdelay $0x4  }
0x149: {  	v59 =	vshll.u32 v3, $0x1  }
0x14a: {  	v3 =	vand.u32 $0x7, v3;
	v4 =	vand.u32 $0xFFFFFFF0, v59  }
0x14b: {  	v3 =	vor.u32 v3, v4  }
0x14c: {  	v4 =	vperm.xlane v3, v0;
	_ =	sdelay $0x1  }
0x14d: {  	v3 =	vperm.xlane v3, v2;
	v4 =	vadd.s32 v1, v4;
	_ =	sdelay $0x1  }
0x14e: {  	v3 =	vadd.s32 v1, v3;
	_ =	sdelay $0x2  }
0x14f: {  	[tilespmem:s20], [sflag:$0x1] =	stream.indirect_vreg.gather [hbm4b:s3+s1], $0x80, v4, vm0, $0xb8;
	[tilespmem:$0x8080] =	vst v63  }
0x150: {  	_ = 	snop  }
0x151: {  	[tilespmem:s21], [sflag:$0x1] =	stream.indirect_vreg.gather [hbm4b:s3+s1], $0x80, v3, vm0, $0xb8;
	[tilespmem:$0x8080] =	vst v63  }
0x152: {  	v3 =	vld [tilespmem:$0x40];
	_ =	sdelay $0x4  }
0x153: {  	v60 =	vshll.u32 v3, $0x1  }
0x154: {  	v3 =	vand.u32 $0x7, v3;
	v4 =	vand.u32 $0xFFFFFFF0, v60  }
0x155: {  	v3 =	vor.u32 v3, v4  }
0x156: {  	v4 =	vperm.xlane v3, v0;
	_ =	sdelay $0x1  }
0x157: {  	v3 =	vperm.xlane v3, v2;
	v4 =	vadd.s32 v1, v4;
	_ =	sdelay $0x1  }
0x158: {  	v3 =	vadd.s32 v1, v3;
	_ =	sdelay $0x2  }
0x159: {  	[tilespmem:s22], [sflag:$0x1] =	stream.indirect_vreg.gather [hbm4b:s3+s1], $0x80, v4, vm0, $0xb8;
	[tilespmem:$0x8080] =	vst v63  }
0x15a: {  	_ = 	snop  }
0x15b: {  	[tilespmem:s23], [sflag:$0x1] =	stream.indirect_vreg.gather [hbm4b:s3+s1], $0x80, v3, vm0, $0xb8;
	[tilespmem:$0x8080] =	vst v63  }
0x15c: {  	v3 =	vld [tilespmem:$0x50];
	_ =	sdelay $0x4  }
0x15d: {  	v61 =	vshll.u32 v3, $0x1  }
0x15e: {  	v3 =	vand.u32 $0x7, v3;
	v4 =	vand.u32 $0xFFFFFFF0, v61  }
0x15f: {  	v3 =	vor.u32 v3, v4  }
0x160: {  	v4 =	vperm.xlane v3, v0;
	_ =	sdelay $0x1  }
0x161: {  	v3 =	vperm.xlane v3, v2;
	v4 =	vadd.s32 v1, v4;
	_ =	sdelay $0x1  }
0x162: {  	v3 =	vadd.s32 v1, v3;
	_ =	sdelay $0x2  }
0x163: {  	[tilespmem:s24], [sflag:$0x1] =	stream.indirect_vreg.gather [hbm4b:s3+s1], $0x80, v4, vm0, $0xb8;
	[tilespmem:$0x8080] =	vst v63  }
0x164: {  	_ = 	snop  }
0x165: {  	[tilespmem:s25], [sflag:$0x1] =	stream.indirect_vreg.gather [hbm4b:s3+s1], $0x80, v3, vm0, $0xb8;
	[tilespmem:$0x8080] =	vst v63  }
0x166: {  	v3 =	vld [tilespmem:$0x60];
	_ =	sdelay $0x4  }
0x167: {  	v62 =	vshll.u32 v3, $0x1  }
0x168: {  	v3 =	vand.u32 $0x7, v3;
	v4 =	vand.u32 $0xFFFFFFF0, v62  }
0x169: {  	v3 =	vor.u32 v3, v4  }
0x16a: {  	v4 =	vperm.xlane v3, v0;
	_ =	sdelay $0x1  }
0x16b: {  	v3 =	vperm.xlane v3, v2;
	v4 =	vadd.s32 v1, v4;
	_ =	sdelay $0x1  }
0x16c: {  	v3 =	vadd.s32 v1, v3;
	_ =	sdelay $0x2  }
0x16d: {  	[tilespmem:s26], [sflag:$0x1] =	stream.indirect_vreg.gather [hbm4b:s3+s1], $0x80, v4, vm0, $0xb8;
	[tilespmem:$0x8080] =	vst v63  }
0x16e: {  	_ = 	snop  }
0x16f: {  	[tilespmem:s28], [sflag:$0x1] =	stream.indirect_vreg.gather [hbm4b:s3+s1], $0x80, v3, vm0, $0xb8;
	[tilespmem:$0x8080] =	vst v63  }
0x170: {  	v3 =	vld [tilespmem:$0x70];
	_ =	sdelay $0x4  }
0x171: {  	v63 =	vshll.u32 v3, $0x1  }
0x172: {  	v3 =	vand.u32 $0x7, v3;
	v4 =	vand.u32 $0xFFFFFFF0, v63  }
0x173: {  	v3 =	vor.u32 v3, v4  }
0x174: {  	v4 =	vperm.xlane v3, v0;
	_ =	sdelay $0x1  }
0x175: {  	v3 =	vperm.xlane v3, v2;
	v4 =	vadd.s32 v1, v4;
	_ =	sdelay $0x1  }
0x176: {  	v3 =	vadd.s32 v1, v3;
	_ =	sdelay $0x2  }
0x177: {  	[tilespmem:s29], [sflag:$0x1] =	stream.indirect_vreg.gather [hbm4b:s3+s1], $0x80, v4, vm0, $0xb8;
	[tilespmem:$0x8080] =	vst v63  }
0x178: {  	_ = 	snop  }
0x179: {  	[tilespmem:s30], [sflag:$0x1] =	stream.indirect_vreg.gather [hbm4b:s3+s1], $0x80, v3, vm0, $0xb8;
	[tilespmem:$0x8080] =	vst v63  }
0x17a: {  	_ =	swait.ge [sflag:s31], $0x8000  }
0x17b: {  	p0 =	sne.s32 s12, $0x1;
	[sflag:s31] =	ssyncset.done $0x0  }
.Ltmp0:
0x17c: {  	[sflag:s31] =	ssyncadd.s32 $0xFFFF8000;
	(pc) =	sbr.rel @p0 .LBB2_1-.Ltmp0, $4  }
0x17d: {  	[hbm4b:s11+s1] =	stream.linear.scatter [tilespmem:s14], [sflag:$0x2], $0x8000, $0x38;
	[tilespmem:$0x8080] =	vst v63  }
0x17e: {  	_ =	swait.ge [sflag:s13], $0x8000  }
0x17f: {  	[sflag:s13] =	ssyncset.done $0x0  }
0x180: {  	s12 =	sadd.s32 $0xFFFFFFFF, s12;
	[sflag:s13] =	ssyncadd.s32 $0xFFFF8000  }
0x181: {  	_ =	sfence.sel $0x180000  }
0x182: {  	[bflag:$0x0] =	sbarrier.arrive $0xFFFF  }
0x183: {  	p0 =	sne.s32 s2, $0x0;
	_ =	strace $0x9000004A  }
0x184: {  	s0 =	sadd.s32 @!p0 $0x100000, s0;
	[bflag:$0x2] =	sbarrier.arrive $0xFFFF  }
0x185: {  	[sflag:s0] =	ssyncadd.tile.s32 @!p0 $0x1;
	_ =	shalt  }
.Lfunc_end2:
_tile_overlayer_lowered:
.L_overlay_start_2:
0x186: {  	(tag) =	ssettag $0x2  }
0x187: {  	s0 =	rddreg [dreg:$0x0];
	s2 =	stileid.u32  }
0x188: {  	s1 =	rddreg [dreg:$0x1];
	p0 =	sne.s32 s2, $0x0  }
0x189: {  	s3 =	rddreg [dreg:$0x2];
	[bflag:$0x3] =	sbarrier.arrive $0xFFFF;
	s2 =	simm.s32 @!p0 $0x1C02  }
0x18a: {  	[timem:s3], [sflag:s2] =	dma.local @!p0 [hbm:s0], s1  }
0x18b: {  	s0 =	simm.s32 @!p0 $0x2  }
0x18c: {  	_ =	swait.ge @!p0 [sflag:s0], s1  }
0x18d: {  	s1 =	ssub.s32 @!p0 $0x0, s1;
	[sflag:s0] =	ssyncset.done @!p0 $0x0  }
0x18e: {  	[sflag:s0] =	ssyncadd.s32 @!p0 s1  }
0x18f: {  	[bflag:$0x3] =	sbarrier.arrive $0xFFFF  }
0x190: {  	_ =	shalt  }

// kernel: kernel.17.cloned.1.call-start
scs
__scs_entry_jumppad:
0x0: {  	(pc) =	sbr.rel $0x88, $3  }
0x1: {  	(tag) =	ssettag $0x0;
	lr =	simm.s32 $0x1  }
0x2: {  	[smem:$0x3F9F] =	sst lr;
	_ =	strace $0xD0000000  }
0x3: {  	_ = 	snop  }
0x4: {  	_ = 	snop  }
0x5: {  	_ = 	snop  }
0x6: {  	_ = 	snop  }
0x7: {  	_ = 	snop  }
__scs_overlays_trampoline_lowered:
0x8: {  	[smem:$0x3FAE] =	sst s0  }
0x9: {  	[smem:$0x3FAF] =	sst s1  }
0xa: {  	[smem:$0x3FB0] =	sst s2  }
0xb: {  	[smem:$0x3FB1] =	sst s3  }
0xc: {  	[smem:$0x3FB2] =	sst s4  }
0xd: {  	[smem:$0x3FB3] =	sst s5  }
0xe: {  	[smem:$0x3FB4] =	sst s6  }
0xf: {  	[smem:$0x3FB5] =	sst s7  }
0x10: {  	[smem:$0x3FB6] =	sst s8  }
0x11: {  	[smem:$0x3FB7] =	sst s9;
	s0 =	simm.s32 @!p0 $0x0  }
0x12: {  	s1 =	sld [smem:$0x3F9D];
	s0 =	simm.s32 @p0 $0x1  }
0x13: {  	[smem:$0x3FB8] =	sst s0;
	s0 =	simm.s32 @!p1 $0x0  }
0x14: {  	s2 =	sld [smem:$0x3F9C];
	s0 =	simm.s32 @p1 $0x1  }
0x15: {  	[smem:$0x3FB9] =	sst s0;
	s0 =	simm.s32 @!p2 $0x0  }
0x16: {  	s3 =	sld [smem:$0x3FDB];
	s0 =	simm.s32 @p2 $0x1  }
0x17: {  	s4 =	simm.s32 $0x1BF5;
	[smem:$0x3FBB] =	sst s0  }
0x18: {  	s0 =	sld [smem:$0x3F9E];
	_ =	swait.ge [sflag:s4], $0x0  }
0x19: {  	s7 =	sld [smem:$0x3F9F]  }
0x1a: {  	s8 =	sadd.s32 $0xFFFFE003, lr  }
0x1b: {  	s9 =	sadd.s32 $0xFFFFFEF7, lr;
	s5 =	simm.s32 $0xFFFFFFFF;
	p2 =	slt.u32 s8, $0xFFFFF086  }
0x1c: {  	p1 =	slt.u32 s9, $0xF7A;
	s5 =	simm.s32 @!p2 $0x0  }
0x1d: {  	s5 =	simm.s32 @p1 $0x1;
	p0 =	seq.s32 s7, s2  }
0x1e: {  	s7 =	smul.u32 @!p0 $0xF7A, s2;
	p2 =	seq.s32 @!p0 s5, $0x0  }
0x1f: {  	s9 =	smul.u32 $0xF7A, s1;
	s8 =	simm.s32 @!p0 $0x1BF5;
	p2 =	por !p2, p0  }
0x20: {  	[sflag:s8] =	ssyncset.s32 @!p0 $0xFFFFF086;
	s6 =	sadd.s32 @!p0 s3, s7;
	s7 =	simm.s32 @!p0 $0x108  }
0x21: {  	s3 =	sadd.s32 s3, s9;
	s6 =	sadd.s32 @!p0 $0x88, s6;
	s7 =	simm.s32 @p2 $0x1082  }
0x22: {  	[simem:s7], [sflag:s8] =	dma.local @!p0 [hbm:s6], $0xF7A  }
0x23: {  	s9 =	sor.u32 $0xD0000000, s2;
	s6 =	simm.s32 $0x108;
	_ =	swait.ge @!p0 [sflag:s8], $0x0  }
0x24: {  	s3 =	sadd.s32 $0x88, s3;
	s6 =	simm.s32 @!p1 $0x1082;
	[sflag:s4] =	ssyncset.s32 $0xFFFFF086  }
0x25: {  	[simem:s6], [sflag:s4] =	dma.local [hbm:s3], $0xF7A  }
0x26: {  	[smem:$0x3F9F] =	sst s1;
	(tag) =	ssettag s2;
	_ =	strace s9  }
0x27: {  	s1 =	sld [smem:$0x3FAF]  }
0x28: {  	s2 =	sld [smem:$0x3FB0]  }
0x29: {  	s4 =	sld [smem:$0x3FB2]  }
0x2a: {  	p0 =	seq.s32 s5, $0x0;
	s5 =	sld [smem:$0x3FB3]  }
0x2b: {  	s6 =	sld [smem:$0x3FB4]  }
0x2c: {  	s7 =	sld [smem:$0x3FB5]  }
0x2d: {  	s3 =	simm.s32 $0x108;
	s8 =	sld [smem:$0x3FB6]  }
0x2e: {  	s3 =	simm.s32 @!p0 $0x1082;
	s9 =	sld [smem:$0x3FB7]  }
0x2f: {  	lr =	sadd.s32 s0, s3;
	s0 =	sld [smem:$0x3FAE]  }
0x30: {  	s3 =	sld [smem:$0x3FB1]  }
0x31: {  	[smem:$0x3FBA] =	sst s10  }
0x32: {  	s10 =	sld [smem:$0x3FB8];
	_ =	sdelay $0x3  }
0x33: {  	p0 =	seq.s32 s10, $0x1;
	s10 =	sld [smem:$0x3FBA];
	_ =	sdelay $0x3  }
0x34: {  	[smem:$0x3FBA] =	sst s10  }
0x35: {  	s10 =	sld [smem:$0x3FB9];
	_ =	sdelay $0x3  }
0x36: {  	p1 =	seq.s32 s10, $0x1;
	s10 =	sld [smem:$0x3FBA];
	_ =	sdelay $0x3  }
0x37: {  	[smem:$0x3FBA] =	sst s10  }
0x38: {  	s10 =	sld [smem:$0x3FBB]  }
0x39: {  	_ = 	snop;
	(pc) =	sbr.ind lr, $3  }
0x3a: {  	_ = 	snop  }
0x3b: {  	_ = 	snop  }
0x3c: {  	p2 =	seq.s32 s10, $0x1;
	s10 =	sld [smem:$0x3FBA]  }
0x3d: {  	_ =	shalt  }
0x3e: {  	_ =	shalt  }
0x3f: {  	_ =	shalt  }
0x40: {  	_ =	shalt  }
0x41: {  	_ =	shalt  }
0x42: {  	_ =	shalt  }
0x43: {  	_ =	shalt  }
0x44: {  	_ =	shalt  }
0x45: {  	_ =	shalt  }
0x46: {  	_ =	shalt  }
0x47: {  	_ =	shalt  }
0x48: {  	_ =	shalt  }
0x49: {  	_ =	shalt  }
0x4a: {  	_ =	shalt  }
0x4b: {  	_ =	shalt  }
0x4c: {  	_ =	shalt  }
0x4d: {  	_ =	shalt  }
0x4e: {  	_ =	shalt  }
0x4f: {  	_ =	shalt  }
0x50: {  	_ =	shalt  }
0x51: {  	_ =	shalt  }
0x52: {  	_ =	shalt  }
0x53: {  	_ =	shalt  }
0x54: {  	_ =	shalt  }
0x55: {  	_ =	shalt  }
0x56: {  	_ =	shalt  }
0x57: {  	_ =	shalt  }
0x58: {  	_ =	shalt  }
0x59: {  	_ =	shalt  }
0x5a: {  	_ =	shalt  }
0x5b: {  	_ =	shalt  }
0x5c: {  	_ =	shalt  }
0x5d: {  	_ =	shalt  }
0x5e: {  	_ =	shalt  }
0x5f: {  	_ =	shalt  }
0x60: {  	_ =	shalt  }
0x61: {  	_ =	shalt  }
0x62: {  	_ =	shalt  }
0x63: {  	_ =	shalt  }
0x64: {  	_ =	shalt  }
0x65: {  	_ =	shalt  }
0x66: {  	_ =	shalt  }
0x67: {  	_ =	shalt  }
0x68: {  	_ =	shalt  }
0x69: {  	_ =	shalt  }
0x6a: {  	_ =	shalt  }
0x6b: {  	_ =	shalt  }
0x6c: {  	_ =	shalt  }
0x6d: {  	_ =	shalt  }
0x6e: {  	_ =	shalt  }
0x6f: {  	_ =	shalt  }
0x70: {  	_ =	shalt  }
0x71: {  	_ =	shalt  }
0x72: {  	_ =	shalt  }
0x73: {  	_ =	shalt  }
0x74: {  	_ =	shalt  }
0x75: {  	_ =	shalt  }
0x76: {  	_ =	shalt  }
0x77: {  	_ =	shalt  }
0x78: {  	_ =	shalt  }
0x79: {  	_ =	shalt  }
0x7a: {  	_ =	shalt  }
0x7b: {  	_ =	shalt  }
0x7c: {  	_ =	shalt  }
0x7d: {  	_ =	shalt  }
0x7e: {  	_ =	shalt  }
0x7f: {  	_ =	shalt  }
0x80: {  	_ =	shalt  }
0x81: {  	_ =	shalt  }
0x82: {  	_ =	shalt  }
0x83: {  	_ =	shalt  }
0x84: {  	_ =	shalt  }
0x85: {  	_ =	shalt  }
0x86: {  	_ =	shalt  }
0x87: {  	_ =	shalt  }
.Lfunc_end0:
.L_simem_size_0:
called_computation.2_lowered:
.L_overlay_start_0:
0x88: {  	s2 =	sld [smem:$0x3FD9]  }
0x89: {  	s3 =	sld [smem:$0x3FFE];
	_ =	sdelay $0x1  }
0x8a: {  	s1 =	srdreg.scid  }
0x8b: {  	s0 =	sand.u32 $0x1, s1  }
0x8c: {  	s14 =	sshll.u32 s0, $0xA;
	s2 =	sadd.s32 s3, s2  }
0x8d: {  	s2 =	sadd.s32 s2, s14  }
0x8e: {  	[smem:$0x3FC6] =	sst s2  }
0x8f: {  	_ = 	snop  }
0x90: {  	s2 =	sld [smem:$0x3FD0];
	_ =	sdelay $0x2  }
0x91: {  	s15 =	simm.s32 $0xA;
	s4 =	simm.s32 $0x10  }
0x92: {  	[smem:s4], [sflag:s15] =	dma.local [hbm:s2], $0x1  }
0x93: {  	_ =	swait.eq [sflag:s15], $0x1  }
0x94: {  	[sflag:s15] =	ssyncset.done $0x0  }
0x95: {  	[sflag:s15] =	ssyncadd.s32 $0xFFFFFFFF  }
0x96: {  	s16 =	sld [smem:$0x13];
	(tm) =	ssettm $0x1  }
0x97: {  	s17 =	sld [smem:$0x3FFB];
	_ =	sdelay $0x3  }
0x98: {  	_ =	strace s17  }
0x99: {  	s3 =	sld [smem:$0x3FFC];
	_ =	sdelay $0x3  }
0x9a: {  	_ =	strace s3  }
0x9b: {  	s3 =	sld [smem:$0x3FFD];
	_ =	sdelay $0x3  }
0x9c: {  	_ =	strace s3  }
0x9d: {  	_ =	strace $0x8FFFFFFF  }
0x9e: {  	s18 =	sld [smem:$0x3FDB];
	_ =	sdelay $0x1  }
0x9f: {  	s19 =	simm.s32 $_scs_section_size  }
0xa0: {  	s5 =	simm.s32 $_size__tile_overlayer_lowered;
	s6 =	simm.s32 $_tile_overlayer_lowered  }
0xa1: {  	s22 =	simm.s32 $0x1BFF;
	s21 =	sshll.u32 s6, $0x1;
	s3 =	sadd.s32 s19, s18  }
0xa2: {  	s7 =	simm.s32 $0x0;
	s20 =	sshll.u32 s5, $0x1;
	s5 =	sadd.s32 s21, s3  }
0xa3: {  	[timem:s7], [sflag:s22] =	dma.local [hbm:s5], s20  }
0xa4: {  	_ =	swait.ge [sflag:s22], s20  }
0xa5: {  	s4 =	ssub.s32 $0x0, s20;
	[sflag:s22] =	ssyncset.done $0x0  }
0xa6: {  	[sflag:s22] =	ssyncadd.s32 s4;
	_ =	sdelay $0x1  }
0xa7: {  	s23 =	simm.s32 $0x1B8B  }
0xa8: {  	_ =	swait.ge [sflag:s23], $0x1  }
0xa9: {  	[sflag:s23] =	ssyncset.done $0x0  }
0xaa: {  	s25 =	simm.s32 $0x1B8E;
	s24 =	sld [smem:$0x3FFE];
	[sflag:s23] =	ssyncadd.s32 $0xFFFFFFFF  }
0xab: {  	s26 =	simm.s32 $execute0_lowered;
	[smem:$0x3FD2] =	sst s25  }
0xac: {  	s5 =	sshll.u32 s26, $0x1;
	_ =	strace $0x8000004C;
	[dreg:$0x1] =	wrdreg $0xFFFFFFFF  }
0xad: {  	s28 =	simm.s32 $_size_execute0_lowered;
	s3 =	sadd.s32 s3, s5;
	[dreg:$0x0] =	wrdreg $0x0  }
0xae: {  	s5 =	sshll.u32 s28, $0x1;
	[dreg:$0x2] =	wrdreg s3  }
0xaf: {  	[dreg:$0x3] =	wrdreg s5  }
0xb0: {  	[dreg:$0x4] =	wrdreg $0xC0  }
0xb1: {  	_ =	task [dreg:s7], $0x5FFFF  }
0xb2: {  	[dreg:$0x1] =	wrdreg $0xFFFFFFFF  }
0xb3: {  	[dreg:$0x0] =	wrdreg $0x60  }
0xb4: {  	[dreg:$0x2] =	wrdreg s24  }
0xb5: {  	[dreg:$0x3] =	wrdreg s16  }
0xb6: {  	[dreg:$0x4] =	wrdreg $0x9  }
0xb7: {  	_ =	task.clear_ibuf [dreg:s7], $0x5FFFF;
	_ =	strace $0x9000004C  }
0xb8: {  	s29 =	simm.s32 $0x9;
	_ =	strace $0x8000004E  }
0xb9: {  	_ =	swait.ge [sflag:s29], $0x1  }
0xba: {  	[sflag:s29] =	ssyncadd.s32 $0xFFFFFFFF  }
0xbb: {  	_ =	strace $0x9000004E  }
0xbc: {  	_ =	sfence  }
0xbd: {  	s30 =	sld [smem:$0x0];
	_ =	sdelay $0x2  }
0xbe: {  	s31 =	sshll.u32 s1, $0xD;
	s1 =	sshrl.u32 s1, $0x2  }
0xbf: {  	s3 =	sand.u32 $0x4000, s31;
	s1 =	sadd.s32 s1, s30  }
0xc0: {  	s0 =	sor.u32 s3, s0;
	s1 =	sshll.u32 s1, $0x11  }
0xc1: {  	s0 =	sor.u32 s1, s0  }
0xc2: {  	s0 =	sadd.s32 $0x8F2B, s0  }
0xc3: {  	[sflag:s0] =	ssyncadd.remote.s32 $0x1  }
0xc4: {  	_ =	sfence.sel $0xFFFF  }
0xc5: {  	[dreg:$0x0] =	wrdreg $0xFFFFFFFF;
	(pc) =	sbr.abs _section_cstart, $3  }
0xc6: {  	[dreg:$0x1] =	wrdreg $0xFFFFFFFF  }
0xc7: {  	_ =	task.clear_ibuf [dreg:s7], $0x2FFFF;
	_ =	strace $0x9FFFFFFF  }
0xc8: {  	(tm) =	ssettm $0x7FFFFFFF  }
0xc9: {  	_ =	shalt  }
tec
execute0_lowered:
.L_overlay_start_1:
0x0: {  	(tag) =	ssettag $0x1  }
0x1: {  	s4 =	rddreg [dreg:$0x0]  }
0x2: {  	s10 =	rddreg [dreg:$0x1]  }
0x3: {  	s0 =	rddreg [dreg:$0x2];
	s1 =	simm.s32 $0x0  }
0x4: {  	s5 =	srdreg.scid;
	s2 =	stileid.u32;
	s15 =	simm.s32 $0x880  }
0x5: {  	s16 =	simm.s32 $0x1080;
	s17 =	simm.s32 $0x1880;
	s18 =	simm.s32 $0x2080  }
0x6: {  	s19 =	simm.s32 $0x2880;
	s20 =	simm.s32 $0x3080;
	s28 =	simm.s32 $0x6880  }
0x7: {  	s29 =	simm.s32 $0x7080;
	s30 =	simm.s32 $0x7880;
	s31 =	simm.s32 $0x1  }
0x8: {  	[smem:$0x7FF] =	sst s1;
	s3 =	sadd.s32 $0x82E00, s4;
	s5 =	sand.u32 $0x1, s5  }
0x9: {  	s7 =	sshll.u32 s2, $0xA;
	s6 =	ssub.s32 $0x2, s5;
	s5 =	sshll.u32 s5, $0x9  }
0xa: {  	s11 =	sadd.s32 $0x262E00, s4;
	s21 =	sshrl.u32 s6, $0x1;
	s9 =	sor.u32 s5, s7  }
0xb: {  	_ =	strace $0x8000004D;
	s12 =	ssub.s32 s6, s21;
	s22 =	sshrl.u32 s9, $0x3  }
0xc: {  	s5 =	sshll.u32 s9, $0x5;
	s23 =	sor.u32 $0x80, s9;
	s13 =	sor.u32 $0x100, s9  }
0xd: {  	s14 =	sor.u32 $0x180, s9;
	s21 =	simm.s32 $0x3880;
	s4 =	sadd.s32 s10, s22  }
0xe: {  	s5 =	sadd.s32 s11, s5;
	s24 =	sshrl.u32 s23, $0x3;
	s8 =	sshll.u32 s23, $0x5  }
0xf: {  	s25 =	sshrl.u32 s13, $0x3;
	s13 =	sshll.u32 s13, $0x5;
	s26 =	sshrl.u32 s14, $0x3  }
0x10: {  	s14 =	sshll.u32 s14, $0x5;
	s12 =	smax.u32 s12, $0x1;
	s22 =	simm.s32 $0x4080  }
0x11: {  	s23 =	simm.s32 $0x4880;
	s6 =	sadd.s32 s10, s24;
	s7 =	sadd.s32 s11, s8  }
0x12: {  	v2 =	vlaneseq.u32;
	s8 =	sadd.s32 s10, s25;
	s9 =	sadd.s32 s11, s13;
	s10 =	sadd.s32 s10, s26  }
0x13: {  	vm0 =	vmmov $0xffff;
	v1 =	vshrl.u32 v2, $0x3;
	s11 =	sadd.s32 s11, s14;
	s13 =	simm.s32 $0x2;
	s14 =	simm.s32 $0x80  }
0x14: {  	v0 =	vand.u32 $0x7, v2;
	v2 =	vor.u32 $0x8, v2;
	v1 =	vmul.u32 $0x8, v1;
	s24 =	simm.s32 $0x5080;
	s25 =	simm.s32 $0x5880;
	s26 =	simm.s32 $0x6080  }
.LBB2_1:
0x15: {  	[tilespmem:s1], [sflag:$0x2] =	stream.linear.gather [hbm4b:s4+s1], $0x80, $0x38;
	[tilespmem:$0x8080] =	vst v63  }
0x16: {  	_ =	swait.ge [sflag:s13], $0x80  }
0x17: {  	[sflag:s13] =	ssyncset.done $0x0  }
0x18: {  	[sflag:s13] =	ssyncadd.s32 $0xFFFFFF80  }
0x19: {  	v3 =	vld [tilespmem:$0x0];
	_ =	sdelay $0x4  }
0x1a: {  	v4 =	vshll.u32 v3, $0x1  }
0x1b: {  	v3 =	vand.u32 $0x7, v3;
	v4 =	vand.u32 $0xFFFFFFF0, v4  }
0x1c: {  	v3 =	vor.u32 v3, v4  }
0x1d: {  	v4 =	vperm.xlane v3, v0;
	_ =	sdelay $0x1  }
0x1e: {  	v3 =	vperm.xlane v3, v2;
	v4 =	vadd.s32 v1, v4;
	_ =	sdelay $0x1  }
0x1f: {  	v3 =	vadd.s32 v1, v3;
	_ =	sdelay $0x2  }
0x20: {  	[tilespmem:s14], [sflag:$0x1] =	stream.indirect_vreg.gather [hbm4b:s3+s1], $0x80, v4, vm0, $0xb8;
	[tilespmem:$0x8080] =	vst v63  }
0x21: {  	_ = 	snop  }
0x22: {  	[tilespmem:s15], [sflag:$0x1] =	stream.indirect_vreg.gather [hbm4b:s3+s1], $0x80, v3, vm0, $0xb8;
	[tilespmem:$0x8080] =	vst v63  }
0x23: {  	v3 =	vld [tilespmem:$0x10];
	_ =	sdelay $0x4  }
0x24: {  	v33 =	vshll.u32 v3, $0x1  }
0x25: {  	v3 =	vand.u32 $0x7, v3;
	v4 =	vand.u32 $0xFFFFFFF0, v33  }
0x26: {  	v3 =	vor.u32 v3, v4  }
0x27: {  	v4 =	vperm.xlane v3, v0;
	_ =	sdelay $0x1  }
0x28: {  	v3 =	vperm.xlane v3, v2;
	v4 =	vadd.s32 v1, v4;
	_ =	sdelay $0x1  }
0x29: {  	v3 =	vadd.s32 v1, v3;
	_ =	sdelay $0x2  }
0x2a: {  	[tilespmem:s16], [sflag:$0x1] =	stream.indirect_vreg.gather [hbm4b:s3+s1], $0x80, v4, vm0, $0xb8;
	[tilespmem:$0x8080] =	vst v63  }
0x2b: {  	_ = 	snop  }
0x2c: {  	[tilespmem:s17], [sflag:$0x1] =	stream.indirect_vreg.gather [hbm4b:s3+s1], $0x80, v3, vm0, $0xb8;
	[tilespmem:$0x8080] =	vst v63  }
0x2d: {  	v3 =	vld [tilespmem:$0x20];
	_ =	sdelay $0x4  }
0x2e: {  	v34 =	vshll.u32 v3, $0x1  }
0x2f: {  	v3 =	vand.u32 $0x7, v3;
	v4 =	vand.u32 $0xFFFFFFF0, v34  }
0x30: {  	v3 =	vor.u32 v3, v4  }
0x31: {  	v4 =	vperm.xlane v3, v0;
	_ =	sdelay $0x1  }
0x32: {  	v3 =	vperm.xlane v3, v2;
	v4 =	vadd.s32 v1, v4;
	_ =	sdelay $0x1  }
0x33: {  	v3 =	vadd.s32 v1, v3;
	_ =	sdelay $0x2  }
0x34: {  	[tilespmem:s18], [sflag:$0x1] =	stream.indirect_vreg.gather [hbm4b:s3+s1], $0x80, v4, vm0, $0xb8;
	[tilespmem:$0x8080] =	vst v63  }
0x35: {  	_ = 	snop  }
0x36: {  	[tilespmem:s19], [sflag:$0x1] =	stream.indirect_vreg.gather [hbm4b:s3+s1], $0x80, v3, vm0, $0xb8;
	[tilespmem:$0x8080] =	vst v63  }
0x37: {  	v3 =	vld [tilespmem:$0x30];
	_ =	sdelay $0x4  }
0x38: {  	v35 =	vshll.u32 v3, $0x1  }
0x39: {  	v3 =	vand.u32 $0x7, v3;
	v4 =	vand.u32 $0xFFFFFFF0, v35  }
0x3a: {  	v3 =	vor.u32 v3, v4  }
0x3b: {  	v4 =	vperm.xlane v3, v0;
	_ =	sdelay $0x1  }
0x3c: {  	v3 =	vperm.xlane v3, v2;
	v4 =	vadd.s32 v1, v4;
	_ =	sdelay $0x1  }
0x3d: {  	v3 =	vadd.s32 v1, v3;
	_ =	sdelay $0x2  }
0x3e: {  	[tilespmem:s20], [sflag:$0x1] =	stream.indirect_vreg.gather [hbm4b:s3+s1], $0x80, v4, vm0, $0xb8;
	[tilespmem:$0x8080] =	vst v63  }
0x3f: {  	_ = 	snop  }
0x40: {  	[tilespmem:s21], [sflag:$0x1] =	stream.indirect_vreg.gather [hbm4b:s3+s1], $0x80, v3, vm0, $0xb8;
	[tilespmem:$0x8080] =	vst v63  }
0x41: {  	v3 =	vld [tilespmem:$0x40];
	_ =	sdelay $0x4  }
0x42: {  	v36 =	vshll.u32 v3, $0x1  }
0x43: {  	v3 =	vand.u32 $0x7, v3;
	v4 =	vand.u32 $0xFFFFFFF0, v36  }
0x44: {  	v3 =	vor.u32 v3, v4  }
0x45: {  	v4 =	vperm.xlane v3, v0;
	_ =	sdelay $0x1  }
0x46: {  	v3 =	vperm.xlane v3, v2;
	v4 =	vadd.s32 v1, v4;
	_ =	sdelay $0x1  }
0x47: {  	v3 =	vadd.s32 v1, v3;
	_ =	sdelay $0x2  }
0x48: {  	[tilespmem:s22], [sflag:$0x1] =	stream.indirect_vreg.gather [hbm4b:s3+s1], $0x80, v4, vm0, $0xb8;
	[tilespmem:$0x8080] =	vst v63  }
0x49: {  	_ = 	snop  }
0x4a: {  	[tilespmem:s23], [sflag:$0x1] =	stream.indirect_vreg.gather [hbm4b:s3+s1], $0x80, v3, vm0, $0xb8;
	[tilespmem:$0x8080] =	vst v63  }
0x4b: {  	v3 =	vld [tilespmem:$0x50];
	_ =	sdelay $0x4  }
0x4c: {  	v37 =	vshll.u32 v3, $0x1  }
0x4d: {  	v3 =	vand.u32 $0x7, v3;
	v4 =	vand.u32 $0xFFFFFFF0, v37  }
0x4e: {  	v3 =	vor.u32 v3, v4  }
0x4f: {  	v4 =	vperm.xlane v3, v0;
	_ =	sdelay $0x1  }
0x50: {  	v3 =	vperm.xlane v3, v2;
	v4 =	vadd.s32 v1, v4;
	_ =	sdelay $0x1  }
0x51: {  	v3 =	vadd.s32 v1, v3;
	_ =	sdelay $0x2  }
0x52: {  	[tilespmem:s24], [sflag:$0x1] =	stream.indirect_vreg.gather [hbm4b:s3+s1], $0x80, v4, vm0, $0xb8;
	[tilespmem:$0x8080] =	vst v63  }
0x53: {  	_ = 	snop  }
0x54: {  	[tilespmem:s25], [sflag:$0x1] =	stream.indirect_vreg.gather [hbm4b:s3+s1], $0x80, v3, vm0, $0xb8;
	[tilespmem:$0x8080] =	vst v63  }
0x55: {  	v3 =	vld [tilespmem:$0x60];
	_ =	sdelay $0x4  }
0x56: {  	v38 =	vshll.u32 v3, $0x1  }
0x57: {  	v3 =	vand.u32 $0x7, v3;
	v4 =	vand.u32 $0xFFFFFFF0, v38  }
0x58: {  	v3 =	vor.u32 v3, v4  }
0x59: {  	v4 =	vperm.xlane v3, v0;
	_ =	sdelay $0x1  }
0x5a: {  	v3 =	vperm.xlane v3, v2;
	v4 =	vadd.s32 v1, v4;
	_ =	sdelay $0x1  }
0x5b: {  	v3 =	vadd.s32 v1, v3;
	_ =	sdelay $0x2  }
0x5c: {  	[tilespmem:s26], [sflag:$0x1] =	stream.indirect_vreg.gather [hbm4b:s3+s1], $0x80, v4, vm0, $0xb8;
	[tilespmem:$0x8080] =	vst v63  }
0x5d: {  	_ = 	snop  }
0x5e: {  	[tilespmem:s28], [sflag:$0x1] =	stream.indirect_vreg.gather [hbm4b:s3+s1], $0x80, v3, vm0, $0xb8;
	[tilespmem:$0x8080] =	vst v63  }
0x5f: {  	v3 =	vld [tilespmem:$0x70];
	_ =	sdelay $0x4  }
0x60: {  	v39 =	vshll.u32 v3, $0x1  }
0x61: {  	v3 =	vand.u32 $0x7, v3;
	v4 =	vand.u32 $0xFFFFFFF0, v39  }
0x62: {  	v3 =	vor.u32 v3, v4  }
0x63: {  	v4 =	vperm.xlane v3, v0;
	_ =	sdelay $0x1  }
0x64: {  	v3 =	vperm.xlane v3, v2;
	v4 =	vadd.s32 v1, v4;
	_ =	sdelay $0x1  }
0x65: {  	v3 =	vadd.s32 v1, v3;
	_ =	sdelay $0x2  }
0x66: {  	[tilespmem:s29], [sflag:$0x1] =	stream.indirect_vreg.gather [hbm4b:s3+s1], $0x80, v4, vm0, $0xb8;
	[tilespmem:$0x8080] =	vst v63  }
0x67: {  	_ = 	snop  }
0x68: {  	[tilespmem:s30], [sflag:$0x1] =	stream.indirect_vreg.gather [hbm4b:s3+s1], $0x80, v3, vm0, $0xb8;
	[tilespmem:$0x8080] =	vst v63  }
0x69: {  	_ =	swait.ge [sflag:s31], $0x8000  }
0x6a: {  	[sflag:s31] =	ssyncset.done $0x0  }
0x6b: {  	[sflag:s31] =	ssyncadd.s32 $0xFFFF8000  }
0x6c: {  	[hbm4b:s5+s1] =	stream.linear.scatter [tilespmem:s14], [sflag:$0x2], $0x8000, $0x38;
	[tilespmem:$0x8080] =	vst v63  }
0x6d: {  	_ =	swait.ge [sflag:s13], $0x8000  }
0x6e: {  	[sflag:s13] =	ssyncset.done $0x0  }
0x6f: {  	[sflag:s13] =	ssyncadd.s32 $0xFFFF8000  }
0x70: {  	[tilespmem:s1], [sflag:$0x2] =	stream.linear.gather [hbm4b:s6+s1], $0x80, $0x38;
	[tilespmem:$0x8080] =	vst v63  }
0x71: {  	_ =	swait.ge [sflag:s13], $0x80  }
0x72: {  	[sflag:s13] =	ssyncset.done $0x0  }
0x73: {  	[sflag:s13] =	ssyncadd.s32 $0xFFFFFF80  }
0x74: {  	v3 =	vld [tilespmem:$0x0];
	_ =	sdelay $0x4  }
0x75: {  	v40 =	vshll.u32 v3, $0x1  }
0x76: {  	v3 =	vand.u32 $0x7, v3;
	v4 =	vand.u32 $0xFFFFFFF0, v40  }
0x77: {  	v3 =	vor.u32 v3, v4  }
0x78: {  	v4 =	vperm.xlane v3, v0;
	_ =	sdelay $0x1  }
0x79: {  	v3 =	vperm.xlane v3, v2;
	v4 =	vadd.s32 v1, v4;
	_ =	sdelay $0x1  }
0x7a: {  	v3 =	vadd.s32 v1, v3;
	_ =	sdelay $0x2  }
0x7b: {  	[tilespmem:s14], [sflag:$0x1] =	stream.indirect_vreg.gather [hbm4b:s3+s1], $0x80, v4, vm0, $0xb8;
	[tilespmem:$0x8080] =	vst v63  }
0x7c: {  	_ = 	snop  }
0x7d: {  	[tilespmem:s15], [sflag:$0x1] =	stream.indirect_vreg.gather [hbm4b:s3+s1], $0x80, v3, vm0, $0xb8;
	[tilespmem:$0x8080] =	vst v63  }
0x7e: {  	v3 =	vld [tilespmem:$0x10];
	_ =	sdelay $0x4  }
0x7f: {  	v41 =	vshll.u32 v3, $0x1  }
0x80: {  	v3 =	vand.u32 $0x7, v3;
	v4 =	vand.u32 $0xFFFFFFF0, v41  }
0x81: {  	v3 =	vor.u32 v3, v4  }
0x82: {  	v4 =	vperm.xlane v3, v0;
	_ =	sdelay $0x1  }
0x83: {  	v3 =	vperm.xlane v3, v2;
	v4 =	vadd.s32 v1, v4;
	_ =	sdelay $0x1  }
0x84: {  	v3 =	vadd.s32 v1, v3;
	_ =	sdelay $0x2  }
0x85: {  	[tilespmem:s16], [sflag:$0x1] =	stream.indirect_vreg.gather [hbm4b:s3+s1], $0x80, v4, vm0, $0xb8;
	[tilespmem:$0x8080] =	vst v63  }
0x86: {  	_ = 	snop  }
0x87: {  	[tilespmem:s17], [sflag:$0x1] =	stream.indirect_vreg.gather [hbm4b:s3+s1], $0x80, v3, vm0, $0xb8;
	[tilespmem:$0x8080] =	vst v63  }
0x88: {  	v3 =	vld [tilespmem:$0x20];
	_ =	sdelay $0x4  }
0x89: {  	v42 =	vshll.u32 v3, $0x1  }
0x8a: {  	v3 =	vand.u32 $0x7, v3;
	v4 =	vand.u32 $0xFFFFFFF0, v42  }
0x8b: {  	v3 =	vor.u32 v3, v4  }
0x8c: {  	v4 =	vperm.xlane v3, v0;
	_ =	sdelay $0x1  }
0x8d: {  	v3 =	vperm.xlane v3, v2;
	v4 =	vadd.s32 v1, v4;
	_ =	sdelay $0x1  }
0x8e: {  	v3 =	vadd.s32 v1, v3;
	_ =	sdelay $0x2  }
0x8f: {  	[tilespmem:s18], [sflag:$0x1] =	stream.indirect_vreg.gather [hbm4b:s3+s1], $0x80, v4, vm0, $0xb8;
	[tilespmem:$0x8080] =	vst v63  }
0x90: {  	_ = 	snop  }
0x91: {  	[tilespmem:s19], [sflag:$0x1] =	stream.indirect_vreg.gather [hbm4b:s3+s1], $0x80, v3, vm0, $0xb8;
	[tilespmem:$0x8080] =	vst v63  }
0x92: {  	v3 =	vld [tilespmem:$0x30];
	_ =	sdelay $0x4  }
0x93: {  	v43 =	vshll.u32 v3, $0x1  }
0x94: {  	v3 =	vand.u32 $0x7, v3;
	v4 =	vand.u32 $0xFFFFFFF0, v43  }
0x95: {  	v3 =	vor.u32 v3, v4  }
0x96: {  	v4 =	vperm.xlane v3, v0;
	_ =	sdelay $0x1  }
0x97: {  	v3 =	vperm.xlane v3, v2;
	v4 =	vadd.s32 v1, v4;
	_ =	sdelay $0x1  }
0x98: {  	v3 =	vadd.s32 v1, v3;
	_ =	sdelay $0x2  }
0x99: {  	[tilespmem:s20], [sflag:$0x1] =	stream.indirect_vreg.gather [hbm4b:s3+s1], $0x80, v4, vm0, $0xb8;
	[tilespmem:$0x8080] =	vst v63  }
0x9a: {  	_ = 	snop  }
0x9b: {  	[tilespmem:s21], [sflag:$0x1] =	stream.indirect_vreg.gather [hbm4b:s3+s1], $0x80, v3, vm0, $0xb8;
	[tilespmem:$0x8080] =	vst v63  }
0x9c: {  	v3 =	vld [tilespmem:$0x40];
	_ =	sdelay $0x4  }
0x9d: {  	v44 =	vshll.u32 v3, $0x1  }
0x9e: {  	v3 =	vand.u32 $0x7, v3;
	v4 =	vand.u32 $0xFFFFFFF0, v44  }
0x9f: {  	v3 =	vor.u32 v3, v4  }
0xa0: {  	v4 =	vperm.xlane v3, v0;
	_ =	sdelay $0x1  }
0xa1: {  	v3 =	vperm.xlane v3, v2;
	v4 =	vadd.s32 v1, v4;
	_ =	sdelay $0x1  }
0xa2: {  	v3 =	vadd.s32 v1, v3;
	_ =	sdelay $0x2  }
0xa3: {  	[tilespmem:s22], [sflag:$0x1] =	stream.indirect_vreg.gather [hbm4b:s3+s1], $0x80, v4, vm0, $0xb8;
	[tilespmem:$0x8080] =	vst v63  }
0xa4: {  	_ = 	snop  }
0xa5: {  	[tilespmem:s23], [sflag:$0x1] =	stream.indirect_vreg.gather [hbm4b:s3+s1], $0x80, v3, vm0, $0xb8;
	[tilespmem:$0x8080] =	vst v63  }
0xa6: {  	v3 =	vld [tilespmem:$0x50];
	_ =	sdelay $0x4  }
0xa7: {  	v45 =	vshll.u32 v3, $0x1  }
0xa8: {  	v3 =	vand.u32 $0x7, v3;
	v4 =	vand.u32 $0xFFFFFFF0, v45  }
0xa9: {  	v3 =	vor.u32 v3, v4  }
0xaa: {  	v4 =	vperm.xlane v3, v0;
	_ =	sdelay $0x1  }
0xab: {  	v3 =	vperm.xlane v3, v2;
	v4 =	vadd.s32 v1, v4;
	_ =	sdelay $0x1  }
0xac: {  	v3 =	vadd.s32 v1, v3;
	_ =	sdelay $0x2  }
0xad: {  	[tilespmem:s24], [sflag:$0x1] =	stream.indirect_vreg.gather [hbm4b:s3+s1], $0x80, v4, vm0, $0xb8;
	[tilespmem:$0x8080] =	vst v63  }
0xae: {  	_ = 	snop  }
0xaf: {  	[tilespmem:s25], [sflag:$0x1] =	stream.indirect_vreg.gather [hbm4b:s3+s1], $0x80, v3, vm0, $0xb8;
	[tilespmem:$0x8080] =	vst v63  }
0xb0: {  	v3 =	vld [tilespmem:$0x60];
	_ =	sdelay $0x4  }
0xb1: {  	v46 =	vshll.u32 v3, $0x1  }
0xb2: {  	v3 =	vand.u32 $0x7, v3;
	v4 =	vand.u32 $0xFFFFFFF0, v46  }
0xb3: {  	v3 =	vor.u32 v3, v4  }
0xb4: {  	v4 =	vperm.xlane v3, v0;
	_ =	sdelay $0x1  }
0xb5: {  	v3 =	vperm.xlane v3, v2;
	v4 =	vadd.s32 v1, v4;
	_ =	sdelay $0x1  }
0xb6: {  	v3 =	vadd.s32 v1, v3;
	_ =	sdelay $0x2  }
0xb7: {  	[tilespmem:s26], [sflag:$0x1] =	stream.indirect_vreg.gather [hbm4b:s3+s1], $0x80, v4, vm0, $0xb8;
	[tilespmem:$0x8080] =	vst v63  }
0xb8: {  	_ = 	snop  }
0xb9: {  	[tilespmem:s28], [sflag:$0x1] =	stream.indirect_vreg.gather [hbm4b:s3+s1], $0x80, v3, vm0, $0xb8;
	[tilespmem:$0x8080] =	vst v63  }
0xba: {  	v3 =	vld [tilespmem:$0x70];
	_ =	sdelay $0x4  }
0xbb: {  	v47 =	vshll.u32 v3, $0x1  }
0xbc: {  	v3 =	vand.u32 $0x7, v3;
	v4 =	vand.u32 $0xFFFFFFF0, v47  }
0xbd: {  	v3 =	vor.u32 v3, v4  }
0xbe: {  	v4 =	vperm.xlane v3, v0;
	_ =	sdelay $0x1  }
0xbf: {  	v3 =	vperm.xlane v3, v2;
	v4 =	vadd.s32 v1, v4;
	_ =	sdelay $0x1  }
0xc0: {  	v3 =	vadd.s32 v1, v3;
	_ =	sdelay $0x2  }
0xc1: {  	[tilespmem:s29], [sflag:$0x1] =	stream.indirect_vreg.gather [hbm4b:s3+s1], $0x80, v4, vm0, $0xb8;
	[tilespmem:$0x8080] =	vst v63  }
0xc2: {  	_ = 	snop  }
0xc3: {  	[tilespmem:s30], [sflag:$0x1] =	stream.indirect_vreg.gather [hbm4b:s3+s1], $0x80, v3, vm0, $0xb8;
	[tilespmem:$0x8080] =	vst v63  }
0xc4: {  	_ =	swait.ge [sflag:s31], $0x8000  }
0xc5: {  	[sflag:s31] =	ssyncset.done $0x0  }
0xc6: {  	[sflag:s31] =	ssyncadd.s32 $0xFFFF8000  }
0xc7: {  	[hbm4b:s7+s1] =	stream.linear.scatter [tilespmem:s14], [sflag:$0x2], $0x8000, $0x38;
	[tilespmem:$0x8080] =	vst v63  }
0xc8: {  	_ =	swait.ge [sflag:s13], $0x8000  }
0xc9: {  	[sflag:s13] =	ssyncset.done $0x0  }
0xca: {  	[sflag:s13] =	ssyncadd.s32 $0xFFFF8000  }
0xcb: {  	[tilespmem:s1], [sflag:$0x2] =	stream.linear.gather [hbm4b:s8+s1], $0x80, $0x38;
	[tilespmem:$0x8080] =	vst v63  }
0xcc: {  	_ =	swait.ge [sflag:s13], $0x80  }
0xcd: {  	[sflag:s13] =	ssyncset.done $0x0  }
0xce: {  	[sflag:s13] =	ssyncadd.s32 $0xFFFFFF80  }
0xcf: {  	v3 =	vld [tilespmem:$0x0];
	_ =	sdelay $0x4  }
0xd0: {  	v48 =	vshll.u32 v3, $0x1  }
0xd1: {  	v3 =	vand.u32 $0x7, v3;
	v4 =	vand.u32 $0xFFFFFFF0, v48  }
0xd2: {  	v3 =	vor.u32 v3, v4  }
0xd3: {  	v4 =	vperm.xlane v3, v0;
	_ =	sdelay $0x1  }
0xd4: {  	v3 =	vperm.xlane v3, v2;
	v4 =	vadd.s32 v1, v4;
	_ =	sdelay $0x1  }
0xd5: {  	v3 =	vadd.s32 v1, v3;
	_ =	sdelay $0x2  }
0xd6: {  	[tilespmem:s14], [sflag:$0x1] =	stream.indirect_vreg.gather [hbm4b:s3+s1], $0x80, v4, vm0, $0xb8;
	[tilespmem:$0x8080] =	vst v63  }
0xd7: {  	_ = 	snop  }
0xd8: {  	[tilespmem:s15], [sflag:$0x1] =	stream.indirect_vreg.gather [hbm4b:s3+s1], $0x80, v3, vm0, $0xb8;
	[tilespmem:$0x8080] =	vst v63  }
0xd9: {  	v3 =	vld [tilespmem:$0x10];
	_ =	sdelay $0x4  }
0xda: {  	v49 =	vshll.u32 v3, $0x1  }
0xdb: {  	v3 =	vand.u32 $0x7, v3;
	v4 =	vand.u32 $0xFFFFFFF0, v49  }
0xdc: {  	v3 =	vor.u32 v3, v4  }
0xdd: {  	v4 =	vperm.xlane v3, v0;
	_ =	sdelay $0x1  }
0xde: {  	v3 =	vperm.xlane v3, v2;
	v4 =	vadd.s32 v1, v4;
	_ =	sdelay $0x1  }
0xdf: {  	v3 =	vadd.s32 v1, v3;
	_ =	sdelay $0x2  }
0xe0: {  	[tilespmem:s16], [sflag:$0x1] =	stream.indirect_vreg.gather [hbm4b:s3+s1], $0x80, v4, vm0, $0xb8;
	[tilespmem:$0x8080] =	vst v63  }
0xe1: {  	_ = 	snop  }
0xe2: {  	[tilespmem:s17], [sflag:$0x1] =	stream.indirect_vreg.gather [hbm4b:s3+s1], $0x80, v3, vm0, $0xb8;
	[tilespmem:$0x8080] =	vst v63  }
0xe3: {  	v3 =	vld [tilespmem:$0x20];
	_ =	sdelay $0x4  }
0xe4: {  	v50 =	vshll.u32 v3, $0x1  }
0xe5: {  	v3 =	vand.u32 $0x7, v3;
	v4 =	vand.u32 $0xFFFFFFF0, v50  }
0xe6: {  	v3 =	vor.u32 v3, v4  }
0xe7: {  	v4 =	vperm.xlane v3, v0;
	_ =	sdelay $0x1  }
0xe8: {  	v3 =	vperm.xlane v3, v2;
	v4 =	vadd.s32 v1, v4;
	_ =	sdelay $0x1  }
0xe9: {  	v3 =	vadd.s32 v1, v3;
	_ =	sdelay $0x2  }
0xea: {  	[tilespmem:s18], [sflag:$0x1] =	stream.indirect_vreg.gather [hbm4b:s3+s1], $0x80, v4, vm0, $0xb8;
	[tilespmem:$0x8080] =	vst v63  }
0xeb: {  	_ = 	snop  }
0xec: {  	[tilespmem:s19], [sflag:$0x1] =	stream.indirect_vreg.gather [hbm4b:s3+s1], $0x80, v3, vm0, $0xb8;
	[tilespmem:$0x8080] =	vst v63  }
0xed: {  	v3 =	vld [tilespmem:$0x30];
	_ =	sdelay $0x4  }
0xee: {  	v51 =	vshll.u32 v3, $0x1  }
0xef: {  	v3 =	vand.u32 $0x7, v3;
	v4 =	vand.u32 $0xFFFFFFF0, v51  }
0xf0: {  	v3 =	vor.u32 v3, v4  }
0xf1: {  	v4 =	vperm.xlane v3, v0;
	_ =	sdelay $0x1  }
0xf2: {  	v3 =	vperm.xlane v3, v2;
	v4 =	vadd.s32 v1, v4;
	_ =	sdelay $0x1  }
0xf3: {  	v3 =	vadd.s32 v1, v3;
	_ =	sdelay $0x2  }
0xf4: {  	[tilespmem:s20], [sflag:$0x1] =	stream.indirect_vreg.gather [hbm4b:s3+s1], $0x80, v4, vm0, $0xb8;
	[tilespmem:$0x8080] =	vst v63  }
0xf5: {  	_ = 	snop  }
0xf6: {  	[tilespmem:s21], [sflag:$0x1] =	stream.indirect_vreg.gather [hbm4b:s3+s1], $0x80, v3, vm0, $0xb8;
	[tilespmem:$0x8080] =	vst v63  }
0xf7: {  	v3 =	vld [tilespmem:$0x40];
	_ =	sdelay $0x4  }
0xf8: {  	v52 =	vshll.u32 v3, $0x1  }
0xf9: {  	v3 =	vand.u32 $0x7, v3;
	v4 =	vand.u32 $0xFFFFFFF0, v52  }
0xfa: {  	v3 =	vor.u32 v3, v4  }
0xfb: {  	v4 =	vperm.xlane v3, v0;
	_ =	sdelay $0x1  }
0xfc: {  	v3 =	vperm.xlane v3, v2;
	v4 =	vadd.s32 v1, v4;
	_ =	sdelay $0x1  }
0xfd: {  	v3 =	vadd.s32 v1, v3;
	_ =	sdelay $0x2  }
0xfe: {  	[tilespmem:s22], [sflag:$0x1] =	stream.indirect_vreg.gather [hbm4b:s3+s1], $0x80, v4, vm0, $0xb8;
	[tilespmem:$0x8080] =	vst v63  }
0xff: {  	_ = 	snop  }
0x100: {  	[tilespmem:s23], [sflag:$0x1] =	stream.indirect_vreg.gather [hbm4b:s3+s1], $0x80, v3, vm0, $0xb8;
	[tilespmem:$0x8080] =	vst v63  }
0x101: {  	v3 =	vld [tilespmem:$0x50];
	_ =	sdelay $0x4  }
0x102: {  	v53 =	vshll.u32 v3, $0x1  }
0x103: {  	v3 =	vand.u32 $0x7, v3;
	v4 =	vand.u32 $0xFFFFFFF0, v53  }
0x104: {  	v3 =	vor.u32 v3, v4  }
0x105: {  	v4 =	vperm.xlane v3, v0;
	_ =	sdelay $0x1  }
0x106: {  	v3 =	vperm.xlane v3, v2;
	v4 =	vadd.s32 v1, v4;
	_ =	sdelay $0x1  }
0x107: {  	v3 =	vadd.s32 v1, v3;
	_ =	sdelay $0x2  }
0x108: {  	[tilespmem:s24], [sflag:$0x1] =	stream.indirect_vreg.gather [hbm4b:s3+s1], $0x80, v4, vm0, $0xb8;
	[tilespmem:$0x8080] =	vst v63  }
0x109: {  	_ = 	snop  }
0x10a: {  	[tilespmem:s25], [sflag:$0x1] =	stream.indirect_vreg.gather [hbm4b:s3+s1], $0x80, v3, vm0, $0xb8;
	[tilespmem:$0x8080] =	vst v63  }
0x10b: {  	v3 =	vld [tilespmem:$0x60];
	_ =	sdelay $0x4  }
0x10c: {  	v54 =	vshll.u32 v3, $0x1  }
0x10d: {  	v3 =	vand.u32 $0x7, v3;
	v4 =	vand.u32 $0xFFFFFFF0, v54  }
0x10e: {  	v3 =	vor.u32 v3, v4  }
0x10f: {  	v4 =	vperm.xlane v3, v0;
	_ =	sdelay $0x1  }
0x110: {  	v3 =	vperm.xlane v3, v2;
	v4 =	vadd.s32 v1, v4;
	_ =	sdelay $0x1  }
0x111: {  	v3 =	vadd.s32 v1, v3;
	_ =	sdelay $0x2  }
0x112: {  	[tilespmem:s26], [sflag:$0x1] =	stream.indirect_vreg.gather [hbm4b:s3+s1], $0x80, v4, vm0, $0xb8;
	[tilespmem:$0x8080] =	vst v63  }
0x113: {  	_ = 	snop  }
0x114: {  	[tilespmem:s28], [sflag:$0x1] =	stream.indirect_vreg.gather [hbm4b:s3+s1], $0x80, v3, vm0, $0xb8;
	[tilespmem:$0x8080] =	vst v63  }
0x115: {  	v3 =	vld [tilespmem:$0x70];
	_ =	sdelay $0x4  }
0x116: {  	v55 =	vshll.u32 v3, $0x1  }
0x117: {  	v3 =	vand.u32 $0x7, v3;
	v4 =	vand.u32 $0xFFFFFFF0, v55  }
0x118: {  	v3 =	vor.u32 v3, v4  }
0x119: {  	v4 =	vperm.xlane v3, v0;
	_ =	sdelay $0x1  }
0x11a: {  	v3 =	vperm.xlane v3, v2;
	v4 =	vadd.s32 v1, v4;
	_ =	sdelay $0x1  }
0x11b: {  	v3 =	vadd.s32 v1, v3;
	_ =	sdelay $0x2  }
0x11c: {  	[tilespmem:s29], [sflag:$0x1] =	stream.indirect_vreg.gather [hbm4b:s3+s1], $0x80, v4, vm0, $0xb8;
	[tilespmem:$0x8080] =	vst v63  }
0x11d: {  	_ = 	snop  }
0x11e: {  	[tilespmem:s30], [sflag:$0x1] =	stream.indirect_vreg.gather [hbm4b:s3+s1], $0x80, v3, vm0, $0xb8;
	[tilespmem:$0x8080] =	vst v63  }
0x11f: {  	_ =	swait.ge [sflag:s31], $0x8000  }
0x120: {  	[sflag:s31] =	ssyncset.done $0x0  }
0x121: {  	[sflag:s31] =	ssyncadd.s32 $0xFFFF8000  }
0x122: {  	[hbm4b:s9+s1] =	stream.linear.scatter [tilespmem:s14], [sflag:$0x2], $0x8000, $0x38;
	[tilespmem:$0x8080] =	vst v63  }
0x123: {  	_ =	swait.ge [sflag:s13], $0x8000  }
0x124: {  	[sflag:s13] =	ssyncset.done $0x0  }
0x125: {  	[sflag:s13] =	ssyncadd.s32 $0xFFFF8000  }
0x126: {  	[tilespmem:s1], [sflag:$0x2] =	stream.linear.gather [hbm4b:s10+s1], $0x80, $0x38;
	[tilespmem:$0x8080] =	vst v63  }
0x127: {  	_ =	swait.ge [sflag:s13], $0x80  }
0x128: {  	[sflag:s13] =	ssyncset.done $0x0  }
0x129: {  	[sflag:s13] =	ssyncadd.s32 $0xFFFFFF80  }
0x12a: {  	v3 =	vld [tilespmem:$0x0];
	_ =	sdelay $0x4  }
0x12b: {  	v56 =	vshll.u32 v3, $0x1  }
0x12c: {  	v3 =	vand.u32 $0x7, v3;
	v4 =	vand.u32 $0xFFFFFFF0, v56  }
0x12d: {  	v3 =	vor.u32 v3, v4  }
0x12e: {  	v4 =	vperm.xlane v3, v0;
	_ =	sdelay $0x1  }
0x12f: {  	v3 =	vperm.xlane v3, v2;
	v4 =	vadd.s32 v1, v4;
	_ =	sdelay $0x1  }
0x130: {  	v3 =	vadd.s32 v1, v3;
	_ =	sdelay $0x2  }
0x131: {  	[tilespmem:s14], [sflag:$0x1] =	stream.indirect_vreg.gather [hbm4b:s3+s1], $0x80, v4, vm0, $0xb8;
	[tilespmem:$0x8080] =	vst v63  }
0x132: {  	_ = 	snop  }
0x133: {  	[tilespmem:s15], [sflag:$0x1] =	stream.indirect_vreg.gather [hbm4b:s3+s1], $0x80, v3, vm0, $0xb8;
	[tilespmem:$0x8080] =	vst v63  }
0x134: {  	v3 =	vld [tilespmem:$0x10];
	_ =	sdelay $0x4  }
0x135: {  	v57 =	vshll.u32 v3, $0x1  }
0x136: {  	v3 =	vand.u32 $0x7, v3;
	v4 =	vand.u32 $0xFFFFFFF0, v57  }
0x137: {  	v3 =	vor.u32 v3, v4  }
0x138: {  	v4 =	vperm.xlane v3, v0;
	_ =	sdelay $0x1  }
0x139: {  	v3 =	vperm.xlane v3, v2;
	v4 =	vadd.s32 v1, v4;
	_ =	sdelay $0x1  }
0x13a: {  	v3 =	vadd.s32 v1, v3;
	_ =	sdelay $0x2  }
0x13b: {  	[tilespmem:s16], [sflag:$0x1] =	stream.indirect_vreg.gather [hbm4b:s3+s1], $0x80, v4, vm0, $0xb8;
	[tilespmem:$0x8080] =	vst v63  }
0x13c: {  	_ = 	snop  }
0x13d: {  	[tilespmem:s17], [sflag:$0x1] =	stream.indirect_vreg.gather [hbm4b:s3+s1], $0x80, v3, vm0, $0xb8;
	[tilespmem:$0x8080] =	vst v63  }
0x13e: {  	v3 =	vld [tilespmem:$0x20];
	_ =	sdelay $0x4  }
0x13f: {  	v58 =	vshll.u32 v3, $0x1  }
0x140: {  	v3 =	vand.u32 $0x7, v3;
	v4 =	vand.u32 $0xFFFFFFF0, v58  }
0x141: {  	v3 =	vor.u32 v3, v4  }
0x142: {  	v4 =	vperm.xlane v3, v0;
	_ =	sdelay $0x1  }
0x143: {  	v3 =	vperm.xlane v3, v2;
	v4 =	vadd.s32 v1, v4;
	_ =	sdelay $0x1  }
0x144: {  	v3 =	vadd.s32 v1, v3;
	_ =	sdelay $0x2  }
0x145: {  	[tilespmem:s18], [sflag:$0x1] =	stream.indirect_vreg.gather [hbm4b:s3+s1], $0x80, v4, vm0, $0xb8;
	[tilespmem:$0x8080] =	vst v63  }
0x146: {  	_ = 	snop  }
0x147: {  	[tilespmem:s19], [sflag:$0x1] =	stream.indirect_vreg.gather [hbm4b:s3+s1], $0x80, v3, vm0, $0xb8;
	[tilespmem:$0x8080] =	vst v63  }
0x148: {  	v3 =	vld [tilespmem:$0x30];
	_ =	sdelay $0x4  }
0x149: {  	v59 =	vshll.u32 v3, $0x1  }
0x14a: {  	v3 =	vand.u32 $0x7, v3;
	v4 =	vand.u32 $0xFFFFFFF0, v59  }
0x14b: {  	v3 =	vor.u32 v3, v4  }
0x14c: {  	v4 =	vperm.xlane v3, v0;
	_ =	sdelay $0x1  }
0x14d: {  	v3 =	vperm.xlane v3, v2;
	v4 =	vadd.s32 v1, v4;
	_ =	sdelay $0x1  }
0x14e: {  	v3 =	vadd.s32 v1, v3;
	_ =	sdelay $0x2  }
0x14f: {  	[tilespmem:s20], [sflag:$0x1] =	stream.indirect_vreg.gather [hbm4b:s3+s1], $0x80, v4, vm0, $0xb8;
	[tilespmem:$0x8080] =	vst v63  }
0x150: {  	_ = 	snop  }
0x151: {  	[tilespmem:s21], [sflag:$0x1] =	stream.indirect_vreg.gather [hbm4b:s3+s1], $0x80, v3, vm0, $0xb8;
	[tilespmem:$0x8080] =	vst v63  }
0x152: {  	v3 =	vld [tilespmem:$0x40];
	_ =	sdelay $0x4  }
0x153: {  	v60 =	vshll.u32 v3, $0x1  }
0x154: {  	v3 =	vand.u32 $0x7, v3;
	v4 =	vand.u32 $0xFFFFFFF0, v60  }
0x155: {  	v3 =	vor.u32 v3, v4  }
0x156: {  	v4 =	vperm.xlane v3, v0;
	_ =	sdelay $0x1  }
0x157: {  	v3 =	vperm.xlane v3, v2;
	v4 =	vadd.s32 v1, v4;
	_ =	sdelay $0x1  }
0x158: {  	v3 =	vadd.s32 v1, v3;
	_ =	sdelay $0x2  }
0x159: {  	[tilespmem:s22], [sflag:$0x1] =	stream.indirect_vreg.gather [hbm4b:s3+s1], $0x80, v4, vm0, $0xb8;
	[tilespmem:$0x8080] =	vst v63  }
0x15a: {  	_ = 	snop  }
0x15b: {  	[tilespmem:s23], [sflag:$0x1] =	stream.indirect_vreg.gather [hbm4b:s3+s1], $0x80, v3, vm0, $0xb8;
	[tilespmem:$0x8080] =	vst v63  }
0x15c: {  	v3 =	vld [tilespmem:$0x50];
	_ =	sdelay $0x4  }
0x15d: {  	v61 =	vshll.u32 v3, $0x1  }
0x15e: {  	v3 =	vand.u32 $0x7, v3;
	v4 =	vand.u32 $0xFFFFFFF0, v61  }
0x15f: {  	v3 =	vor.u32 v3, v4  }
0x160: {  	v4 =	vperm.xlane v3, v0;
	_ =	sdelay $0x1  }
0x161: {  	v3 =	vperm.xlane v3, v2;
	v4 =	vadd.s32 v1, v4;
	_ =	sdelay $0x1  }
0x162: {  	v3 =	vadd.s32 v1, v3;
	_ =	sdelay $0x2  }
0x163: {  	[tilespmem:s24], [sflag:$0x1] =	stream.indirect_vreg.gather [hbm4b:s3+s1], $0x80, v4, vm0, $0xb8;
	[tilespmem:$0x8080] =	vst v63  }
0x164: {  	_ = 	snop  }
0x165: {  	[tilespmem:s25], [sflag:$0x1] =	stream.indirect_vreg.gather [hbm4b:s3+s1], $0x80, v3, vm0, $0xb8;
	[tilespmem:$0x8080] =	vst v63  }
0x166: {  	v3 =	vld [tilespmem:$0x60];
	_ =	sdelay $0x4  }
0x167: {  	v62 =	vshll.u32 v3, $0x1  }
0x168: {  	v3 =	vand.u32 $0x7, v3;
	v4 =	vand.u32 $0xFFFFFFF0, v62  }
0x169: {  	v3 =	vor.u32 v3, v4  }
0x16a: {  	v4 =	vperm.xlane v3, v0;
	_ =	sdelay $0x1  }
0x16b: {  	v3 =	vperm.xlane v3, v2;
	v4 =	vadd.s32 v1, v4;
	_ =	sdelay $0x1  }
0x16c: {  	v3 =	vadd.s32 v1, v3;
	_ =	sdelay $0x2  }
0x16d: {  	[tilespmem:s26], [sflag:$0x1] =	stream.indirect_vreg.gather [hbm4b:s3+s1], $0x80, v4, vm0, $0xb8;
	[tilespmem:$0x8080] =	vst v63  }
0x16e: {  	_ = 	snop  }
0x16f: {  	[tilespmem:s28], [sflag:$0x1] =	stream.indirect_vreg.gather [hbm4b:s3+s1], $0x80, v3, vm0, $0xb8;
	[tilespmem:$0x8080] =	vst v63  }
0x170: {  	v3 =	vld [tilespmem:$0x70];
	_ =	sdelay $0x4  }
0x171: {  	v63 =	vshll.u32 v3, $0x1  }
0x172: {  	v3 =	vand.u32 $0x7, v3;
	v4 =	vand.u32 $0xFFFFFFF0, v63  }
0x173: {  	v3 =	vor.u32 v3, v4  }
0x174: {  	v4 =	vperm.xlane v3, v0;
	_ =	sdelay $0x1  }
0x175: {  	v3 =	vperm.xlane v3, v2;
	v4 =	vadd.s32 v1, v4;
	_ =	sdelay $0x1  }
0x176: {  	v3 =	vadd.s32 v1, v3;
	_ =	sdelay $0x2  }
0x177: {  	[tilespmem:s29], [sflag:$0x1] =	stream.indirect_vreg.gather [hbm4b:s3+s1], $0x80, v4, vm0, $0xb8;
	[tilespmem:$0x8080] =	vst v63  }
0x178: {  	_ = 	snop  }
0x179: {  	[tilespmem:s30], [sflag:$0x1] =	stream.indirect_vreg.gather [hbm4b:s3+s1], $0x80, v3, vm0, $0xb8;
	[tilespmem:$0x8080] =	vst v63  }
0x17a: {  	_ =	swait.ge [sflag:s31], $0x8000  }
0x17b: {  	p0 =	sne.s32 s12, $0x1;
	[sflag:s31] =	ssyncset.done $0x0  }
.Ltmp0:
0x17c: {  	[sflag:s31] =	ssyncadd.s32 $0xFFFF8000;
	(pc) =	sbr.rel @p0 .LBB2_1-.Ltmp0, $4  }
0x17d: {  	[hbm4b:s11+s1] =	stream.linear.scatter [tilespmem:s14], [sflag:$0x2], $0x8000, $0x38;
	[tilespmem:$0x8080] =	vst v63  }
0x17e: {  	_ =	swait.ge [sflag:s13], $0x8000  }
0x17f: {  	[sflag:s13] =	ssyncset.done $0x0  }
0x180: {  	s12 =	sadd.s32 $0xFFFFFFFF, s12;
	[sflag:s13] =	ssyncadd.s32 $0xFFFF8000  }
0x181: {  	_ =	sfence.sel $0x180000  }
0x182: {  	[bflag:$0x0] =	sbarrier.arrive $0xFFFF  }
0x183: {  	p0 =	sne.s32 s2, $0x0;
	_ =	strace $0x9000004D  }
0x184: {  	s0 =	sadd.s32 @!p0 $0x100000, s0;
	[bflag:$0x2] =	sbarrier.arrive $0xFFFF  }
0x185: {  	[sflag:s0] =	ssyncadd.tile.s32 @!p0 $0x1;
	_ =	shalt  }
.Lfunc_end2:
_tile_overlayer_lowered:
.L_overlay_start_2:
0x186: {  	(tag) =	ssettag $0x2  }
0x187: {  	s0 =	rddreg [dreg:$0x0];
	s2 =	stileid.u32  }
0x188: {  	s1 =	rddreg [dreg:$0x1];
	p0 =	sne.s32 s2, $0x0  }
0x189: {  	s3 =	rddreg [dreg:$0x2];
	[bflag:$0x3] =	sbarrier.arrive $0xFFFF;
	s2 =	simm.s32 @!p0 $0x1C02  }
0x18a: {  	[timem:s3], [sflag:s2] =	dma.local @!p0 [hbm:s0], s1  }
0x18b: {  	s0 =	simm.s32 @!p0 $0x2  }
0x18c: {  	_ =	swait.ge @!p0 [sflag:s0], s1  }
0x18d: {  	s1 =	ssub.s32 @!p0 $0x0, s1;
	[sflag:s0] =	ssyncset.done @!p0 $0x0  }
0x18e: {  	[sflag:s0] =	ssyncadd.s32 @!p0 s1  }
0x18f: {  	[bflag:$0x3] =	sbarrier.arrive $0xFFFF  }
0x190: {  	_ =	shalt  }

// kernel: kernel.20.cloned.1.call-start
scs
__scs_entry_jumppad:
0x0: {  	(pc) =	sbr.rel $0x88, $3  }
0x1: {  	(tag) =	ssettag $0x0;
	lr =	simm.s32 $0x1  }
0x2: {  	[smem:$0x3F9F] =	sst lr;
	_ =	strace $0xD0000000  }
0x3: {  	_ = 	snop  }
0x4: {  	_ = 	snop  }
0x5: {  	_ = 	snop  }
0x6: {  	_ = 	snop  }
0x7: {  	_ = 	snop  }
__scs_overlays_trampoline_lowered:
0x8: {  	[smem:$0x3FAE] =	sst s0  }
0x9: {  	[smem:$0x3FAF] =	sst s1  }
0xa: {  	[smem:$0x3FB0] =	sst s2  }
0xb: {  	[smem:$0x3FB1] =	sst s3  }
0xc: {  	[smem:$0x3FB2] =	sst s4  }
0xd: {  	[smem:$0x3FB3] =	sst s5  }
0xe: {  	[smem:$0x3FB4] =	sst s6  }
0xf: {  	[smem:$0x3FB5] =	sst s7  }
0x10: {  	[smem:$0x3FB6] =	sst s8  }
0x11: {  	[smem:$0x3FB7] =	sst s9;
	s0 =	simm.s32 @!p0 $0x0  }
0x12: {  	s1 =	sld [smem:$0x3F9D];
	s0 =	simm.s32 @p0 $0x1  }
0x13: {  	[smem:$0x3FB8] =	sst s0;
	s0 =	simm.s32 @!p1 $0x0  }
0x14: {  	s2 =	sld [smem:$0x3F9C];
	s0 =	simm.s32 @p1 $0x1  }
0x15: {  	[smem:$0x3FB9] =	sst s0;
	s0 =	simm.s32 @!p2 $0x0  }
0x16: {  	s3 =	sld [smem:$0x3FDB];
	s0 =	simm.s32 @p2 $0x1  }
0x17: {  	s4 =	simm.s32 $0x1BF5;
	[smem:$0x3FBB] =	sst s0  }
0x18: {  	s0 =	sld [smem:$0x3F9E];
	_ =	swait.ge [sflag:s4], $0x0  }
0x19: {  	s7 =	sld [smem:$0x3F9F]  }
0x1a: {  	s8 =	sadd.s32 $0xFFFFE003, lr  }
0x1b: {  	s9 =	sadd.s32 $0xFFFFFEF7, lr;
	s5 =	simm.s32 $0xFFFFFFFF;
	p2 =	slt.u32 s8, $0xFFFFF086  }
0x1c: {  	p1 =	slt.u32 s9, $0xF7A;
	s5 =	simm.s32 @!p2 $0x0  }
0x1d: {  	s5 =	simm.s32 @p1 $0x1;
	p0 =	seq.s32 s7, s2  }
0x1e: {  	s7 =	smul.u32 @!p0 $0xF7A, s2;
	p2 =	seq.s32 @!p0 s5, $0x0  }
0x1f: {  	s9 =	smul.u32 $0xF7A, s1;
	s8 =	simm.s32 @!p0 $0x1BF5;
	p2 =	por !p2, p0  }
0x20: {  	[sflag:s8] =	ssyncset.s32 @!p0 $0xFFFFF086;
	s6 =	sadd.s32 @!p0 s3, s7;
	s7 =	simm.s32 @!p0 $0x108  }
0x21: {  	s3 =	sadd.s32 s3, s9;
	s6 =	sadd.s32 @!p0 $0x88, s6;
	s7 =	simm.s32 @p2 $0x1082  }
0x22: {  	[simem:s7], [sflag:s8] =	dma.local @!p0 [hbm:s6], $0xF7A  }
0x23: {  	s9 =	sor.u32 $0xD0000000, s2;
	s6 =	simm.s32 $0x108;
	_ =	swait.ge @!p0 [sflag:s8], $0x0  }
0x24: {  	s3 =	sadd.s32 $0x88, s3;
	s6 =	simm.s32 @!p1 $0x1082;
	[sflag:s4] =	ssyncset.s32 $0xFFFFF086  }
0x25: {  	[simem:s6], [sflag:s4] =	dma.local [hbm:s3], $0xF7A  }
0x26: {  	[smem:$0x3F9F] =	sst s1;
	(tag) =	ssettag s2;
	_ =	strace s9  }
0x27: {  	s1 =	sld [smem:$0x3FAF]  }
0x28: {  	s2 =	sld [smem:$0x3FB0]  }
0x29: {  	s4 =	sld [smem:$0x3FB2]  }
0x2a: {  	p0 =	seq.s32 s5, $0x0;
	s5 =	sld [smem:$0x3FB3]  }
0x2b: {  	s6 =	sld [smem:$0x3FB4]  }
0x2c: {  	s7 =	sld [smem:$0x3FB5]  }
0x2d: {  	s3 =	simm.s32 $0x108;
	s8 =	sld [smem:$0x3FB6]  }
0x2e: {  	s3 =	simm.s32 @!p0 $0x1082;
	s9 =	sld [smem:$0x3FB7]  }
0x2f: {  	lr =	sadd.s32 s0, s3;
	s0 =	sld [smem:$0x3FAE]  }
0x30: {  	s3 =	sld [smem:$0x3FB1]  }
0x31: {  	[smem:$0x3FBA] =	sst s10  }
0x32: {  	s10 =	sld [smem:$0x3FB8];
	_ =	sdelay $0x3  }
0x33: {  	p0 =	seq.s32 s10, $0x1;
	s10 =	sld [smem:$0x3FBA];
	_ =	sdelay $0x3  }
0x34: {  	[smem:$0x3FBA] =	sst s10  }
0x35: {  	s10 =	sld [smem:$0x3FB9];
	_ =	sdelay $0x3  }
0x36: {  	p1 =	seq.s32 s10, $0x1;
	s10 =	sld [smem:$0x3FBA];
	_ =	sdelay $0x3  }
0x37: {  	[smem:$0x3FBA] =	sst s10  }
0x38: {  	s10 =	sld [smem:$0x3FBB]  }
0x39: {  	_ = 	snop;
	(pc) =	sbr.ind lr, $3  }
0x3a: {  	_ = 	snop  }
0x3b: {  	_ = 	snop  }
0x3c: {  	p2 =	seq.s32 s10, $0x1;
	s10 =	sld [smem:$0x3FBA]  }
0x3d: {  	_ =	shalt  }
0x3e: {  	_ =	shalt  }
0x3f: {  	_ =	shalt  }
0x40: {  	_ =	shalt  }
0x41: {  	_ =	shalt  }
0x42: {  	_ =	shalt  }
0x43: {  	_ =	shalt  }
0x44: {  	_ =	shalt  }
0x45: {  	_ =	shalt  }
0x46: {  	_ =	shalt  }
0x47: {  	_ =	shalt  }
0x48: {  	_ =	shalt  }
0x49: {  	_ =	shalt  }
0x4a: {  	_ =	shalt  }
0x4b: {  	_ =	shalt  }
0x4c: {  	_ =	shalt  }
0x4d: {  	_ =	shalt  }
0x4e: {  	_ =	shalt  }
0x4f: {  	_ =	shalt  }
0x50: {  	_ =	shalt  }
0x51: {  	_ =	shalt  }
0x52: {  	_ =	shalt  }
0x53: {  	_ =	shalt  }
0x54: {  	_ =	shalt  }
0x55: {  	_ =	shalt  }
0x56: {  	_ =	shalt  }
0x57: {  	_ =	shalt  }
0x58: {  	_ =	shalt  }
0x59: {  	_ =	shalt  }
0x5a: {  	_ =	shalt  }
0x5b: {  	_ =	shalt  }
0x5c: {  	_ =	shalt  }
0x5d: {  	_ =	shalt  }
0x5e: {  	_ =	shalt  }
0x5f: {  	_ =	shalt  }
0x60: {  	_ =	shalt  }
0x61: {  	_ =	shalt  }
0x62: {  	_ =	shalt  }
0x63: {  	_ =	shalt  }
0x64: {  	_ =	shalt  }
0x65: {  	_ =	shalt  }
0x66: {  	_ =	shalt  }
0x67: {  	_ =	shalt  }
0x68: {  	_ =	shalt  }
0x69: {  	_ =	shalt  }
0x6a: {  	_ =	shalt  }
0x6b: {  	_ =	shalt  }
0x6c: {  	_ =	shalt  }
0x6d: {  	_ =	shalt  }
0x6e: {  	_ =	shalt  }
0x6f: {  	_ =	shalt  }
0x70: {  	_ =	shalt  }
0x71: {  	_ =	shalt  }
0x72: {  	_ =	shalt  }
0x73: {  	_ =	shalt  }
0x74: {  	_ =	shalt  }
0x75: {  	_ =	shalt  }
0x76: {  	_ =	shalt  }
0x77: {  	_ =	shalt  }
0x78: {  	_ =	shalt  }
0x79: {  	_ =	shalt  }
0x7a: {  	_ =	shalt  }
0x7b: {  	_ =	shalt  }
0x7c: {  	_ =	shalt  }
0x7d: {  	_ =	shalt  }
0x7e: {  	_ =	shalt  }
0x7f: {  	_ =	shalt  }
0x80: {  	_ =	shalt  }
0x81: {  	_ =	shalt  }
0x82: {  	_ =	shalt  }
0x83: {  	_ =	shalt  }
0x84: {  	_ =	shalt  }
0x85: {  	_ =	shalt  }
0x86: {  	_ =	shalt  }
0x87: {  	_ =	shalt  }
.Lfunc_end0:
.L_simem_size_0:
called_computation.3_lowered:
.L_overlay_start_0:
0x88: {  	s2 =	sld [smem:$0x3FD9]  }
0x89: {  	s3 =	sld [smem:$0x3FFE];
	_ =	sdelay $0x1  }
0x8a: {  	s1 =	srdreg.scid  }
0x8b: {  	s0 =	sand.u32 $0x1, s1  }
0x8c: {  	s14 =	sshll.u32 s0, $0xA;
	s2 =	sadd.s32 s3, s2  }
0x8d: {  	s2 =	sadd.s32 s2, s14  }
0x8e: {  	[smem:$0x3FC6] =	sst s2  }
0x8f: {  	_ = 	snop  }
0x90: {  	s2 =	sld [smem:$0x3FD0];
	_ =	sdelay $0x2  }
0x91: {  	s15 =	simm.s32 $0xA;
	s4 =	simm.s32 $0x10  }
0x92: {  	[smem:s4], [sflag:s15] =	dma.local [hbm:s2], $0x1  }
0x93: {  	_ =	swait.eq [sflag:s15], $0x1  }
0x94: {  	[sflag:s15] =	ssyncset.done $0x0  }
0x95: {  	[sflag:s15] =	ssyncadd.s32 $0xFFFFFFFF  }
0x96: {  	s16 =	sld [smem:$0x14];
	(tm) =	ssettm $0x1  }
0x97: {  	s17 =	sld [smem:$0x3FFB];
	_ =	sdelay $0x3  }
0x98: {  	_ =	strace s17  }
0x99: {  	s3 =	sld [smem:$0x3FFC];
	_ =	sdelay $0x3  }
0x9a: {  	_ =	strace s3  }
0x9b: {  	s3 =	sld [smem:$0x3FFD];
	_ =	sdelay $0x3  }
0x9c: {  	_ =	strace s3  }
0x9d: {  	_ =	strace $0x8FFFFFFF  }
0x9e: {  	s18 =	sld [smem:$0x3FDB];
	_ =	sdelay $0x1  }
0x9f: {  	s19 =	simm.s32 $_scs_section_size  }
0xa0: {  	s5 =	simm.s32 $_size__tile_overlayer_lowered;
	s6 =	simm.s32 $_tile_overlayer_lowered  }
0xa1: {  	s22 =	simm.s32 $0x1BFF;
	s21 =	sshll.u32 s6, $0x1;
	s3 =	sadd.s32 s19, s18  }
0xa2: {  	s7 =	simm.s32 $0x0;
	s20 =	sshll.u32 s5, $0x1;
	s5 =	sadd.s32 s21, s3  }
0xa3: {  	[timem:s7], [sflag:s22] =	dma.local [hbm:s5], s20  }
0xa4: {  	_ =	swait.ge [sflag:s22], s20  }
0xa5: {  	s4 =	ssub.s32 $0x0, s20;
	[sflag:s22] =	ssyncset.done $0x0  }
0xa6: {  	[sflag:s22] =	ssyncadd.s32 s4;
	_ =	sdelay $0x1  }
0xa7: {  	s23 =	simm.s32 $0x1B8B  }
0xa8: {  	_ =	swait.ge [sflag:s23], $0x1  }
0xa9: {  	[sflag:s23] =	ssyncset.done $0x0  }
0xaa: {  	s25 =	simm.s32 $0x1B8E;
	s24 =	sld [smem:$0x3FFE];
	[sflag:s23] =	ssyncadd.s32 $0xFFFFFFFF  }
0xab: {  	s26 =	simm.s32 $execute0_lowered;
	[smem:$0x3FD2] =	sst s25  }
0xac: {  	s5 =	sshll.u32 s26, $0x1;
	_ =	strace $0x8000004F;
	[dreg:$0x1] =	wrdreg $0xFFFFFFFF  }
0xad: {  	s28 =	simm.s32 $_size_execute0_lowered;
	s3 =	sadd.s32 s3, s5;
	[dreg:$0x0] =	wrdreg $0x0  }
0xae: {  	s5 =	sshll.u32 s28, $0x1;
	[dreg:$0x2] =	wrdreg s3  }
0xaf: {  	[dreg:$0x3] =	wrdreg s5  }
0xb0: {  	[dreg:$0x4] =	wrdreg $0xC0  }
0xb1: {  	_ =	task [dreg:s7], $0x5FFFF  }
0xb2: {  	[dreg:$0x1] =	wrdreg $0xFFFFFFFF  }
0xb3: {  	[dreg:$0x0] =	wrdreg $0x60  }
0xb4: {  	[dreg:$0x2] =	wrdreg s24  }
0xb5: {  	[dreg:$0x3] =	wrdreg s16  }
0xb6: {  	[dreg:$0x4] =	wrdreg $0x9  }
0xb7: {  	_ =	task.clear_ibuf [dreg:s7], $0x5FFFF;
	_ =	strace $0x9000004F  }
0xb8: {  	s29 =	simm.s32 $0x9;
	_ =	strace $0x80000051  }
0xb9: {  	_ =	swait.ge [sflag:s29], $0x1  }
0xba: {  	[sflag:s29] =	ssyncadd.s32 $0xFFFFFFFF  }
0xbb: {  	_ =	strace $0x90000051  }
0xbc: {  	_ =	sfence  }
0xbd: {  	s30 =	sld [smem:$0x0];
	_ =	sdelay $0x2  }
0xbe: {  	s31 =	sshll.u32 s1, $0xD;
	s1 =	sshrl.u32 s1, $0x2  }
0xbf: {  	s3 =	sand.u32 $0x4000, s31;
	s1 =	sadd.s32 s1, s30  }
0xc0: {  	s0 =	sor.u32 s3, s0;
	s1 =	sshll.u32 s1, $0x11  }
0xc1: {  	s0 =	sor.u32 s1, s0  }
0xc2: {  	s0 =	sadd.s32 $0x8F2B, s0  }
0xc3: {  	[sflag:s0] =	ssyncadd.remote.s32 $0x1  }
0xc4: {  	_ =	sfence.sel $0xFFFF  }
0xc5: {  	[dreg:$0x0] =	wrdreg $0xFFFFFFFF;
	(pc) =	sbr.abs _section_cstart, $3  }
0xc6: {  	[dreg:$0x1] =	wrdreg $0xFFFFFFFF  }
0xc7: {  	_ =	task.clear_ibuf [dreg:s7], $0x2FFFF;
	_ =	strace $0x9FFFFFFF  }
0xc8: {  	(tm) =	ssettm $0x7FFFFFFF  }
0xc9: {  	_ =	shalt  }
tec
execute0_lowered:
.L_overlay_start_1:
0x0: {  	(tag) =	ssettag $0x1  }
0x1: {  	s4 =	rddreg [dreg:$0x0]  }
0x2: {  	s10 =	rddreg [dreg:$0x1]  }
0x3: {  	s0 =	rddreg [dreg:$0x2];
	s1 =	simm.s32 $0x0  }
0x4: {  	s5 =	srdreg.scid;
	s2 =	stileid.u32;
	s15 =	simm.s32 $0x880  }
0x5: {  	s16 =	simm.s32 $0x1080;
	s17 =	simm.s32 $0x1880;
	s18 =	simm.s32 $0x2080  }
0x6: {  	s19 =	simm.s32 $0x2880;
	s20 =	simm.s32 $0x3080;
	s28 =	simm.s32 $0x6880  }
0x7: {  	s29 =	simm.s32 $0x7080;
	s30 =	simm.s32 $0x7880;
	s31 =	simm.s32 $0x1  }
0x8: {  	[smem:$0x7FF] =	sst s1;
	s3 =	sadd.s32 $0xC2E00, s4;
	s5 =	sand.u32 $0x1, s5  }
0x9: {  	s7 =	sshll.u32 s2, $0xA;
	s6 =	ssub.s32 $0x2, s5;
	s5 =	sshll.u32 s5, $0x9  }
0xa: {  	s11 =	sadd.s32 $0x2E2E00, s4;
	s21 =	sshrl.u32 s6, $0x1;
	s9 =	sor.u32 s5, s7  }
0xb: {  	_ =	strace $0x80000050;
	s12 =	ssub.s32 s6, s21;
	s22 =	sshrl.u32 s9, $0x3  }
0xc: {  	s5 =	sshll.u32 s9, $0x5;
	s23 =	sor.u32 $0x80, s9;
	s13 =	sor.u32 $0x100, s9  }
0xd: {  	s14 =	sor.u32 $0x180, s9;
	s21 =	simm.s32 $0x3880;
	s4 =	sadd.s32 s10, s22  }
0xe: {  	s5 =	sadd.s32 s11, s5;
	s24 =	sshrl.u32 s23, $0x3;
	s8 =	sshll.u32 s23, $0x5  }
0xf: {  	s25 =	sshrl.u32 s13, $0x3;
	s13 =	sshll.u32 s13, $0x5;
	s26 =	sshrl.u32 s14, $0x3  }
0x10: {  	s14 =	sshll.u32 s14, $0x5;
	s12 =	smax.u32 s12, $0x1;
	s22 =	simm.s32 $0x4080  }
0x11: {  	s23 =	simm.s32 $0x4880;
	s6 =	sadd.s32 s10, s24;
	s7 =	sadd.s32 s11, s8  }
0x12: {  	v2 =	vlaneseq.u32;
	s8 =	sadd.s32 s10, s25;
	s9 =	sadd.s32 s11, s13;
	s10 =	sadd.s32 s10, s26  }
0x13: {  	vm0 =	vmmov $0xffff;
	v1 =	vshrl.u32 v2, $0x3;
	s11 =	sadd.s32 s11, s14;
	s13 =	simm.s32 $0x2;
	s14 =	simm.s32 $0x80  }
0x14: {  	v0 =	vand.u32 $0x7, v2;
	v2 =	vor.u32 $0x8, v2;
	v1 =	vmul.u32 $0x8, v1;
	s24 =	simm.s32 $0x5080;
	s25 =	simm.s32 $0x5880;
	s26 =	simm.s32 $0x6080  }
.LBB2_1:
0x15: {  	[tilespmem:s1], [sflag:$0x2] =	stream.linear.gather [hbm4b:s4+s1], $0x80, $0x38;
	[tilespmem:$0x8080] =	vst v63  }
0x16: {  	_ =	swait.ge [sflag:s13], $0x80  }
0x17: {  	[sflag:s13] =	ssyncset.done $0x0  }
0x18: {  	[sflag:s13] =	ssyncadd.s32 $0xFFFFFF80  }
0x19: {  	v3 =	vld [tilespmem:$0x0];
	_ =	sdelay $0x4  }
0x1a: {  	v4 =	vshll.u32 v3, $0x1  }
0x1b: {  	v3 =	vand.u32 $0x7, v3;
	v4 =	vand.u32 $0xFFFFFFF0, v4  }
0x1c: {  	v3 =	vor.u32 v3, v4  }
0x1d: {  	v4 =	vperm.xlane v3, v0;
	_ =	sdelay $0x1  }
0x1e: {  	v3 =	vperm.xlane v3, v2;
	v4 =	vadd.s32 v1, v4;
	_ =	sdelay $0x1  }
0x1f: {  	v3 =	vadd.s32 v1, v3;
	_ =	sdelay $0x2  }
0x20: {  	[tilespmem:s14], [sflag:$0x1] =	stream.indirect_vreg.gather [hbm4b:s3+s1], $0x80, v4, vm0, $0xb8;
	[tilespmem:$0x8080] =	vst v63  }
0x21: {  	_ = 	snop  }
0x22: {  	[tilespmem:s15], [sflag:$0x1] =	stream.indirect_vreg.gather [hbm4b:s3+s1], $0x80, v3, vm0, $0xb8;
	[tilespmem:$0x8080] =	vst v63  }
0x23: {  	v3 =	vld [tilespmem:$0x10];
	_ =	sdelay $0x4  }
0x24: {  	v33 =	vshll.u32 v3, $0x1  }
0x25: {  	v3 =	vand.u32 $0x7, v3;
	v4 =	vand.u32 $0xFFFFFFF0, v33  }
0x26: {  	v3 =	vor.u32 v3, v4  }
0x27: {  	v4 =	vperm.xlane v3, v0;
	_ =	sdelay $0x1  }
0x28: {  	v3 =	vperm.xlane v3, v2;
	v4 =	vadd.s32 v1, v4;
	_ =	sdelay $0x1  }
0x29: {  	v3 =	vadd.s32 v1, v3;
	_ =	sdelay $0x2  }
0x2a: {  	[tilespmem:s16], [sflag:$0x1] =	stream.indirect_vreg.gather [hbm4b:s3+s1], $0x80, v4, vm0, $0xb8;
	[tilespmem:$0x8080] =	vst v63  }
0x2b: {  	_ = 	snop  }
0x2c: {  	[tilespmem:s17], [sflag:$0x1] =	stream.indirect_vreg.gather [hbm4b:s3+s1], $0x80, v3, vm0, $0xb8;
	[tilespmem:$0x8080] =	vst v63  }
0x2d: {  	v3 =	vld [tilespmem:$0x20];
	_ =	sdelay $0x4  }
0x2e: {  	v34 =	vshll.u32 v3, $0x1  }
0x2f: {  	v3 =	vand.u32 $0x7, v3;
	v4 =	vand.u32 $0xFFFFFFF0, v34  }
0x30: {  	v3 =	vor.u32 v3, v4  }
0x31: {  	v4 =	vperm.xlane v3, v0;
	_ =	sdelay $0x1  }
0x32: {  	v3 =	vperm.xlane v3, v2;
	v4 =	vadd.s32 v1, v4;
	_ =	sdelay $0x1  }
0x33: {  	v3 =	vadd.s32 v1, v3;
	_ =	sdelay $0x2  }
0x34: {  	[tilespmem:s18], [sflag:$0x1] =	stream.indirect_vreg.gather [hbm4b:s3+s1], $0x80, v4, vm0, $0xb8;
	[tilespmem:$0x8080] =	vst v63  }
0x35: {  	_ = 	snop  }
0x36: {  	[tilespmem:s19], [sflag:$0x1] =	stream.indirect_vreg.gather [hbm4b:s3+s1], $0x80, v3, vm0, $0xb8;
	[tilespmem:$0x8080] =	vst v63  }
0x37: {  	v3 =	vld [tilespmem:$0x30];
	_ =	sdelay $0x4  }
0x38: {  	v35 =	vshll.u32 v3, $0x1  }
0x39: {  	v3 =	vand.u32 $0x7, v3;
	v4 =	vand.u32 $0xFFFFFFF0, v35  }
0x3a: {  	v3 =	vor.u32 v3, v4  }
0x3b: {  	v4 =	vperm.xlane v3, v0;
	_ =	sdelay $0x1  }
0x3c: {  	v3 =	vperm.xlane v3, v2;
	v4 =	vadd.s32 v1, v4;
	_ =	sdelay $0x1  }
0x3d: {  	v3 =	vadd.s32 v1, v3;
	_ =	sdelay $0x2  }
0x3e: {  	[tilespmem:s20], [sflag:$0x1] =	stream.indirect_vreg.gather [hbm4b:s3+s1], $0x80, v4, vm0, $0xb8;
	[tilespmem:$0x8080] =	vst v63  }
0x3f: {  	_ = 	snop  }
0x40: {  	[tilespmem:s21], [sflag:$0x1] =	stream.indirect_vreg.gather [hbm4b:s3+s1], $0x80, v3, vm0, $0xb8;
	[tilespmem:$0x8080] =	vst v63  }
0x41: {  	v3 =	vld [tilespmem:$0x40];
	_ =	sdelay $0x4  }
0x42: {  	v36 =	vshll.u32 v3, $0x1  }
0x43: {  	v3 =	vand.u32 $0x7, v3;
	v4 =	vand.u32 $0xFFFFFFF0, v36  }
0x44: {  	v3 =	vor.u32 v3, v4  }
0x45: {  	v4 =	vperm.xlane v3, v0;
	_ =	sdelay $0x1  }
0x46: {  	v3 =	vperm.xlane v3, v2;
	v4 =	vadd.s32 v1, v4;
	_ =	sdelay $0x1  }
0x47: {  	v3 =	vadd.s32 v1, v3;
	_ =	sdelay $0x2  }
0x48: {  	[tilespmem:s22], [sflag:$0x1] =	stream.indirect_vreg.gather [hbm4b:s3+s1], $0x80, v4, vm0, $0xb8;
	[tilespmem:$0x8080] =	vst v63  }
0x49: {  	_ = 	snop  }
0x4a: {  	[tilespmem:s23], [sflag:$0x1] =	stream.indirect_vreg.gather [hbm4b:s3+s1], $0x80, v3, vm0, $0xb8;
	[tilespmem:$0x8080] =	vst v63  }
0x4b: {  	v3 =	vld [tilespmem:$0x50];
	_ =	sdelay $0x4  }
0x4c: {  	v37 =	vshll.u32 v3, $0x1  }
0x4d: {  	v3 =	vand.u32 $0x7, v3;
	v4 =	vand.u32 $0xFFFFFFF0, v37  }
0x4e: {  	v3 =	vor.u32 v3, v4  }
0x4f: {  	v4 =	vperm.xlane v3, v0;
	_ =	sdelay $0x1  }
0x50: {  	v3 =	vperm.xlane v3, v2;
	v4 =	vadd.s32 v1, v4;
	_ =	sdelay $0x1  }
0x51: {  	v3 =	vadd.s32 v1, v3;
	_ =	sdelay $0x2  }
0x52: {  	[tilespmem:s24], [sflag:$0x1] =	stream.indirect_vreg.gather [hbm4b:s3+s1], $0x80, v4, vm0, $0xb8;
	[tilespmem:$0x8080] =	vst v63  }
0x53: {  	_ = 	snop  }
0x54: {  	[tilespmem:s25], [sflag:$0x1] =	stream.indirect_vreg.gather [hbm4b:s3+s1], $0x80, v3, vm0, $0xb8;
	[tilespmem:$0x8080] =	vst v63  }
0x55: {  	v3 =	vld [tilespmem:$0x60];
	_ =	sdelay $0x4  }
0x56: {  	v38 =	vshll.u32 v3, $0x1  }
0x57: {  	v3 =	vand.u32 $0x7, v3;
	v4 =	vand.u32 $0xFFFFFFF0, v38  }
0x58: {  	v3 =	vor.u32 v3, v4  }
0x59: {  	v4 =	vperm.xlane v3, v0;
	_ =	sdelay $0x1  }
0x5a: {  	v3 =	vperm.xlane v3, v2;
	v4 =	vadd.s32 v1, v4;
	_ =	sdelay $0x1  }
0x5b: {  	v3 =	vadd.s32 v1, v3;
	_ =	sdelay $0x2  }
0x5c: {  	[tilespmem:s26], [sflag:$0x1] =	stream.indirect_vreg.gather [hbm4b:s3+s1], $0x80, v4, vm0, $0xb8;
	[tilespmem:$0x8080] =	vst v63  }
0x5d: {  	_ = 	snop  }
0x5e: {  	[tilespmem:s28], [sflag:$0x1] =	stream.indirect_vreg.gather [hbm4b:s3+s1], $0x80, v3, vm0, $0xb8;
	[tilespmem:$0x8080] =	vst v63  }
0x5f: {  	v3 =	vld [tilespmem:$0x70];
	_ =	sdelay $0x4  }
0x60: {  	v39 =	vshll.u32 v3, $0x1  }
0x61: {  	v3 =	vand.u32 $0x7, v3;
	v4 =	vand.u32 $0xFFFFFFF0, v39  }
0x62: {  	v3 =	vor.u32 v3, v4  }
0x63: {  	v4 =	vperm.xlane v3, v0;
	_ =	sdelay $0x1  }
0x64: {  	v3 =	vperm.xlane v3, v2;
	v4 =	vadd.s32 v1, v4;
	_ =	sdelay $0x1  }
0x65: {  	v3 =	vadd.s32 v1, v3;
	_ =	sdelay $0x2  }
0x66: {  	[tilespmem:s29], [sflag:$0x1] =	stream.indirect_vreg.gather [hbm4b:s3+s1], $0x80, v4, vm0, $0xb8;
	[tilespmem:$0x8080] =	vst v63  }
0x67: {  	_ = 	snop  }
0x68: {  	[tilespmem:s30], [sflag:$0x1] =	stream.indirect_vreg.gather [hbm4b:s3+s1], $0x80, v3, vm0, $0xb8;
	[tilespmem:$0x8080] =	vst v63  }
0x69: {  	_ =	swait.ge [sflag:s31], $0x8000  }
0x6a: {  	[sflag:s31] =	ssyncset.done $0x0  }
0x6b: {  	[sflag:s31] =	ssyncadd.s32 $0xFFFF8000  }
0x6c: {  	[hbm4b:s5+s1] =	stream.linear.scatter [tilespmem:s14], [sflag:$0x2], $0x8000, $0x38;
	[tilespmem:$0x8080] =	vst v63  }
0x6d: {  	_ =	swait.ge [sflag:s13], $0x8000  }
0x6e: {  	[sflag:s13] =	ssyncset.done $0x0  }
0x6f: {  	[sflag:s13] =	ssyncadd.s32 $0xFFFF8000  }
0x70: {  	[tilespmem:s1], [sflag:$0x2] =	stream.linear.gather [hbm4b:s6+s1], $0x80, $0x38;
	[tilespmem:$0x8080] =	vst v63  }
0x71: {  	_ =	swait.ge [sflag:s13], $0x80  }
0x72: {  	[sflag:s13] =	ssyncset.done $0x0  }
0x73: {  	[sflag:s13] =	ssyncadd.s32 $0xFFFFFF80  }
0x74: {  	v3 =	vld [tilespmem:$0x0];
	_ =	sdelay $0x4  }
0x75: {  	v40 =	vshll.u32 v3, $0x1  }
0x76: {  	v3 =	vand.u32 $0x7, v3;
	v4 =	vand.u32 $0xFFFFFFF0, v40  }
0x77: {  	v3 =	vor.u32 v3, v4  }
0x78: {  	v4 =	vperm.xlane v3, v0;
	_ =	sdelay $0x1  }
0x79: {  	v3 =	vperm.xlane v3, v2;
	v4 =	vadd.s32 v1, v4;
	_ =	sdelay $0x1  }
0x7a: {  	v3 =	vadd.s32 v1, v3;
	_ =	sdelay $0x2  }
0x7b: {  	[tilespmem:s14], [sflag:$0x1] =	stream.indirect_vreg.gather [hbm4b:s3+s1], $0x80, v4, vm0, $0xb8;
	[tilespmem:$0x8080] =	vst v63  }
0x7c: {  	_ = 	snop  }
0x7d: {  	[tilespmem:s15], [sflag:$0x1] =	stream.indirect_vreg.gather [hbm4b:s3+s1], $0x80, v3, vm0, $0xb8;
	[tilespmem:$0x8080] =	vst v63  }
0x7e: {  	v3 =	vld [tilespmem:$0x10];
	_ =	sdelay $0x4  }
0x7f: {  	v41 =	vshll.u32 v3, $0x1  }
0x80: {  	v3 =	vand.u32 $0x7, v3;
	v4 =	vand.u32 $0xFFFFFFF0, v41  }
0x81: {  	v3 =	vor.u32 v3, v4  }
0x82: {  	v4 =	vperm.xlane v3, v0;
	_ =	sdelay $0x1  }
0x83: {  	v3 =	vperm.xlane v3, v2;
	v4 =	vadd.s32 v1, v4;
	_ =	sdelay $0x1  }
0x84: {  	v3 =	vadd.s32 v1, v3;
	_ =	sdelay $0x2  }
0x85: {  	[tilespmem:s16], [sflag:$0x1] =	stream.indirect_vreg.gather [hbm4b:s3+s1], $0x80, v4, vm0, $0xb8;
	[tilespmem:$0x8080] =	vst v63  }
0x86: {  	_ = 	snop  }
0x87: {  	[tilespmem:s17], [sflag:$0x1] =	stream.indirect_vreg.gather [hbm4b:s3+s1], $0x80, v3, vm0, $0xb8;
	[tilespmem:$0x8080] =	vst v63  }
0x88: {  	v3 =	vld [tilespmem:$0x20];
	_ =	sdelay $0x4  }
0x89: {  	v42 =	vshll.u32 v3, $0x1  }
0x8a: {  	v3 =	vand.u32 $0x7, v3;
	v4 =	vand.u32 $0xFFFFFFF0, v42  }
0x8b: {  	v3 =	vor.u32 v3, v4  }
0x8c: {  	v4 =	vperm.xlane v3, v0;
	_ =	sdelay $0x1  }
0x8d: {  	v3 =	vperm.xlane v3, v2;
	v4 =	vadd.s32 v1, v4;
	_ =	sdelay $0x1  }
0x8e: {  	v3 =	vadd.s32 v1, v3;
	_ =	sdelay $0x2  }
0x8f: {  	[tilespmem:s18], [sflag:$0x1] =	stream.indirect_vreg.gather [hbm4b:s3+s1], $0x80, v4, vm0, $0xb8;
	[tilespmem:$0x8080] =	vst v63  }
0x90: {  	_ = 	snop  }
0x91: {  	[tilespmem:s19], [sflag:$0x1] =	stream.indirect_vreg.gather [hbm4b:s3+s1], $0x80, v3, vm0, $0xb8;
	[tilespmem:$0x8080] =	vst v63  }
0x92: {  	v3 =	vld [tilespmem:$0x30];
	_ =	sdelay $0x4  }
0x93: {  	v43 =	vshll.u32 v3, $0x1  }
0x94: {  	v3 =	vand.u32 $0x7, v3;
	v4 =	vand.u32 $0xFFFFFFF0, v43  }
0x95: {  	v3 =	vor.u32 v3, v4  }
0x96: {  	v4 =	vperm.xlane v3, v0;
	_ =	sdelay $0x1  }
0x97: {  	v3 =	vperm.xlane v3, v2;
	v4 =	vadd.s32 v1, v4;
	_ =	sdelay $0x1  }
0x98: {  	v3 =	vadd.s32 v1, v3;
	_ =	sdelay $0x2  }
0x99: {  	[tilespmem:s20], [sflag:$0x1] =	stream.indirect_vreg.gather [hbm4b:s3+s1], $0x80, v4, vm0, $0xb8;
	[tilespmem:$0x8080] =	vst v63  }
0x9a: {  	_ = 	snop  }
0x9b: {  	[tilespmem:s21], [sflag:$0x1] =	stream.indirect_vreg.gather [hbm4b:s3+s1], $0x80, v3, vm0, $0xb8;
	[tilespmem:$0x8080] =	vst v63  }
0x9c: {  	v3 =	vld [tilespmem:$0x40];
	_ =	sdelay $0x4  }
0x9d: {  	v44 =	vshll.u32 v3, $0x1  }
0x9e: {  	v3 =	vand.u32 $0x7, v3;
	v4 =	vand.u32 $0xFFFFFFF0, v44  }
0x9f: {  	v3 =	vor.u32 v3, v4  }
0xa0: {  	v4 =	vperm.xlane v3, v0;
	_ =	sdelay $0x1  }
0xa1: {  	v3 =	vperm.xlane v3, v2;
	v4 =	vadd.s32 v1, v4;
	_ =	sdelay $0x1  }
0xa2: {  	v3 =	vadd.s32 v1, v3;
	_ =	sdelay $0x2  }
0xa3: {  	[tilespmem:s22], [sflag:$0x1] =	stream.indirect_vreg.gather [hbm4b:s3+s1], $0x80, v4, vm0, $0xb8;
	[tilespmem:$0x8080] =	vst v63  }
0xa4: {  	_ = 	snop  }
0xa5: {  	[tilespmem:s23], [sflag:$0x1] =	stream.indirect_vreg.gather [hbm4b:s3+s1], $0x80, v3, vm0, $0xb8;
	[tilespmem:$0x8080] =	vst v63  }
0xa6: {  	v3 =	vld [tilespmem:$0x50];
	_ =	sdelay $0x4  }
0xa7: {  	v45 =	vshll.u32 v3, $0x1  }
0xa8: {  	v3 =	vand.u32 $0x7, v3;
	v4 =	vand.u32 $0xFFFFFFF0, v45  }
0xa9: {  	v3 =	vor.u32 v3, v4  }
0xaa: {  	v4 =	vperm.xlane v3, v0;
	_ =	sdelay $0x1  }
0xab: {  	v3 =	vperm.xlane v3, v2;
	v4 =	vadd.s32 v1, v4;
	_ =	sdelay $0x1  }
0xac: {  	v3 =	vadd.s32 v1, v3;
	_ =	sdelay $0x2  }
0xad: {  	[tilespmem:s24], [sflag:$0x1] =	stream.indirect_vreg.gather [hbm4b:s3+s1], $0x80, v4, vm0, $0xb8;
	[tilespmem:$0x8080] =	vst v63  }
0xae: {  	_ = 	snop  }
0xaf: {  	[tilespmem:s25], [sflag:$0x1] =	stream.indirect_vreg.gather [hbm4b:s3+s1], $0x80, v3, vm0, $0xb8;
	[tilespmem:$0x8080] =	vst v63  }
0xb0: {  	v3 =	vld [tilespmem:$0x60];
	_ =	sdelay $0x4  }
0xb1: {  	v46 =	vshll.u32 v3, $0x1  }
0xb2: {  	v3 =	vand.u32 $0x7, v3;
	v4 =	vand.u32 $0xFFFFFFF0, v46  }
0xb3: {  	v3 =	vor.u32 v3, v4  }
0xb4: {  	v4 =	vperm.xlane v3, v0;
	_ =	sdelay $0x1  }
0xb5: {  	v3 =	vperm.xlane v3, v2;
	v4 =	vadd.s32 v1, v4;
	_ =	sdelay $0x1  }
0xb6: {  	v3 =	vadd.s32 v1, v3;
	_ =	sdelay $0x2  }
0xb7: {  	[tilespmem:s26], [sflag:$0x1] =	stream.indirect_vreg.gather [hbm4b:s3+s1], $0x80, v4, vm0, $0xb8;
	[tilespmem:$0x8080] =	vst v63  }
0xb8: {  	_ = 	snop  }
0xb9: {  	[tilespmem:s28], [sflag:$0x1] =	stream.indirect_vreg.gather [hbm4b:s3+s1], $0x80, v3, vm0, $0xb8;
	[tilespmem:$0x8080] =	vst v63  }
0xba: {  	v3 =	vld [tilespmem:$0x70];
	_ =	sdelay $0x4  }
0xbb: {  	v47 =	vshll.u32 v3, $0x1  }
0xbc: {  	v3 =	vand.u32 $0x7, v3;
	v4 =	vand.u32 $0xFFFFFFF0, v47  }
0xbd: {  	v3 =	vor.u32 v3, v4  }
0xbe: {  	v4 =	vperm.xlane v3, v0;
	_ =	sdelay $0x1  }
0xbf: {  	v3 =	vperm.xlane v3, v2;
	v4 =	vadd.s32 v1, v4;
	_ =	sdelay $0x1  }
0xc0: {  	v3 =	vadd.s32 v1, v3;
	_ =	sdelay $0x2  }
0xc1: {  	[tilespmem:s29], [sflag:$0x1] =	stream.indirect_vreg.gather [hbm4b:s3+s1], $0x80, v4, vm0, $0xb8;
	[tilespmem:$0x8080] =	vst v63  }
0xc2: {  	_ = 	snop  }
0xc3: {  	[tilespmem:s30], [sflag:$0x1] =	stream.indirect_vreg.gather [hbm4b:s3+s1], $0x80, v3, vm0, $0xb8;
	[tilespmem:$0x8080] =	vst v63  }
0xc4: {  	_ =	swait.ge [sflag:s31], $0x8000  }
0xc5: {  	[sflag:s31] =	ssyncset.done $0x0  }
0xc6: {  	[sflag:s31] =	ssyncadd.s32 $0xFFFF8000  }
0xc7: {  	[hbm4b:s7+s1] =	stream.linear.scatter [tilespmem:s14], [sflag:$0x2], $0x8000, $0x38;
	[tilespmem:$0x8080] =	vst v63  }
0xc8: {  	_ =	swait.ge [sflag:s13], $0x8000  }
0xc9: {  	[sflag:s13] =	ssyncset.done $0x0  }
0xca: {  	[sflag:s13] =	ssyncadd.s32 $0xFFFF8000  }
0xcb: {  	[tilespmem:s1], [sflag:$0x2] =	stream.linear.gather [hbm4b:s8+s1], $0x80, $0x38;
	[tilespmem:$0x8080] =	vst v63  }
0xcc: {  	_ =	swait.ge [sflag:s13], $0x80  }
0xcd: {  	[sflag:s13] =	ssyncset.done $0x0  }
0xce: {  	[sflag:s13] =	ssyncadd.s32 $0xFFFFFF80  }
0xcf: {  	v3 =	vld [tilespmem:$0x0];
	_ =	sdelay $0x4  }
0xd0: {  	v48 =	vshll.u32 v3, $0x1  }
0xd1: {  	v3 =	vand.u32 $0x7, v3;
	v4 =	vand.u32 $0xFFFFFFF0, v48  }
0xd2: {  	v3 =	vor.u32 v3, v4  }
0xd3: {  	v4 =	vperm.xlane v3, v0;
	_ =	sdelay $0x1  }
0xd4: {  	v3 =	vperm.xlane v3, v2;
	v4 =	vadd.s32 v1, v4;
	_ =	sdelay $0x1  }
0xd5: {  	v3 =	vadd.s32 v1, v3;
	_ =	sdelay $0x2  }
0xd6: {  	[tilespmem:s14], [sflag:$0x1] =	stream.indirect_vreg.gather [hbm4b:s3+s1], $0x80, v4, vm0, $0xb8;
	[tilespmem:$0x8080] =	vst v63  }
0xd7: {  	_ = 	snop  }
0xd8: {  	[tilespmem:s15], [sflag:$0x1] =	stream.indirect_vreg.gather [hbm4b:s3+s1], $0x80, v3, vm0, $0xb8;
	[tilespmem:$0x8080] =	vst v63  }
0xd9: {  	v3 =	vld [tilespmem:$0x10];
	_ =	sdelay $0x4  }
0xda: {  	v49 =	vshll.u32 v3, $0x1  }
0xdb: {  	v3 =	vand.u32 $0x7, v3;
	v4 =	vand.u32 $0xFFFFFFF0, v49  }
0xdc: {  	v3 =	vor.u32 v3, v4  }
0xdd: {  	v4 =	vperm.xlane v3, v0;
	_ =	sdelay $0x1  }
0xde: {  	v3 =	vperm.xlane v3, v2;
	v4 =	vadd.s32 v1, v4;
	_ =	sdelay $0x1  }
0xdf: {  	v3 =	vadd.s32 v1, v3;
	_ =	sdelay $0x2  }
0xe0: {  	[tilespmem:s16], [sflag:$0x1] =	stream.indirect_vreg.gather [hbm4b:s3+s1], $0x80, v4, vm0, $0xb8;
	[tilespmem:$0x8080] =	vst v63  }
0xe1: {  	_ = 	snop  }
0xe2: {  	[tilespmem:s17], [sflag:$0x1] =	stream.indirect_vreg.gather [hbm4b:s3+s1], $0x80, v3, vm0, $0xb8;
	[tilespmem:$0x8080] =	vst v63  }
0xe3: {  	v3 =	vld [tilespmem:$0x20];
	_ =	sdelay $0x4  }
0xe4: {  	v50 =	vshll.u32 v3, $0x1  }
0xe5: {  	v3 =	vand.u32 $0x7, v3;
	v4 =	vand.u32 $0xFFFFFFF0, v50  }
0xe6: {  	v3 =	vor.u32 v3, v4  }
0xe7: {  	v4 =	vperm.xlane v3, v0;
	_ =	sdelay $0x1  }
0xe8: {  	v3 =	vperm.xlane v3, v2;
	v4 =	vadd.s32 v1, v4;
	_ =	sdelay $0x1  }
0xe9: {  	v3 =	vadd.s32 v1, v3;
	_ =	sdelay $0x2  }
0xea: {  	[tilespmem:s18], [sflag:$0x1] =	stream.indirect_vreg.gather [hbm4b:s3+s1], $0x80, v4, vm0, $0xb8;
	[tilespmem:$0x8080] =	vst v63  }
0xeb: {  	_ = 	snop  }
0xec: {  	[tilespmem:s19], [sflag:$0x1] =	stream.indirect_vreg.gather [hbm4b:s3+s1], $0x80, v3, vm0, $0xb8;
	[tilespmem:$0x8080] =	vst v63  }
0xed: {  	v3 =	vld [tilespmem:$0x30];
	_ =	sdelay $0x4  }
0xee: {  	v51 =	vshll.u32 v3, $0x1  }
0xef: {  	v3 =	vand.u32 $0x7, v3;
	v4 =	vand.u32 $0xFFFFFFF0, v51  }
0xf0: {  	v3 =	vor.u32 v3, v4  }
0xf1: {  	v4 =	vperm.xlane v3, v0;
	_ =	sdelay $0x1  }
0xf2: {  	v3 =	vperm.xlane v3, v2;
	v4 =	vadd.s32 v1, v4;
	_ =	sdelay $0x1  }
0xf3: {  	v3 =	vadd.s32 v1, v3;
	_ =	sdelay $0x2  }
0xf4: {  	[tilespmem:s20], [sflag:$0x1] =	stream.indirect_vreg.gather [hbm4b:s3+s1], $0x80, v4, vm0, $0xb8;
	[tilespmem:$0x8080] =	vst v63  }
0xf5: {  	_ = 	snop  }
0xf6: {  	[tilespmem:s21], [sflag:$0x1] =	stream.indirect_vreg.gather [hbm4b:s3+s1], $0x80, v3, vm0, $0xb8;
	[tilespmem:$0x8080] =	vst v63  }
0xf7: {  	v3 =	vld [tilespmem:$0x40];
	_ =	sdelay $0x4  }
0xf8: {  	v52 =	vshll.u32 v3, $0x1  }
0xf9: {  	v3 =	vand.u32 $0x7, v3;
	v4 =	vand.u32 $0xFFFFFFF0, v52  }
0xfa: {  	v3 =	vor.u32 v3, v4  }
0xfb: {  	v4 =	vperm.xlane v3, v0;
	_ =	sdelay $0x1  }
0xfc: {  	v3 =	vperm.xlane v3, v2;
	v4 =	vadd.s32 v1, v4;
	_ =	sdelay $0x1  }
0xfd: {  	v3 =	vadd.s32 v1, v3;
	_ =	sdelay $0x2  }
0xfe: {  	[tilespmem:s22], [sflag:$0x1] =	stream.indirect_vreg.gather [hbm4b:s3+s1], $0x80, v4, vm0, $0xb8;
	[tilespmem:$0x8080] =	vst v63  }
0xff: {  	_ = 	snop  }
0x100: {  	[tilespmem:s23], [sflag:$0x1] =	stream.indirect_vreg.gather [hbm4b:s3+s1], $0x80, v3, vm0, $0xb8;
	[tilespmem:$0x8080] =	vst v63  }
0x101: {  	v3 =	vld [tilespmem:$0x50];
	_ =	sdelay $0x4  }
0x102: {  	v53 =	vshll.u32 v3, $0x1  }
0x103: {  	v3 =	vand.u32 $0x7, v3;
	v4 =	vand.u32 $0xFFFFFFF0, v53  }
0x104: {  	v3 =	vor.u32 v3, v4  }
0x105: {  	v4 =	vperm.xlane v3, v0;
	_ =	sdelay $0x1  }
0x106: {  	v3 =	vperm.xlane v3, v2;
	v4 =	vadd.s32 v1, v4;
	_ =	sdelay $0x1  }
0x107: {  	v3 =	vadd.s32 v1, v3;
	_ =	sdelay $0x2  }
0x108: {  	[tilespmem:s24], [sflag:$0x1] =	stream.indirect_vreg.gather [hbm4b:s3+s1], $0x80, v4, vm0, $0xb8;
	[tilespmem:$0x8080] =	vst v63  }
0x109: {  	_ = 	snop  }
0x10a: {  	[tilespmem:s25], [sflag:$0x1] =	stream.indirect_vreg.gather [hbm4b:s3+s1], $0x80, v3, vm0, $0xb8;
	[tilespmem:$0x8080] =	vst v63  }
0x10b: {  	v3 =	vld [tilespmem:$0x60];
	_ =	sdelay $0x4  }
0x10c: {  	v54 =	vshll.u32 v3, $0x1  }
0x10d: {  	v3 =	vand.u32 $0x7, v3;
	v4 =	vand.u32 $0xFFFFFFF0, v54  }
0x10e: {  	v3 =	vor.u32 v3, v4  }
0x10f: {  	v4 =	vperm.xlane v3, v0;
	_ =	sdelay $0x1  }
0x110: {  	v3 =	vperm.xlane v3, v2;
	v4 =	vadd.s32 v1, v4;
	_ =	sdelay $0x1  }
0x111: {  	v3 =	vadd.s32 v1, v3;
	_ =	sdelay $0x2  }
0x112: {  	[tilespmem:s26], [sflag:$0x1] =	stream.indirect_vreg.gather [hbm4b:s3+s1], $0x80, v4, vm0, $0xb8;
	[tilespmem:$0x8080] =	vst v63  }
0x113: {  	_ = 	snop  }
0x114: {  	[tilespmem:s28], [sflag:$0x1] =	stream.indirect_vreg.gather [hbm4b:s3+s1], $0x80, v3, vm0, $0xb8;
	[tilespmem:$0x8080] =	vst v63  }
0x115: {  	v3 =	vld [tilespmem:$0x70];
	_ =	sdelay $0x4  }
0x116: {  	v55 =	vshll.u32 v3, $0x1  }
0x117: {  	v3 =	vand.u32 $0x7, v3;
	v4 =	vand.u32 $0xFFFFFFF0, v55  }
0x118: {  	v3 =	vor.u32 v3, v4  }
0x119: {  	v4 =	vperm.xlane v3, v0;
	_ =	sdelay $0x1  }
0x11a: {  	v3 =	vperm.xlane v3, v2;
	v4 =	vadd.s32 v1, v4;
	_ =	sdelay $0x1  }
0x11b: {  	v3 =	vadd.s32 v1, v3;
	_ =	sdelay $0x2  }
0x11c: {  	[tilespmem:s29], [sflag:$0x1] =	stream.indirect_vreg.gather [hbm4b:s3+s1], $0x80, v4, vm0, $0xb8;
	[tilespmem:$0x8080] =	vst v63  }
0x11d: {  	_ = 	snop  }
0x11e: {  	[tilespmem:s30], [sflag:$0x1] =	stream.indirect_vreg.gather [hbm4b:s3+s1], $0x80, v3, vm0, $0xb8;
	[tilespmem:$0x8080] =	vst v63  }
0x11f: {  	_ =	swait.ge [sflag:s31], $0x8000  }
0x120: {  	[sflag:s31] =	ssyncset.done $0x0  }
0x121: {  	[sflag:s31] =	ssyncadd.s32 $0xFFFF8000  }
0x122: {  	[hbm4b:s9+s1] =	stream.linear.scatter [tilespmem:s14], [sflag:$0x2], $0x8000, $0x38;
	[tilespmem:$0x8080] =	vst v63  }
0x123: {  	_ =	swait.ge [sflag:s13], $0x8000  }
0x124: {  	[sflag:s13] =	ssyncset.done $0x0  }
0x125: {  	[sflag:s13] =	ssyncadd.s32 $0xFFFF8000  }
0x126: {  	[tilespmem:s1], [sflag:$0x2] =	stream.linear.gather [hbm4b:s10+s1], $0x80, $0x38;
	[tilespmem:$0x8080] =	vst v63  }
0x127: {  	_ =	swait.ge [sflag:s13], $0x80  }
0x128: {  	[sflag:s13] =	ssyncset.done $0x0  }
0x129: {  	[sflag:s13] =	ssyncadd.s32 $0xFFFFFF80  }
0x12a: {  	v3 =	vld [tilespmem:$0x0];
	_ =	sdelay $0x4  }
0x12b: {  	v56 =	vshll.u32 v3, $0x1  }
0x12c: {  	v3 =	vand.u32 $0x7, v3;
	v4 =	vand.u32 $0xFFFFFFF0, v56  }
0x12d: {  	v3 =	vor.u32 v3, v4  }
0x12e: {  	v4 =	vperm.xlane v3, v0;
	_ =	sdelay $0x1  }
0x12f: {  	v3 =	vperm.xlane v3, v2;
	v4 =	vadd.s32 v1, v4;
	_ =	sdelay $0x1  }
0x130: {  	v3 =	vadd.s32 v1, v3;
	_ =	sdelay $0x2  }
0x131: {  	[tilespmem:s14], [sflag:$0x1] =	stream.indirect_vreg.gather [hbm4b:s3+s1], $0x80, v4, vm0, $0xb8;
	[tilespmem:$0x8080] =	vst v63  }
0x132: {  	_ = 	snop  }
0x133: {  	[tilespmem:s15], [sflag:$0x1] =	stream.indirect_vreg.gather [hbm4b:s3+s1], $0x80, v3, vm0, $0xb8;
	[tilespmem:$0x8080] =	vst v63  }
0x134: {  	v3 =	vld [tilespmem:$0x10];
	_ =	sdelay $0x4  }
0x135: {  	v57 =	vshll.u32 v3, $0x1  }
0x136: {  	v3 =	vand.u32 $0x7, v3;
	v4 =	vand.u32 $0xFFFFFFF0, v57  }
0x137: {  	v3 =	vor.u32 v3, v4  }
0x138: {  	v4 =	vperm.xlane v3, v0;
	_ =	sdelay $0x1  }
0x139: {  	v3 =	vperm.xlane v3, v2;
	v4 =	vadd.s32 v1, v4;
	_ =	sdelay $0x1  }
0x13a: {  	v3 =	vadd.s32 v1, v3;
	_ =	sdelay $0x2  }
0x13b: {  	[tilespmem:s16], [sflag:$0x1] =	stream.indirect_vreg.gather [hbm4b:s3+s1], $0x80, v4, vm0, $0xb8;
	[tilespmem:$0x8080] =	vst v63  }
0x13c: {  	_ = 	snop  }
0x13d: {  	[tilespmem:s17], [sflag:$0x1] =	stream.indirect_vreg.gather [hbm4b:s3+s1], $0x80, v3, vm0, $0xb8;
	[tilespmem:$0x8080] =	vst v63  }
0x13e: {  	v3 =	vld [tilespmem:$0x20];
	_ =	sdelay $0x4  }
0x13f: {  	v58 =	vshll.u32 v3, $0x1  }
0x140: {  	v3 =	vand.u32 $0x7, v3;
	v4 =	vand.u32 $0xFFFFFFF0, v58  }
0x141: {  	v3 =	vor.u32 v3, v4  }
0x142: {  	v4 =	vperm.xlane v3, v0;
	_ =	sdelay $0x1  }
0x143: {  	v3 =	vperm.xlane v3, v2;
	v4 =	vadd.s32 v1, v4;
	_ =	sdelay $0x1  }
0x144: {  	v3 =	vadd.s32 v1, v3;
	_ =	sdelay $0x2  }
0x145: {  	[tilespmem:s18], [sflag:$0x1] =	stream.indirect_vreg.gather [hbm4b:s3+s1], $0x80, v4, vm0, $0xb8;
	[tilespmem:$0x8080] =	vst v63  }
0x146: {  	_ = 	snop  }
0x147: {  	[tilespmem:s19], [sflag:$0x1] =	stream.indirect_vreg.gather [hbm4b:s3+s1], $0x80, v3, vm0, $0xb8;
	[tilespmem:$0x8080] =	vst v63  }
0x148: {  	v3 =	vld [tilespmem:$0x30];
	_ =	sdelay $0x4  }
0x149: {  	v59 =	vshll.u32 v3, $0x1  }
0x14a: {  	v3 =	vand.u32 $0x7, v3;
	v4 =	vand.u32 $0xFFFFFFF0, v59  }
0x14b: {  	v3 =	vor.u32 v3, v4  }
0x14c: {  	v4 =	vperm.xlane v3, v0;
	_ =	sdelay $0x1  }
0x14d: {  	v3 =	vperm.xlane v3, v2;
	v4 =	vadd.s32 v1, v4;
	_ =	sdelay $0x1  }
0x14e: {  	v3 =	vadd.s32 v1, v3;
	_ =	sdelay $0x2  }
0x14f: {  	[tilespmem:s20], [sflag:$0x1] =	stream.indirect_vreg.gather [hbm4b:s3+s1], $0x80, v4, vm0, $0xb8;
	[tilespmem:$0x8080] =	vst v63  }
0x150: {  	_ = 	snop  }
0x151: {  	[tilespmem:s21], [sflag:$0x1] =	stream.indirect_vreg.gather [hbm4b:s3+s1], $0x80, v3, vm0, $0xb8;
	[tilespmem:$0x8080] =	vst v63  }
0x152: {  	v3 =	vld [tilespmem:$0x40];
	_ =	sdelay $0x4  }
0x153: {  	v60 =	vshll.u32 v3, $0x1  }
0x154: {  	v3 =	vand.u32 $0x7, v3;
	v4 =	vand.u32 $0xFFFFFFF0, v60  }
0x155: {  	v3 =	vor.u32 v3, v4  }
0x156: {  	v4 =	vperm.xlane v3, v0;
	_ =	sdelay $0x1  }
0x157: {  	v3 =	vperm.xlane v3, v2;
	v4 =	vadd.s32 v1, v4;
	_ =	sdelay $0x1  }
0x158: {  	v3 =	vadd.s32 v1, v3;
	_ =	sdelay $0x2  }
0x159: {  	[tilespmem:s22], [sflag:$0x1] =	stream.indirect_vreg.gather [hbm4b:s3+s1], $0x80, v4, vm0, $0xb8;
	[tilespmem:$0x8080] =	vst v63  }
0x15a: {  	_ = 	snop  }
0x15b: {  	[tilespmem:s23], [sflag:$0x1] =	stream.indirect_vreg.gather [hbm4b:s3+s1], $0x80, v3, vm0, $0xb8;
	[tilespmem:$0x8080] =	vst v63  }
0x15c: {  	v3 =	vld [tilespmem:$0x50];
	_ =	sdelay $0x4  }
0x15d: {  	v61 =	vshll.u32 v3, $0x1  }
0x15e: {  	v3 =	vand.u32 $0x7, v3;
	v4 =	vand.u32 $0xFFFFFFF0, v61  }
0x15f: {  	v3 =	vor.u32 v3, v4  }
0x160: {  	v4 =	vperm.xlane v3, v0;
	_ =	sdelay $0x1  }
0x161: {  	v3 =	vperm.xlane v3, v2;
	v4 =	vadd.s32 v1, v4;
	_ =	sdelay $0x1  }
0x162: {  	v3 =	vadd.s32 v1, v3;
	_ =	sdelay $0x2  }
0x163: {  	[tilespmem:s24], [sflag:$0x1] =	stream.indirect_vreg.gather [hbm4b:s3+s1], $0x80, v4, vm0, $0xb8;
	[tilespmem:$0x8080] =	vst v63  }
0x164: {  	_ = 	snop  }
0x165: {  	[tilespmem:s25], [sflag:$0x1] =	stream.indirect_vreg.gather [hbm4b:s3+s1], $0x80, v3, vm0, $0xb8;
	[tilespmem:$0x8080] =	vst v63  }
0x166: {  	v3 =	vld [tilespmem:$0x60];
	_ =	sdelay $0x4  }
0x167: {  	v62 =	vshll.u32 v3, $0x1  }
0x168: {  	v3 =	vand.u32 $0x7, v3;
	v4 =	vand.u32 $0xFFFFFFF0, v62  }
0x169: {  	v3 =	vor.u32 v3, v4  }
0x16a: {  	v4 =	vperm.xlane v3, v0;
	_ =	sdelay $0x1  }
0x16b: {  	v3 =	vperm.xlane v3, v2;
	v4 =	vadd.s32 v1, v4;
	_ =	sdelay $0x1  }
0x16c: {  	v3 =	vadd.s32 v1, v3;
	_ =	sdelay $0x2  }
0x16d: {  	[tilespmem:s26], [sflag:$0x1] =	stream.indirect_vreg.gather [hbm4b:s3+s1], $0x80, v4, vm0, $0xb8;
	[tilespmem:$0x8080] =	vst v63  }
0x16e: {  	_ = 	snop  }
0x16f: {  	[tilespmem:s28], [sflag:$0x1] =	stream.indirect_vreg.gather [hbm4b:s3+s1], $0x80, v3, vm0, $0xb8;
	[tilespmem:$0x8080] =	vst v63  }
0x170: {  	v3 =	vld [tilespmem:$0x70];
	_ =	sdelay $0x4  }
0x171: {  	v63 =	vshll.u32 v3, $0x1  }
0x172: {  	v3 =	vand.u32 $0x7, v3;
	v4 =	vand.u32 $0xFFFFFFF0, v63  }
0x173: {  	v3 =	vor.u32 v3, v4  }
0x174: {  	v4 =	vperm.xlane v3, v0;
	_ =	sdelay $0x1  }
0x175: {  	v3 =	vperm.xlane v3, v2;
	v4 =	vadd.s32 v1, v4;
	_ =	sdelay $0x1  }
0x176: {  	v3 =	vadd.s32 v1, v3;
	_ =	sdelay $0x2  }
0x177: {  	[tilespmem:s29], [sflag:$0x1] =	stream.indirect_vreg.gather [hbm4b:s3+s1], $0x80, v4, vm0, $0xb8;
	[tilespmem:$0x8080] =	vst v63  }
0x178: {  	_ = 	snop  }
0x179: {  	[tilespmem:s30], [sflag:$0x1] =	stream.indirect_vreg.gather [hbm4b:s3+s1], $0x80, v3, vm0, $0xb8;
	[tilespmem:$0x8080] =	vst v63  }
0x17a: {  	_ =	swait.ge [sflag:s31], $0x8000  }
0x17b: {  	p0 =	sne.s32 s12, $0x1;
	[sflag:s31] =	ssyncset.done $0x0  }
.Ltmp0:
0x17c: {  	[sflag:s31] =	ssyncadd.s32 $0xFFFF8000;
	(pc) =	sbr.rel @p0 .LBB2_1-.Ltmp0, $4  }
0x17d: {  	[hbm4b:s11+s1] =	stream.linear.scatter [tilespmem:s14], [sflag:$0x2], $0x8000, $0x38;
	[tilespmem:$0x8080] =	vst v63  }
0x17e: {  	_ =	swait.ge [sflag:s13], $0x8000  }
0x17f: {  	[sflag:s13] =	ssyncset.done $0x0  }
0x180: {  	s12 =	sadd.s32 $0xFFFFFFFF, s12;
	[sflag:s13] =	ssyncadd.s32 $0xFFFF8000  }
0x181: {  	_ =	sfence.sel $0x180000  }
0x182: {  	[bflag:$0x0] =	sbarrier.arrive $0xFFFF  }
0x183: {  	p0 =	sne.s32 s2, $0x0;
	_ =	strace $0x90000050  }
0x184: {  	s0 =	sadd.s32 @!p0 $0x100000, s0;
	[bflag:$0x2] =	sbarrier.arrive $0xFFFF  }
0x185: {  	[sflag:s0] =	ssyncadd.tile.s32 @!p0 $0x1;
	_ =	shalt  }
.Lfunc_end2:
_tile_overlayer_lowered:
.L_overlay_start_2:
0x186: {  	(tag) =	ssettag $0x2  }
0x187: {  	s0 =	rddreg [dreg:$0x0];
	s2 =	stileid.u32  }
0x188: {  	s1 =	rddreg [dreg:$0x1];
	p0 =	sne.s32 s2, $0x0  }
0x189: {  	s3 =	rddreg [dreg:$0x2];
	[bflag:$0x3] =	sbarrier.arrive $0xFFFF;
	s2 =	simm.s32 @!p0 $0x1C02  }
0x18a: {  	[timem:s3], [sflag:s2] =	dma.local @!p0 [hbm:s0], s1  }
0x18b: {  	s0 =	simm.s32 @!p0 $0x2  }
0x18c: {  	_ =	swait.ge @!p0 [sflag:s0], s1  }
0x18d: {  	s1 =	ssub.s32 @!p0 $0x0, s1;
	[sflag:s0] =	ssyncset.done @!p0 $0x0  }
0x18e: {  	[sflag:s0] =	ssyncadd.s32 @!p0 s1  }
0x18f: {  	[bflag:$0x3] =	sbarrier.arrive $0xFFFF  }
0x190: {  	_ =	shalt  }

</sc_bundles>
